<compile_context>
chip_gen: v7x
topology: tpu7x:2x2x1
jax: 0.10.2.dev20260603
libtpu: 0.0.44.dev20260713+nightly
codegen_flags: <defaults>
</compile_context>

<pallas_src>
import functools

import jax
import jax.numpy as jnp
from jax import lax
from jax.experimental import pallas as pl
from jax.experimental.pallas import tpu as pltpu
from jax.experimental.pallas import tpu_sc as plsc

_N, _E, _D = 10000, 320000, 128
_NC, _NS = 2, 16
_NW = _NC * _NS
_EPW = _E // _NW
_K = 80
_NB = _EPW // _K
_NBC = 25
_NCH = _NB // _NBC
_NR = 3
_ZR = 80
_NZC = _N // _ZR
_ZQ = -(-_NZC // _NS)


def _sc_gather_segsum(x, snd3, rcv3):
    mesh = plsc.VectorSubcoreMesh(core_axis_name="c", subcore_axis_name="s")

    @functools.partial(
        pl.kernel,
        out_type=jax.ShapeDtypeStruct((_NC, _N, _D), jnp.float32),
        mesh=mesh,
        scratch_types=[
            pltpu.VMEM((_NBC, _K), jnp.int32),
            pltpu.VMEM((2, _NBC, _K), jnp.int32),
            pltpu.VMEM((_NR, _K, _D), jnp.float32),
            pltpu.VMEM_SHARED((_N, _D), jnp.float32),
            pltpu.SemaphoreType.DMA((_NR, 2)),
            pltpu.SemaphoreType.DMA((_NR,)),
            pltpu.SemaphoreType.DMA,
        ],
    )
    def k(x_hbm, snd_hbm, rcv_hbm, out_hbm,
          snd_v, rcv_v, bufs, agg_sh, gsem, ssem, zsem):
        c = lax.axis_index("c")
        s = lax.axis_index("s")
        wid = s * _NC + c

        _KH = _K // 2

        def g_start(j, b):
            pltpu.async_copy(x_hbm.at[snd_v.at[j, pl.ds(0, _KH)]],
                             bufs.at[b, pl.ds(0, _KH)], gsem.at[b, 0])
            pltpu.async_copy(x_hbm.at[snd_v.at[j, pl.ds(_KH, _KH)]],
                             bufs.at[b, pl.ds(_KH, _KH)], gsem.at[b, 1])

        def g_wait(j, b):
            pltpu.make_async_copy(
                x_hbm.at[snd_v.at[j, pl.ds(0, _KH)]],
                bufs.at[b, pl.ds(0, _KH)], gsem.at[b, 0]).wait()
            pltpu.make_async_copy(
                x_hbm.at[snd_v.at[j, pl.ds(_KH, _KH)]],
                bufs.at[b, pl.ds(_KH, _KH)], gsem.at[b, 1]).wait()

        def s_start(j, b, e):
            pltpu.async_copy(bufs.at[b], agg_sh.at[rcv_v.at[e, j]],
                             ssem.at[b], add=True)

        def s_wait_global(g):
            b = lax.rem(g, _NR)
            jj = lax.rem(g, _NBC)
            ee = lax.rem(g // _NBC, 2)
            pltpu.make_async_copy(
                bufs.at[b], agg_sh.at[rcv_v.at[ee, jj]], ssem.at[b]).wait()

        @pl.loop(0, _ZR)
        def _(r):
            @pl.loop(0, _D, step=16)
            def _(cc):
                bufs[0, r, pl.ds(cc, 16)] = jnp.zeros((16,), jnp.float32)

        @pl.loop(0, _ZQ)
        def _(q):
            t = q * _NS + s

            @pl.when(t < _NZC)
            def _():
                pltpu.async_copy(bufs.at[0], agg_sh.at[pl.ds(t * _ZR, _ZR)],
                                 zsem)

        pltpu.sync_copy(snd_hbm.at[wid, 0], snd_v)
        pltpu.sync_copy(rcv_hbm.at[wid, 0], rcv_v.at[0])

        @pl.loop(1, _NR)
        def _(p):
            g_start(p, p)

        @pl.loop(0, _ZQ)
        def _(q):
            t = q * _NS + s

            @pl.when(t < _NZC)
            def _():
                pltpu.make_async_copy(
                    bufs.at[0], agg_sh.at[pl.ds(t * _ZR, _ZR)], zsem).wait()

        g_start(0, 0)

        plsc.subcore_barrier()

        @pl.loop(0, _NCH)
        def _(h):
            e = lax.rem(h, 2)

            @pl.when(h > 0)
            def _():
                pltpu.sync_copy(snd_hbm.at[wid, h], snd_v)
                pltpu.sync_copy(rcv_hbm.at[wid, h], rcv_v.at[e])

            @pl.loop(0, _NBC + 2)
            def _(p):
                g = h * _NBC + p

                @pl.when(p < _NBC)
                def _():
                    @pl.when(g >= _NR)
                    def _():
                        s_wait_global(g - _NR)
                        g_start(p, lax.rem(g, _NR))

                @pl.when(p >= 2)
                def _():
                    q = p - 2
                    bq = lax.rem(g - 2, _NR)
                    g_wait(q, bq)
                    s_start(q, bq, e)

        @pl.loop(_NB - _NR, _NB)
        def _(g):
            s_wait_global(g)

        plsc.subcore_barrier()

        @pl.loop(0, _ZQ)
        def _(q):
            t = q * _NS + s

            @pl.when(t < _NZC)
            def _():
                pltpu.async_copy(agg_sh.at[pl.ds(t * _ZR, _ZR)],
                                 out_hbm.at[c, pl.ds(t * _ZR, _ZR)], zsem)

        @pl.loop(0, _ZQ)
        def _(q):
            t = q * _NS + s

            @pl.when(t < _NZC)
            def _():
                pltpu.make_async_copy(
                    agg_sh.at[pl.ds(t * _ZR, _ZR)],
                    out_hbm.at[c, pl.ds(t * _ZR, _ZR)], zsem).wait()

    return k(x, snd3, rcv3)


def _resid_body(x_ref, r_ref, rb_ref, o_ref):
    o_ref[...] = jnp.dot(x_ref[...], r_ref[...],
                         preferred_element_type=jnp.float32,
                         precision=lax.Precision.HIGHEST) + rb_ref[...]


def _dense_proj_body(agg_ref, res_ref, w_ref, b_ref, o_ref):
    a = agg_ref[0] + agg_ref[1]
    h = jnp.dot(a, w_ref[...], preferred_element_type=jnp.float32,
                precision=lax.Precision.HIGHEST)
    o_ref[...] = jnp.maximum(h + b_ref[...], 0.0) + res_ref[...]


def _dense_id_body(agg_ref, x_ref, w_ref, b_ref, o_ref):
    a = agg_ref[0] + agg_ref[1]
    h = jnp.dot(a, w_ref[...], preferred_element_type=jnp.float32,
                precision=lax.Precision.HIGHEST)
    o_ref[...] = jnp.maximum(h + b_ref[...], 0.0) + x_ref[...]


_GB = 5
_BM = _N // _GB


def _resid(x, r, rb):
    return pl.pallas_call(
        _resid_body,
        out_shape=jax.ShapeDtypeStruct((_N, _D), jnp.float32),
        grid=(_GB,),
        in_specs=[
            pl.BlockSpec((_BM, _D), lambda i: (i, 0)),
            pl.BlockSpec((_D, _D), lambda i: (0, 0)),
            pl.BlockSpec((1, _D), lambda i: (0, 0)),
        ],
        out_specs=pl.BlockSpec((_BM, _D), lambda i: (i, 0)),
    )(x, r, rb)


def _dense_proj(agg2, res, w, b):
    return pl.pallas_call(
        _dense_proj_body,
        out_shape=jax.ShapeDtypeStruct((_N, _D), jnp.float32),
        grid=(_GB,),
        in_specs=[
            pl.BlockSpec((_NC, _BM, _D), lambda i: (0, i, 0)),
            pl.BlockSpec((_BM, _D), lambda i: (i, 0)),
            pl.BlockSpec((_D, _D), lambda i: (0, 0)),
            pl.BlockSpec((1, _D), lambda i: (0, 0)),
        ],
        out_specs=pl.BlockSpec((_BM, _D), lambda i: (i, 0)),
    )(agg2, res, w, b)


def _dense_id(agg2, x, w, b):
    return pl.pallas_call(
        _dense_id_body,
        out_shape=jax.ShapeDtypeStruct((_N, _D), jnp.float32),
        grid=(_GB,),
        in_specs=[
            pl.BlockSpec((_NC, _BM, _D), lambda i: (0, i, 0)),
            pl.BlockSpec((_BM, _D), lambda i: (i, 0)),
            pl.BlockSpec((_D, _D), lambda i: (0, 0)),
            pl.BlockSpec((1, _D), lambda i: (0, 0)),
        ],
        out_specs=pl.BlockSpec((_BM, _D), lambda i: (i, 0)),
    )(agg2, x, w, b)


def kernel(x, senders, receivers, W0, b0, W1, b1, W2, b2, R0, rb0, R2, rb2):
    snd3 = senders.reshape(_NW, _NCH, _NBC, _K)
    rcv3 = receivers.reshape(_NW, _NCH, _NBC, _K)
    b0r, b1r, b2r = b0.reshape(1, _D), b1.reshape(1, _D), b2.reshape(1, _D)
    rb0r, rb2r = rb0.reshape(1, _D), rb2.reshape(1, _D)

    agg = _sc_gather_segsum(x, snd3, rcv3)
    res0 = _resid(x, R0, rb0r)
    x1 = _dense_proj(agg, res0, W0, b0r)
    agg = _sc_gather_segsum(x1, snd3, rcv3)
    x2 = _dense_id(agg, x1, W1, b1r)
    agg = _sc_gather_segsum(x2, snd3, rcv3)
    res2 = _resid(x2, R2, rb2r)
    return _dense_proj(agg, res2, W2, b2r)

# --- scband reference (transcript-rebuilt; emitter-appended) ---
"""Pipeline reference for scband-gnnbody-38869454029190 (READ-ONLY COPY).

The authoritative reference and input builder live on the scoring server;
editing this copy changes nothing except your own understanding.
"""

import jax, jax.numpy as jnp
import numpy as np

N = 10000
E = 320000
D = 128


def setup_inputs(seed: int = 0) -> dict:
    key = jax.random.key(seed)
    ks = jax.random.split(key, 16)
    scale = 1.0 / np.sqrt(D)
    inp = {
        "x": jax.random.normal(ks[0], (N, D), dtype=jnp.float32),
        "senders": jax.random.randint(ks[1], (E,), 0, N, dtype=jnp.int32),
        "receivers": jnp.sort(jax.random.randint(ks[2], (E,), 0, N, dtype=jnp.int32)),
        # GNNLayer params (kernel shape (in, out) like nnx.Linear)
        "W0": jax.random.normal(ks[3], (D, D), dtype=jnp.float32) * scale,
        "b0": jnp.zeros((D,), dtype=jnp.float32),
        "W1": jax.random.normal(ks[4], (D, D), dtype=jnp.float32) * scale,
        "b1": jnp.zeros((D,), dtype=jnp.float32),
        "W2": jax.random.normal(ks[5], (D, D), dtype=jnp.float32) * scale,
        "b2": jnp.zeros((D,), dtype=jnp.float32),
        # residual projections (first and last layer only; middle layer uses identity)
        "R0": jax.random.normal(ks[6], (D, D), dtype=jnp.float32) * scale,
        "rb0": jnp.zeros((D,), dtype=jnp.float32),
        "R2": jax.random.normal(ks[7], (D, D), dtype=jnp.float32) * scale,
        "rb2": jnp.zeros((D,), dtype=jnp.float32),
    }
    return inp


def _gnn_layer(x, senders, receivers, W, b):
    # message passing: gather sender features, scatter-add to receivers, then dense + relu
    m = jnp.take(x, senders, axis=0)
    agg = jax.ops.segment_sum(m, receivers, num_segments=N)
    return jax.nn.relu(agg @ W + b)


def reference(x, senders, receivers, W0, b0, W1, b1, W2, b2, R0, rb0, R2, rb2):
    # layer 0: in_dim -> hidden_dim, residual via projection
    h = _gnn_layer(x, senders, receivers, W0, b0)
    h = h + (x @ R0 + rb0)
    x = h
    # layer 1: hidden_dim -> hidden_dim, identity residual
    h = _gnn_layer(x, senders, receivers, W1, b1)
    h = h + x
    x = h
    # layer 2: hidden_dim -> out_dim, residual via projection
    h = _gnn_layer(x, senders, receivers, W2, b2)
    h = h + (x @ R2 + rb2)
    return h

if __name__ == "__main__":
    import jax
    _d = setup_inputs()
    print(jax.jit(kernel)(*tuple(_d.values())))

</pallas_src>

<mosaic_0001>
#map = affine_map<(d0, d1) -> (0, 0)>
#map1 = affine_map<(d0, d1) -> (0, 0, 0, 0)>
#map2 = affine_map<(d0, d1) -> (0, 0, 0)>
module attributes {stable_mosaic.version = 14 : i64} {
  func.func @k(%arg0: i32, %arg1: i32, %arg2: memref<10000x128xf32, #tpu.memory_space<hbm>>, %arg3: memref<32x5x25x80xi32, #tpu.memory_space<hbm>>, %arg4: memref<32x5x25x80xi32, #tpu.memory_space<hbm>>, %arg5: memref<2x10000x128xf32, #tpu.memory_space<hbm>>, %arg6: memref<25x80xi32, #tpu.memory_space<vmem>>, %arg7: memref<2x25x80xi32, #tpu.memory_space<vmem>>, %arg8: memref<3x80x128xf32, #tpu.memory_space<vmem>>, %arg9: memref<10000x128xf32, #tpu.memory_space<vmem_shared>>, %arg10: memref<3x2x!tpu.dma_semaphore, #tpu.memory_space<semaphore_mem>>, %arg11: memref<3x!tpu.dma_semaphore, #tpu.memory_space<semaphore_mem>>, %arg12: memref<!tpu.dma_semaphore, #tpu.memory_space<semaphore_mem>>) attributes {dimension_semantics = [#tpu.dimension_semantics<core_parallel>, #tpu.dimension_semantics<subcore_parallel>], iteration_bounds = array<i64: 2, 16>, scalar_prefetch = 0 : i64, scratch_operands = 7 : i64, tpu.core_type = #tpu.core_type<sc_vector_subcore>, window_params = [{transform_indices = #map}, {transform_indices = #map1}, {transform_indices = #map1}, {transform_indices = #map2}]} {
    %mul3A = arith.constant 2 : i32
    %mul3A_0 = arith.muli %arg1, %mul3A : i32
    %add3A = arith.addi %mul3A_0, %arg0 : i32
    %scan3A = arith.constant 0 : i32
    %scan3A_1 = arith.constant 80 : i32
    %scan3A_2 = arith.addi %scan3A, %scan3A_1 : i32
    %scan3A_3 = arith.constant 1 : i32
    scf.for %scan3A_74 = %scan3A to %scan3A_2 step %scan3A_3  : i32 {
      %mul3A_75 = arith.constant 1 : i32
      %mul3A_76 = arith.muli %scan3A_74, %mul3A_75 : i32
      %add3A_77 = arith.constant 0 : i32
      %add3A_78 = arith.addi %add3A_77, %mul3A_76 : i32
      %scan3A_79 = arith.constant 0 : i32
      %scan3A_80 = arith.constant 8 : i32
      %scan3A_81 = arith.addi %scan3A_79, %scan3A_80 : i32
      %scan3A_82 = arith.constant 1 : i32
      scf.for %scan3A_84 = %scan3A_79 to %scan3A_81 step %scan3A_82  : i32 {
        %mul3A_85 = arith.constant 16 : i32
        %mul3A_86 = arith.muli %scan3A_84, %mul3A_85 : i32
        %add3A_87 = arith.constant 0 : i32
        %add3A_88 = arith.addi %add3A_87, %mul3A_86 : i32
        %broadcast_in_dim3A = arith.constant 0.000000e+00 : f32
        %broadcast_in_dim3A_89 = vector.broadcast %broadcast_in_dim3A : f32 to vector<16xf32>
        %swap3A = arith.constant 0 : i32
        %swap3A_90 = arith.index_cast %swap3A : i32 to index
        %swap3A_91 = arith.index_cast %add3A_78 : i32 to index
        %swap3A_92 = arith.index_cast %add3A_88 : i32 to index
        %swap3A_93 = tpu.vector_load %arg8[%swap3A_90, %swap3A_91, %swap3A_92] {strides = array<i32>} : memref<3x80x128xf32, #tpu.memory_space<vmem>>, vector<1x1x16xf32>,
        %swap3A_94 = vector.shape_cast %swap3A_93 : vector<1x1x16xf32> to vector<16xf32>
        %swap3A_95 = vector.shape_cast %broadcast_in_dim3A_89 : vector<16xf32> to vector<1x1x16xf32>
        tpu.vector_store %arg8[%swap3A_90, %swap3A_91, %swap3A_92], %swap3A_95 {strides = array<i32>} : memref<3x80x128xf32, #tpu.memory_space<vmem>>, vector<1x1x16xf32>,
      }
      %scan3A_83 = arith.constant 8 : i32
    }
    %scan3A_4 = arith.constant 80 : i32
    %scan3A_5 = arith.constant 0 : i32
    %scan3A_6 = arith.constant 8 : i32
    %scan3A_7 = arith.addi %scan3A_5, %scan3A_6 : i32
    %scan3A_8 = arith.constant 1 : i32
    scf.for %scan3A_74 = %scan3A_5 to %scan3A_7 step %scan3A_8  : i32 {
      %mul3A_75 = arith.constant 1 : i32
      %mul3A_76 = arith.muli %scan3A_74, %mul3A_75 : i32
      %add3A_77 = arith.constant 0 : i32
      %add3A_78 = arith.addi %add3A_77, %mul3A_76 : i32
      %mul3A_79 = arith.constant 16 : i32
      %mul3A_80 = arith.muli %add3A_78, %mul3A_79 : i32
      %add3A_81 = arith.addi %mul3A_80, %arg1 : i32
      %lt3A = arith.constant 125 : i32
      %lt3A_82 = arith.cmpi slt, %add3A_81, %lt3A : i32
      %convert_element_type3A = arith.extui %lt3A_82 : i1 to i32
      %cond3A = arith.constant 0 : i32
      %cond3A_83 = arith.cmpi ne, %convert_element_type3A, %cond3A : i32
      scf.if %cond3A_83 {
        %mul3A_84 = arith.constant 80 : i32
        %mul3A_85 = arith.muli %add3A_81, %mul3A_84 : i32
        %dma_start3A_86 = arith.constant 0 : i32
        %dma_start3A_87 = arith.constant 0 : i32
        %dma_start3A_88 = arith.constant 0 : i32
        %dma_start3A_89 = tpu.memref_slice %arg8[%dma_start3A_86, %dma_start3A_87, %dma_start3A_88] : memref<3x80x128xf32, #tpu.memory_space<vmem>> -> memref<1x80x128xf32, #tpu.memory_space<vmem>>
        %dma_start3A_90 = tpu.memref_squeeze %dma_start3A_89 : memref<1x80x128xf32, #tpu.memory_space<vmem>> -> memref<80x128xf32, #tpu.memory_space<vmem>>
        %dma_start3A_91 = arith.constant 0 : i32
        %dma_start3A_92 = tpu.memref_slice %arg9[%mul3A_85, %dma_start3A_91] : memref<10000x128xf32, #tpu.memory_space<vmem_shared>> -> memref<80x128xf32, #tpu.memory_space<vmem_shared>>
        %dma_start3A_93 = arith.constant 0 : i32
        %dma_start3A_94 = tpu.memref_slice %arg9[%mul3A_85, %dma_start3A_93] : memref<10000x128xf32, #tpu.memory_space<vmem_shared>> -> memref<80x128xf32, #tpu.memory_space<vmem_shared>>
        %dma_start3A_95 = arith.constant 0 : i32
        %dma_start3A_96 = arith.constant 0 : i32
        %dma_start3A_97 = tpu.memref_slice %arg8[%dma_start3A_86, %dma_start3A_95, %dma_start3A_96] : memref<3x80x128xf32, #tpu.memory_space<vmem>> -> memref<1x80x128xf32, #tpu.memory_space<vmem>>
        %dma_start3A_98 = tpu.memref_squeeze %dma_start3A_97 : memref<1x80x128xf32, #tpu.memory_space<vmem>> -> memref<80x128xf32, #tpu.memory_space<vmem>>
        tpu.enqueue_dma source(%dma_start3A_98 : memref<80x128xf32, #tpu.memory_space<vmem>>) target(%dma_start3A_94 : memref<80x128xf32, #tpu.memory_space<vmem_shared>>) target_semaphore(%arg12 : memref<!tpu.dma_semaphore, #tpu.memory_space<semaphore_mem>>)
      } else {
      }
    }
    %scan3A_9 = arith.constant 8 : i32
    %run_scoped3A = arith.constant 0 : i32
    "tpu.region"() ({
      %run_scoped3A_74 = tpu.sem_alloc : memref<!tpu.dma_semaphore, #tpu.memory_space<semaphore_mem>>
      %dma_start3A_75 = arith.constant 0 : i32
      %dma_start3A_76 = arith.constant 0 : i32
      %dma_start3A_77 = tpu.memref_slice %arg3[%add3A, %run_scoped3A, %dma_start3A_75, %dma_start3A_76] : memref<32x5x25x80xi32, #tpu.memory_space<hbm>> -> memref<1x1x25x80xi32, #tpu.memory_space<hbm>>
      %dma_start3A_78 = tpu.memref_squeeze %dma_start3A_77 : memref<1x1x25x80xi32, #tpu.memory_space<hbm>> -> memref<25x80xi32, #tpu.memory_space<hbm>>
      %dma_start3A_79 = arith.constant 0 : i32
      %dma_start3A_80 = arith.constant 0 : i32
      %dma_start3A_81 = tpu.memref_slice %arg3[%add3A, %run_scoped3A, %dma_start3A_79, %dma_start3A_80] : memref<32x5x25x80xi32, #tpu.memory_space<hbm>> -> memref<1x1x25x80xi32, #tpu.memory_space<hbm>>
      %dma_start3A_82 = tpu.memref_squeeze %dma_start3A_81 : memref<1x1x25x80xi32, #tpu.memory_space<hbm>> -> memref<25x80xi32, #tpu.memory_space<hbm>>
      tpu.enqueue_dma source(%dma_start3A_82 : memref<25x80xi32, #tpu.memory_space<hbm>>) target(%arg6 : memref<25x80xi32, #tpu.memory_space<vmem>>) target_semaphore(%run_scoped3A_74 : memref<!tpu.dma_semaphore, #tpu.memory_space<semaphore_mem>>)
      %dma_wait3A = arith.constant 0 : i32
      %dma_wait3A_83 = arith.constant 0 : i32
      %dma_wait3A_84 = tpu.memref_slice %arg3[%add3A, %run_scoped3A, %dma_wait3A, %dma_wait3A_83] : memref<32x5x25x80xi32, #tpu.memory_space<hbm>> -> memref<1x1x25x80xi32, #tpu.memory_space<hbm>>
      %dma_wait3A_85 = tpu.memref_squeeze %dma_wait3A_84 : memref<1x1x25x80xi32, #tpu.memory_space<hbm>> -> memref<25x80xi32, #tpu.memory_space<hbm>>
      %dma_wait3A_86 = arith.constant 0 : i32
      %dma_wait3A_87 = arith.constant 0 : i32
      %dma_wait3A_88 = tpu.memref_slice %arg3[%add3A, %run_scoped3A, %dma_wait3A_86, %dma_wait3A_87] : memref<32x5x25x80xi32, #tpu.memory_space<hbm>> -> memref<1x1x25x80xi32, #tpu.memory_space<hbm>>
      %dma_wait3A_89 = tpu.memref_squeeze %dma_wait3A_88 : memref<1x1x25x80xi32, #tpu.memory_space<hbm>> -> memref<25x80xi32, #tpu.memory_space<hbm>>
      tpu.wait_dma2 semaphore(%run_scoped3A_74 : memref<!tpu.dma_semaphore, #tpu.memory_space<semaphore_mem>>) src(%dma_wait3A_89 : memref<25x80xi32, #tpu.memory_space<hbm>>) dst(%arg6 : memref<25x80xi32, #tpu.memory_space<vmem>>)
      tpu.yield
    }) : () -> ()
    %run_scoped3A_10 = arith.constant 0 : i32
    %run_scoped3A_11 = arith.constant 0 : i32
    "tpu.region"() ({
      %run_scoped3A_74 = tpu.sem_alloc : memref<!tpu.dma_semaphore, #tpu.memory_space<semaphore_mem>>
      %dma_start3A_75 = arith.constant 0 : i32
      %dma_start3A_76 = arith.constant 0 : i32
      %dma_start3A_77 = tpu.memref_slice %arg7[%run_scoped3A_11, %dma_start3A_75, %dma_start3A_76] : memref<2x25x80xi32, #tpu.memory_space<vmem>> -> memref<1x25x80xi32, #tpu.memory_space<vmem>>
      %dma_start3A_78 = tpu.memref_squeeze %dma_start3A_77 : memref<1x25x80xi32, #tpu.memory_space<vmem>> -> memref<25x80xi32, #tpu.memory_space<vmem>>
      %dma_start3A_79 = arith.constant 0 : i32
      %dma_start3A_80 = arith.constant 0 : i32
      %dma_start3A_81 = tpu.memref_slice %arg4[%add3A, %run_scoped3A_10, %dma_start3A_79, %dma_start3A_80] : memref<32x5x25x80xi32, #tpu.memory_space<hbm>> -> memref<1x1x25x80xi32, #tpu.memory_space<hbm>>
      %dma_start3A_82 = tpu.memref_squeeze %dma_start3A_81 : memref<1x1x25x80xi32, #tpu.memory_space<hbm>> -> memref<25x80xi32, #tpu.memory_space<hbm>>
      %dma_start3A_83 = arith.constant 0 : i32
      %dma_start3A_84 = arith.constant 0 : i32
      %dma_start3A_85 = tpu.memref_slice %arg7[%run_scoped3A_11, %dma_start3A_83, %dma_start3A_84] : memref<2x25x80xi32, #tpu.memory_space<vmem>> -> memref<1x25x80xi32, #tpu.memory_space<vmem>>
      %dma_start3A_86 = tpu.memref_squeeze %dma_start3A_85 : memref<1x25x80xi32, #tpu.memory_space<vmem>> -> memref<25x80xi32, #tpu.memory_space<vmem>>
      %dma_start3A_87 = arith.constant 0 : i32
      %dma_start3A_88 = arith.constant 0 : i32
      %dma_start3A_89 = tpu.memref_slice %arg4[%add3A, %run_scoped3A_10, %dma_start3A_87, %dma_start3A_88] : memref<32x5x25x80xi32, #tpu.memory_space<hbm>> -> memref<1x1x25x80xi32, #tpu.memory_space<hbm>>
      %dma_start3A_90 = tpu.memref_squeeze %dma_start3A_89 : memref<1x1x25x80xi32, #tpu.memory_space<hbm>> -> memref<25x80xi32, #tpu.memory_space<hbm>>
      tpu.enqueue_dma source(%dma_start3A_90 : memref<25x80xi32, #tpu.memory_space<hbm>>) target(%dma_start3A_86 : memref<25x80xi32, #tpu.memory_space<vmem>>) target_semaphore(%run_scoped3A_74 : memref<!tpu.dma_semaphore, #tpu.memory_space<semaphore_mem>>)
      %dma_wait3A = arith.constant 0 : i32
      %dma_wait3A_91 = arith.constant 0 : i32
      %dma_wait3A_92 = tpu.memref_slice %arg7[%run_scoped3A_11, %dma_wait3A, %dma_wait3A_91] : memref<2x25x80xi32, #tpu.memory_space<vmem>> -> memref<1x25x80xi32, #tpu.memory_space<vmem>>
      %dma_wait3A_93 = tpu.memref_squeeze %dma_wait3A_92 : memref<1x25x80xi32, #tpu.memory_space<vmem>> -> memref<25x80xi32, #tpu.memory_space<vmem>>
      %dma_wait3A_94 = arith.constant 0 : i32
      %dma_wait3A_95 = arith.constant 0 : i32
      %dma_wait3A_96 = tpu.memref_slice %arg4[%add3A, %run_scoped3A_10, %dma_wait3A_94, %dma_wait3A_95] : memref<32x5x25x80xi32, #tpu.memory_space<hbm>> -> memref<1x1x25x80xi32, #tpu.memory_space<hbm>>
      %dma_wait3A_97 = tpu.memref_squeeze %dma_wait3A_96 : memref<1x1x25x80xi32, #tpu.memory_space<hbm>> -> memref<25x80xi32, #tpu.memory_space<hbm>>
      %dma_wait3A_98 = arith.constant 0 : i32
      %dma_wait3A_99 = arith.constant 0 : i32
      %dma_wait3A_100 = tpu.memref_slice %arg7[%run_scoped3A_11, %dma_wait3A_98, %dma_wait3A_99] : memref<2x25x80xi32, #tpu.memory_space<vmem>> -> memref<1x25x80xi32, #tpu.memory_space<vmem>>
      %dma_wait3A_101 = tpu.memref_squeeze %dma_wait3A_100 : memref<1x25x80xi32, #tpu.memory_space<vmem>> -> memref<25x80xi32, #tpu.memory_space<vmem>>
      %dma_wait3A_102 = arith.constant 0 : i32
      %dma_wait3A_103 = arith.constant 0 : i32
      %dma_wait3A_104 = tpu.memref_slice %arg4[%add3A, %run_scoped3A_10, %dma_wait3A_102, %dma_wait3A_103] : memref<32x5x25x80xi32, #tpu.memory_space<hbm>> -> memref<1x1x25x80xi32, #tpu.memory_space<hbm>>
      %dma_wait3A_105 = tpu.memref_squeeze %dma_wait3A_104 : memref<1x1x25x80xi32, #tpu.memory_space<hbm>> -> memref<25x80xi32, #tpu.memory_space<hbm>>
      tpu.wait_dma2 semaphore(%run_scoped3A_74 : memref<!tpu.dma_semaphore, #tpu.memory_space<semaphore_mem>>) src(%dma_wait3A_105 : memref<25x80xi32, #tpu.memory_space<hbm>>) dst(%dma_wait3A_101 : memref<25x80xi32, #tpu.memory_space<vmem>>)
      tpu.yield
    }) : () -> ()
    %scan3A_12 = arith.constant 0 : i32
    %scan3A_13 = arith.constant 2 : i32
    %scan3A_14 = arith.addi %scan3A_12, %scan3A_13 : i32
    %scan3A_15 = arith.constant 1 : i32
    scf.for %scan3A_74 = %scan3A_12 to %scan3A_14 step %scan3A_15  : i32 {
      %mul3A_75 = arith.constant 1 : i32
      %mul3A_76 = arith.muli %scan3A_74, %mul3A_75 : i32
      %add3A_77 = arith.constant 1 : i32
      %add3A_78 = arith.addi %add3A_77, %mul3A_76 : i32
      %dma_start3A_79 = arith.constant 0 : i32
      %dma_start3A_80 = arith.constant 0 : i32
      %dma_start3A_81 = arith.constant 0 : i32
      %dma_start3A_82 = tpu.memref_slice %arg8[%add3A_78, %dma_start3A_80, %dma_start3A_81] : memref<3x80x128xf32, #tpu.memory_space<vmem>> -> memref<1x40x128xf32, #tpu.memory_space<vmem>>
      %dma_start3A_83 = tpu.memref_squeeze %dma_start3A_82 : memref<1x40x128xf32, #tpu.memory_space<vmem>> -> memref<40x128xf32, #tpu.memory_space<vmem>>
      %dma_start3A_84 = arith.constant 0 : i32
      %dma_start3A_85 = tpu.memref_slice %arg6[%add3A_78, %dma_start3A_84] : memref<25x80xi32, #tpu.memory_space<vmem>> -> memref<1x40xi32, #tpu.memory_space<vmem>>
      %dma_start3A_86 = tpu.memref_squeeze %dma_start3A_85 : memref<1x40xi32, #tpu.memory_space<vmem>> -> memref<40xi32, #tpu.memory_space<vmem>>
      %dma_start3A_87 = arith.constant 0 : i32
      %dma_start3A_88 = arith.constant 0 : i32
      %dma_start3A_89 = tpu.memref_slice %arg2[%dma_start3A_87, %dma_start3A_88] : memref<10000x128xf32, #tpu.memory_space<hbm>> -> memref<10000x128xf32, #tpu.memory_space<hbm>>
      %dma_start3A_90 = tpu.memref_slice %arg10[%add3A_78, %dma_start3A_79] : memref<3x2x!tpu.dma_semaphore, #tpu.memory_space<semaphore_mem>> -> memref<1x1x!tpu.dma_semaphore, #tpu.memory_space<semaphore_mem>>
      %dma_start3A_91 = tpu.memref_squeeze %dma_start3A_90 : memref<1x1x!tpu.dma_semaphore, #tpu.memory_space<semaphore_mem>> -> memref<!tpu.dma_semaphore, #tpu.memory_space<semaphore_mem>>
      tpu.enqueue_indirect_dma source(%dma_start3A_89 : memref<10000x128xf32, #tpu.memory_space<hbm>>) target(%dma_start3A_83 : memref<40x128xf32, #tpu.memory_space<vmem>>) offsets(%dma_start3A_86 : memref<40xi32, #tpu.memory_space<vmem>>) semaphore(%dma_start3A_91 : memref<!tpu.dma_semaphore, #tpu.memory_space<semaphore_mem>>)
      %dma_start3A_92 = arith.constant 1 : i32
      %dma_start3A_93 = arith.constant 40 : i32
      %dma_start3A_94 = arith.constant 0 : i32
      %dma_start3A_95 = tpu.memref_slice %arg8[%add3A_78, %dma_start3A_93, %dma_start3A_94] : memref<3x80x128xf32, #tpu.memory_space<vmem>> -> memref<1x40x128xf32, #tpu.memory_space<vmem>>
      %dma_start3A_96 = tpu.memref_squeeze %dma_start3A_95 : memref<1x40x128xf32, #tpu.memory_space<vmem>> -> memref<40x128xf32, #tpu.memory_space<vmem>>
      %dma_start3A_97 = arith.constant 40 : i32
      %dma_start3A_98 = tpu.memref_slice %arg6[%add3A_78, %dma_start3A_97] : memref<25x80xi32, #tpu.memory_space<vmem>> -> memref<1x40xi32, #tpu.memory_space<vmem>>
      %dma_start3A_99 = tpu.memref_squeeze %dma_start3A_98 : memref<1x40xi32, #tpu.memory_space<vmem>> -> memref<40xi32, #tpu.memory_space<vmem>>
      %dma_start3A_100 = arith.constant 0 : i32
      %dma_start3A_101 = arith.constant 0 : i32
      %dma_start3A_102 = tpu.memref_slice %arg2[%dma_start3A_100, %dma_start3A_101] : memref<10000x128xf32, #tpu.memory_space<hbm>> -> memref<10000x128xf32, #tpu.memory_space<hbm>>
      %dma_start3A_103 = tpu.memref_slice %arg10[%add3A_78, %dma_start3A_92] : memref<3x2x!tpu.dma_semaphore, #tpu.memory_space<semaphore_mem>> -> memref<1x1x!tpu.dma_semaphore, #tpu.memory_space<semaphore_mem>>
      %dma_start3A_104 = tpu.memref_squeeze %dma_start3A_103 : memref<1x1x!tpu.dma_semaphore, #tpu.memory_space<semaphore_mem>> -> memref<!tpu.dma_semaphore, #tpu.memory_space<semaphore_mem>>
      tpu.enqueue_indirect_dma source(%dma_start3A_102 : memref<10000x128xf32, #tpu.memory_space<hbm>>) target(%dma_start3A_96 : memref<40x128xf32, #tpu.memory_space<vmem>>) offsets(%dma_start3A_99 : memref<40xi32, #tpu.memory_space<vmem>>) semaphore(%dma_start3A_104 : memref<!tpu.dma_semaphore, #tpu.memory_space<semaphore_mem>>)
    }
    %scan3A_16 = arith.constant 2 : i32
    %scan3A_17 = arith.constant 0 : i32
    %scan3A_18 = arith.constant 8 : i32
    %scan3A_19 = arith.addi %scan3A_17, %scan3A_18 : i32
    %scan3A_20 = arith.constant 1 : i32
    scf.for %scan3A_74 = %scan3A_17 to %scan3A_19 step %scan3A_20  : i32 {
      %mul3A_75 = arith.constant 1 : i32
      %mul3A_76 = arith.muli %scan3A_74, %mul3A_75 : i32
      %add3A_77 = arith.constant 0 : i32
      %add3A_78 = arith.addi %add3A_77, %mul3A_76 : i32
      %mul3A_79 = arith.constant 16 : i32
      %mul3A_80 = arith.muli %add3A_78, %mul3A_79 : i32
      %add3A_81 = arith.addi %mul3A_80, %arg1 : i32
      %lt3A = arith.constant 125 : i32
      %lt3A_82 = arith.cmpi slt, %add3A_81, %lt3A : i32
      %convert_element_type3A = arith.extui %lt3A_82 : i1 to i32
      %cond3A = arith.constant 0 : i32
      %cond3A_83 = arith.cmpi ne, %convert_element_type3A, %cond3A : i32
      scf.if %cond3A_83 {
        %mul3A_84 = arith.constant 80 : i32
        %mul3A_85 = arith.muli %add3A_81, %mul3A_84 : i32
        %dma_wait3A = arith.constant 0 : i32
        %dma_wait3A_86 = arith.constant 0 : i32
        %dma_wait3A_87 = arith.constant 0 : i32
        %dma_wait3A_88 = tpu.memref_slice %arg8[%dma_wait3A, %dma_wait3A_86, %dma_wait3A_87] : memref<3x80x128xf32, #tpu.memory_space<vmem>> -> memref<1x80x128xf32, #tpu.memory_space<vmem>>
        %dma_wait3A_89 = tpu.memref_squeeze %dma_wait3A_88 : memref<1x80x128xf32, #tpu.memory_space<vmem>> -> memref<80x128xf32, #tpu.memory_space<vmem>>
        %dma_wait3A_90 = arith.constant 0 : i32
        %dma_wait3A_91 = tpu.memref_slice %arg9[%mul3A_85, %dma_wait3A_90] : memref<10000x128xf32, #tpu.memory_space<vmem_shared>> -> memref<80x128xf32, #tpu.memory_space<vmem_shared>>
        %dma_wait3A_92 = arith.constant 0 : i32
        %dma_wait3A_93 = tpu.memref_slice %arg9[%mul3A_85, %dma_wait3A_92] : memref<10000x128xf32, #tpu.memory_space<vmem_shared>> -> memref<80x128xf32, #tpu.memory_space<vmem_shared>>
        %dma_wait3A_94 = arith.constant 0 : i32
        %dma_wait3A_95 = arith.constant 0 : i32
        %dma_wait3A_96 = tpu.memref_slice %arg8[%dma_wait3A, %dma_wait3A_94, %dma_wait3A_95] : memref<3x80x128xf32, #tpu.memory_space<vmem>> -> memref<1x80x128xf32, #tpu.memory_space<vmem>>
        %dma_wait3A_97 = tpu.memref_squeeze %dma_wait3A_96 : memref<1x80x128xf32, #tpu.memory_space<vmem>> -> memref<80x128xf32, #tpu.memory_space<vmem>>
        tpu.wait_dma2 semaphore(%arg12 : memref<!tpu.dma_semaphore, #tpu.memory_space<semaphore_mem>>) src(%dma_wait3A_97 : memref<80x128xf32, #tpu.memory_space<vmem>>) dst(%dma_wait3A_93 : memref<80x128xf32, #tpu.memory_space<vmem_shared>>)
      } else {
      }
    }
    %scan3A_21 = arith.constant 8 : i32
    %dma_start3A = arith.constant 0 : i32
    %dma_start3A_22 = arith.constant 0 : i32
    %dma_start3A_23 = arith.constant 0 : i32
    %dma_start3A_24 = arith.constant 0 : i32
    %dma_start3A_25 = arith.constant 0 : i32
    %dma_start3A_26 = arith.constant 0 : i32
    %dma_start3A_27 = tpu.memref_slice %arg8[%dma_start3A_22, %dma_start3A_25, %dma_start3A_26] : memref<3x80x128xf32, #tpu.memory_space<vmem>> -> memref<1x40x128xf32, #tpu.memory_space<vmem>>
    %dma_start3A_28 = tpu.memref_squeeze %dma_start3A_27 : memref<1x40x128xf32, #tpu.memory_space<vmem>> -> memref<40x128xf32, #tpu.memory_space<vmem>>
    %dma_start3A_29 = arith.constant 0 : i32
    %dma_start3A_30 = tpu.memref_slice %arg6[%dma_start3A, %dma_start3A_29] : memref<25x80xi32, #tpu.memory_space<vmem>> -> memref<1x40xi32, #tpu.memory_space<vmem>>
    %dma_start3A_31 = tpu.memref_squeeze %dma_start3A_30 : memref<1x40xi32, #tpu.memory_space<vmem>> -> memref<40xi32, #tpu.memory_space<vmem>>
    %dma_start3A_32 = arith.constant 0 : i32
    %dma_start3A_33 = arith.constant 0 : i32
    %dma_start3A_34 = tpu.memref_slice %arg2[%dma_start3A_32, %dma_start3A_33] : memref<10000x128xf32, #tpu.memory_space<hbm>> -> memref<10000x128xf32, #tpu.memory_space<hbm>>
    %dma_start3A_35 = tpu.memref_slice %arg10[%dma_start3A_23, %dma_start3A_24] : memref<3x2x!tpu.dma_semaphore, #tpu.memory_space<semaphore_mem>> -> memref<1x1x!tpu.dma_semaphore, #tpu.memory_space<semaphore_mem>>
    %dma_start3A_36 = tpu.memref_squeeze %dma_start3A_35 : memref<1x1x!tpu.dma_semaphore, #tpu.memory_space<semaphore_mem>> -> memref<!tpu.dma_semaphore, #tpu.memory_space<semaphore_mem>>
    tpu.enqueue_indirect_dma source(%dma_start3A_34 : memref<10000x128xf32, #tpu.memory_space<hbm>>) target(%dma_start3A_28 : memref<40x128xf32, #tpu.memory_space<vmem>>) offsets(%dma_start3A_31 : memref<40xi32, #tpu.memory_space<vmem>>) semaphore(%dma_start3A_36 : memref<!tpu.dma_semaphore, #tpu.memory_space<semaphore_mem>>)
    %dma_start3A_37 = arith.constant 0 : i32
    %dma_start3A_38 = arith.constant 0 : i32
    %dma_start3A_39 = arith.constant 0 : i32
    %dma_start3A_40 = arith.constant 1 : i32
    %dma_start3A_41 = arith.constant 40 : i32
    %dma_start3A_42 = arith.constant 0 : i32
    %dma_start3A_43 = tpu.memref_slice %arg8[%dma_start3A_38, %dma_start3A_41, %dma_start3A_42] : memref<3x80x128xf32, #tpu.memory_space<vmem>> -> memref<1x40x128xf32, #tpu.memory_space<vmem>>
    %dma_start3A_44 = tpu.memref_squeeze %dma_start3A_43 : memref<1x40x128xf32, #tpu.memory_space<vmem>> -> memref<40x128xf32, #tpu.memory_space<vmem>>
    %dma_start3A_45 = arith.constant 40 : i32
    %dma_start3A_46 = tpu.memref_slice %arg6[%dma_start3A_37, %dma_start3A_45] : memref<25x80xi32, #tpu.memory_space<vmem>> -> memref<1x40xi32, #tpu.memory_space<vmem>>
    %dma_start3A_47 = tpu.memref_squeeze %dma_start3A_46 : memref<1x40xi32, #tpu.memory_space<vmem>> -> memref<40xi32, #tpu.memory_space<vmem>>
    %dma_start3A_48 = arith.constant 0 : i32
    %dma_start3A_49 = arith.constant 0 : i32
    %dma_start3A_50 = tpu.memref_slice %arg2[%dma_start3A_48, %dma_start3A_49] : memref<10000x128xf32, #tpu.memory_space<hbm>> -> memref<10000x128xf32, #tpu.memory_space<hbm>>
    %dma_start3A_51 = tpu.memref_slice %arg10[%dma_start3A_39, %dma_start3A_40] : memref<3x2x!tpu.dma_semaphore, #tpu.memory_space<semaphore_mem>> -> memref<1x1x!tpu.dma_semaphore, #tpu.memory_space<semaphore_mem>>
    %dma_start3A_52 = tpu.memref_squeeze %dma_start3A_51 : memref<1x1x!tpu.dma_semaphore, #tpu.memory_space<semaphore_mem>> -> memref<!tpu.dma_semaphore, #tpu.memory_space<semaphore_mem>>
    tpu.enqueue_indirect_dma source(%dma_start3A_50 : memref<10000x128xf32, #tpu.memory_space<hbm>>) target(%dma_start3A_44 : memref<40x128xf32, #tpu.memory_space<vmem>>) offsets(%dma_start3A_47 : memref<40xi32, #tpu.memory_space<vmem>>) semaphore(%dma_start3A_52 : memref<!tpu.dma_semaphore, #tpu.memory_space<semaphore_mem>>)
    %barrier3A = arith.constant 0 : index
    tpu.barrier barrier_id(%barrier3A)
    %scan3A_53 = arith.constant 0 : i32
    %scan3A_54 = arith.constant 5 : i32
    %scan3A_55 = arith.addi %scan3A_53, %scan3A_54 : i32
    %scan3A_56 = arith.constant 1 : i32
    scf.for %scan3A_74 = %scan3A_53 to %scan3A_55 step %scan3A_56  : i32 {
      %mul3A_75 = arith.constant 1 : i32
      %mul3A_76 = arith.muli %scan3A_74, %mul3A_75 : i32
      %add3A_77 = arith.constant 0 : i32
      %add3A_78 = arith.addi %add3A_77, %mul3A_76 : i32
      %rem3A = arith.constant 2 : i32
      %rem3A_79 = arith.remsi %add3A_78, %rem3A : i32
      %gt3A = arith.constant 0 : i32
      %gt3A_80 = arith.cmpi sgt, %add3A_78, %gt3A : i32
      %convert_element_type3A = arith.extui %gt3A_80 : i1 to i32
      %cond3A = arith.constant 0 : i32
      %cond3A_81 = arith.cmpi ne, %convert_element_type3A, %cond3A : i32
      scf.if %cond3A_81 {
        "tpu.region"() ({
          %run_scoped3A_87 = tpu.sem_alloc : memref<!tpu.dma_semaphore, #tpu.memory_space<semaphore_mem>>
          %dma_start3A_88 = arith.constant 0 : i32
          %dma_start3A_89 = arith.constant 0 : i32
          %dma_start3A_90 = tpu.memref_slice %arg3[%add3A, %add3A_78, %dma_start3A_88, %dma_start3A_89] : memref<32x5x25x80xi32, #tpu.memory_space<hbm>> -> memref<1x1x25x80xi32, #tpu.memory_space<hbm>>
          %dma_start3A_91 = tpu.memref_squeeze %dma_start3A_90 : memref<1x1x25x80xi32, #tpu.memory_space<hbm>> -> memref<25x80xi32, #tpu.memory_space<hbm>>
          %dma_start3A_92 = arith.constant 0 : i32
          %dma_start3A_93 = arith.constant 0 : i32
          %dma_start3A_94 = tpu.memref_slice %arg3[%add3A, %add3A_78, %dma_start3A_92, %dma_start3A_93] : memref<32x5x25x80xi32, #tpu.memory_space<hbm>> -> memref<1x1x25x80xi32, #tpu.memory_space<hbm>>
          %dma_start3A_95 = tpu.memref_squeeze %dma_start3A_94 : memref<1x1x25x80xi32, #tpu.memory_space<hbm>> -> memref<25x80xi32, #tpu.memory_space<hbm>>
          tpu.enqueue_dma source(%dma_start3A_95 : memref<25x80xi32, #tpu.memory_space<hbm>>) target(%arg6 : memref<25x80xi32, #tpu.memory_space<vmem>>) target_semaphore(%run_scoped3A_87 : memref<!tpu.dma_semaphore, #tpu.memory_space<semaphore_mem>>)
          %dma_wait3A = arith.constant 0 : i32
          %dma_wait3A_96 = arith.constant 0 : i32
          %dma_wait3A_97 = tpu.memref_slice %arg3[%add3A, %add3A_78, %dma_wait3A, %dma_wait3A_96] : memref<32x5x25x80xi32, #tpu.memory_space<hbm>> -> memref<1x1x25x80xi32, #tpu.memory_space<hbm>>
          %dma_wait3A_98 = tpu.memref_squeeze %dma_wait3A_97 : memref<1x1x25x80xi32, #tpu.memory_space<hbm>> -> memref<25x80xi32, #tpu.memory_space<hbm>>
          %dma_wait3A_99 = arith.constant 0 : i32
          %dma_wait3A_100 = arith.constant 0 : i32
          %dma_wait3A_101 = tpu.memref_slice %arg3[%add3A, %add3A_78, %dma_wait3A_99, %dma_wait3A_100] : memref<32x5x25x80xi32, #tpu.memory_space<hbm>> -> memref<1x1x25x80xi32, #tpu.memory_space<hbm>>
          %dma_wait3A_102 = tpu.memref_squeeze %dma_wait3A_101 : memref<1x1x25x80xi32, #tpu.memory_space<hbm>> -> memref<25x80xi32, #tpu.memory_space<hbm>>
          tpu.wait_dma2 semaphore(%run_scoped3A_87 : memref<!tpu.dma_semaphore, #tpu.memory_space<semaphore_mem>>) src(%dma_wait3A_102 : memref<25x80xi32, #tpu.memory_space<hbm>>) dst(%arg6 : memref<25x80xi32, #tpu.memory_space<vmem>>)
          tpu.yield
        }) : () -> ()
        "tpu.region"() ({
          %run_scoped3A_87 = tpu.sem_alloc : memref<!tpu.dma_semaphore, #tpu.memory_space<semaphore_mem>>
          %dma_start3A_88 = arith.constant 0 : i32
          %dma_start3A_89 = arith.constant 0 : i32
          %dma_start3A_90 = tpu.memref_slice %arg7[%rem3A_79, %dma_start3A_88, %dma_start3A_89] : memref<2x25x80xi32, #tpu.memory_space<vmem>> -> memref<1x25x80xi32, #tpu.memory_space<vmem>>
          %dma_start3A_91 = tpu.memref_squeeze %dma_start3A_90 : memref<1x25x80xi32, #tpu.memory_space<vmem>> -> memref<25x80xi32, #tpu.memory_space<vmem>>
          %dma_start3A_92 = arith.constant 0 : i32
          %dma_start3A_93 = arith.constant 0 : i32
          %dma_start3A_94 = tpu.memref_slice %arg4[%add3A, %add3A_78, %dma_start3A_92, %dma_start3A_93] : memref<32x5x25x80xi32, #tpu.memory_space<hbm>> -> memref<1x1x25x80xi32, #tpu.memory_space<hbm>>
          %dma_start3A_95 = tpu.memref_squeeze %dma_start3A_94 : memref<1x1x25x80xi32, #tpu.memory_space<hbm>> -> memref<25x80xi32, #tpu.memory_space<hbm>>
          %dma_start3A_96 = arith.constant 0 : i32
          %dma_start3A_97 = arith.constant 0 : i32
          %dma_start3A_98 = tpu.memref_slice %arg7[%rem3A_79, %dma_start3A_96, %dma_start3A_97] : memref<2x25x80xi32, #tpu.memory_space<vmem>> -> memref<1x25x80xi32, #tpu.memory_space<vmem>>
          %dma_start3A_99 = tpu.memref_squeeze %dma_start3A_98 : memref<1x25x80xi32, #tpu.memory_space<vmem>> -> memref<25x80xi32, #tpu.memory_space<vmem>>
          %dma_start3A_100 = arith.constant 0 : i32
          %dma_start3A_101 = arith.constant 0 : i32
          %dma_start3A_102 = tpu.memref_slice %arg4[%add3A, %add3A_78, %dma_start3A_100, %dma_start3A_101] : memref<32x5x25x80xi32, #tpu.memory_space<hbm>> -> memref<1x1x25x80xi32, #tpu.memory_space<hbm>>
          %dma_start3A_103 = tpu.memref_squeeze %dma_start3A_102 : memref<1x1x25x80xi32, #tpu.memory_space<hbm>> -> memref<25x80xi32, #tpu.memory_space<hbm>>
          tpu.enqueue_dma source(%dma_start3A_103 : memref<25x80xi32, #tpu.memory_space<hbm>>) target(%dma_start3A_99 : memref<25x80xi32, #tpu.memory_space<vmem>>) target_semaphore(%run_scoped3A_87 : memref<!tpu.dma_semaphore, #tpu.memory_space<semaphore_mem>>)
          %dma_wait3A = arith.constant 0 : i32
          %dma_wait3A_104 = arith.constant 0 : i32
          %dma_wait3A_105 = tpu.memref_slice %arg7[%rem3A_79, %dma_wait3A, %dma_wait3A_104] : memref<2x25x80xi32, #tpu.memory_space<vmem>> -> memref<1x25x80xi32, #tpu.memory_space<vmem>>
          %dma_wait3A_106 = tpu.memref_squeeze %dma_wait3A_105 : memref<1x25x80xi32, #tpu.memory_space<vmem>> -> memref<25x80xi32, #tpu.memory_space<vmem>>
          %dma_wait3A_107 = arith.constant 0 : i32
          %dma_wait3A_108 = arith.constant 0 : i32
          %dma_wait3A_109 = tpu.memref_slice %arg4[%add3A, %add3A_78, %dma_wait3A_107, %dma_wait3A_108] : memref<32x5x25x80xi32, #tpu.memory_space<hbm>> -> memref<1x1x25x80xi32, #tpu.memory_space<hbm>>
          %dma_wait3A_110 = tpu.memref_squeeze %dma_wait3A_109 : memref<1x1x25x80xi32, #tpu.memory_space<hbm>> -> memref<25x80xi32, #tpu.memory_space<hbm>>
          %dma_wait3A_111 = arith.constant 0 : i32
          %dma_wait3A_112 = arith.constant 0 : i32
          %dma_wait3A_113 = tpu.memref_slice %arg7[%rem3A_79, %dma_wait3A_111, %dma_wait3A_112] : memref<2x25x80xi32, #tpu.memory_space<vmem>> -> memref<1x25x80xi32, #tpu.memory_space<vmem>>
          %dma_wait3A_114 = tpu.memref_squeeze %dma_wait3A_113 : memref<1x25x80xi32, #tpu.memory_space<vmem>> -> memref<25x80xi32, #tpu.memory_space<vmem>>
          %dma_wait3A_115 = arith.constant 0 : i32
          %dma_wait3A_116 = arith.constant 0 : i32
          %dma_wait3A_117 = tpu.memref_slice %arg4[%add3A, %add3A_78, %dma_wait3A_115, %dma_wait3A_116] : memref<32x5x25x80xi32, #tpu.memory_space<hbm>> -> memref<1x1x25x80xi32, #tpu.memory_space<hbm>>
          %dma_wait3A_118 = tpu.memref_squeeze %dma_wait3A_117 : memref<1x1x25x80xi32, #tpu.memory_space<hbm>> -> memref<25x80xi32, #tpu.memory_space<hbm>>
          tpu.wait_dma2 semaphore(%run_scoped3A_87 : memref<!tpu.dma_semaphore, #tpu.memory_space<semaphore_mem>>) src(%dma_wait3A_118 : memref<25x80xi32, #tpu.memory_space<hbm>>) dst(%dma_wait3A_114 : memref<25x80xi32, #tpu.memory_space<vmem>>)
          tpu.yield
        }) : () -> ()
      } else {
      }
      %scan3A_82 = arith.constant 0 : i32
      %scan3A_83 = arith.constant 27 : i32
      %scan3A_84 = arith.addi %scan3A_82, %scan3A_83 : i32
      %scan3A_85 = arith.constant 1 : i32
      scf.for %scan3A_87 = %scan3A_82 to %scan3A_84 step %scan3A_85  : i32 {
        %mul3A_88 = arith.constant 1 : i32
        %mul3A_89 = arith.muli %scan3A_87, %mul3A_88 : i32
        %add3A_90 = arith.constant 0 : i32
        %add3A_91 = arith.addi %add3A_90, %mul3A_89 : i32
        %mul3A_92 = arith.constant 25 : i32
        %mul3A_93 = arith.muli %add3A_78, %mul3A_92 : i32
        %add3A_94 = arith.addi %mul3A_93, %add3A_91 : i32
        %lt3A = arith.constant 25 : i32
        %lt3A_95 = arith.cmpi slt, %add3A_91, %lt3A : i32
        %convert_element_type3A_96 = arith.extui %lt3A_95 : i1 to i32
        %cond3A_97 = arith.constant 0 : i32
        %cond3A_98 = arith.cmpi ne, %convert_element_type3A_96, %cond3A_97 : i32
        scf.if %cond3A_98 {
          %ge3A_103 = arith.constant 3 : i32
          %ge3A_104 = arith.cmpi sge, %add3A_94, %ge3A_103 : i32
          %convert_element_type3A_105 = arith.extui %ge3A_104 : i1 to i32
          %cond3A_106 = arith.constant 0 : i32
          %cond3A_107 = arith.cmpi ne, %convert_element_type3A_105, %cond3A_106 : i32
          scf.if %cond3A_107 {
            %sub3A = arith.constant 3 : i32
            %sub3A_108 = arith.subi %add3A_94, %sub3A : i32
            %rem3A_109 = arith.constant 3 : i32
            %rem3A_110 = arith.remsi %sub3A_108, %rem3A_109 : i32
            %rem3A_111 = arith.constant 25 : i32
            %rem3A_112 = arith.remsi %sub3A_108, %rem3A_111 : i32
            %jit3A = arith.constant 25 : i32
            %div3A = arith.divsi %sub3A_108, %jit3A : i32
            %sign3A = arith.constant 0 : i32
            %sign3A_113 = arith.cmpi sgt, %sub3A_108, %sign3A : i32
            %sign3A_114 = arith.extui %sign3A_113 : i1 to i32
            %sign3A_115 = arith.constant 0 : i32
            %sign3A_116 = arith.cmpi slt, %sub3A_108, %sign3A_115 : i32
            %sign3A_117 = arith.extui %sign3A_116 : i1 to i32
            %sign3A_118 = arith.subi %sign3A_114, %sign3A_117 : i32
            %sign3A_119 = arith.constant 0 : i32
            %sign3A_120 = arith.cmpi sgt, %jit3A, %sign3A_119 : i32
            %sign3A_121 = arith.extui %sign3A_120 : i1 to i32
            %sign3A_122 = arith.constant 0 : i32
            %sign3A_123 = arith.cmpi slt, %jit3A, %sign3A_122 : i32
            %sign3A_124 = arith.extui %sign3A_123 : i1 to i32
            %sign3A_125 = arith.subi %sign3A_121, %sign3A_124 : i32
            %ne3A = arith.cmpi ne, %sign3A_118, %sign3A_125 : i32
            %rem3A_126 = arith.remsi %sub3A_108, %jit3A : i32
            %ne3A_127 = arith.constant 0 : i32
            %ne3A_128 = arith.cmpi ne, %rem3A_126, %ne3A_127 : i32
            %and3A = arith.andi %ne3A, %ne3A_128 : i1
            %sub3A_129 = arith.constant 1 : i32
            %sub3A_130 = arith.subi %div3A, %sub3A_129 : i32
            %select_n3A = arith.select %and3A, %sub3A_130, %div3A : i32
            %rem3A_131 = arith.constant 2 : i32
            %rem3A_132 = arith.remsi %select_n3A, %rem3A_131 : i32
            %dma_wait3A = arith.constant 0 : i32
            %dma_wait3A_133 = arith.constant 0 : i32
            %dma_wait3A_134 = tpu.memref_slice %arg8[%rem3A_110, %dma_wait3A, %dma_wait3A_133] : memref<3x80x128xf32, #tpu.memory_space<vmem>> -> memref<1x80x128xf32, #tpu.memory_space<vmem>>
            %dma_wait3A_135 = tpu.memref_squeeze %dma_wait3A_134 : memref<1x80x128xf32, #tpu.memory_space<vmem>> -> memref<80x128xf32, #tpu.memory_space<vmem>>
            %dma_wait3A_136 = arith.constant 0 : i32
            %dma_wait3A_137 = tpu.memref_slice %arg7[%rem3A_132, %rem3A_112, %dma_wait3A_136] : memref<2x25x80xi32, #tpu.memory_space<vmem>> -> memref<1x1x80xi32, #tpu.memory_space<vmem>>
            %dma_wait3A_138 = tpu.memref_squeeze %dma_wait3A_137 : memref<1x1x80xi32, #tpu.memory_space<vmem>> -> memref<80xi32, #tpu.memory_space<vmem>>
            %dma_wait3A_139 = arith.constant 0 : i32
            %dma_wait3A_140 = arith.constant 0 : i32
            %dma_wait3A_141 = tpu.memref_slice %arg9[%dma_wait3A_139, %dma_wait3A_140] : memref<10000x128xf32, #tpu.memory_space<vmem_shared>> -> memref<10000x128xf32, #tpu.memory_space<vmem_shared>>
            %dma_wait3A_142 = tpu.memref_slice %arg11[%rem3A_110] : memref<3x!tpu.dma_semaphore, #tpu.memory_space<semaphore_mem>> -> memref<1x!tpu.dma_semaphore, #tpu.memory_space<semaphore_mem>>
            %dma_wait3A_143 = tpu.memref_squeeze %dma_wait3A_142 : memref<1x!tpu.dma_semaphore, #tpu.memory_space<semaphore_mem>> -> memref<!tpu.dma_semaphore, #tpu.memory_space<semaphore_mem>>
            tpu.wait_indirect_dma semaphore(%dma_wait3A_143 : memref<!tpu.dma_semaphore, #tpu.memory_space<semaphore_mem>>) src(%dma_wait3A_135 : memref<80x128xf32, #tpu.memory_space<vmem>>) dst(%dma_wait3A_141 : memref<10000x128xf32, #tpu.memory_space<vmem_shared>>)
            %rem3A_144 = arith.constant 3 : i32
            %rem3A_145 = arith.remsi %add3A_94, %rem3A_144 : i32
            %dma_start3A_146 = arith.constant 0 : i32
            %dma_start3A_147 = arith.constant 0 : i32
            %dma_start3A_148 = arith.constant 0 : i32
            %dma_start3A_149 = tpu.memref_slice %arg8[%rem3A_145, %dma_start3A_147, %dma_start3A_148] : memref<3x80x128xf32, #tpu.memory_space<vmem>> -> memref<1x40x128xf32, #tpu.memory_space<vmem>>
            %dma_start3A_150 = tpu.memref_squeeze %dma_start3A_149 : memref<1x40x128xf32, #tpu.memory_space<vmem>> -> memref<40x128xf32, #tpu.memory_space<vmem>>
            %dma_start3A_151 = arith.constant 0 : i32
            %dma_start3A_152 = tpu.memref_slice %arg6[%add3A_91, %dma_start3A_151] : memref<25x80xi32, #tpu.memory_space<vmem>> -> memref<1x40xi32, #tpu.memory_space<vmem>>
            %dma_start3A_153 = tpu.memref_squeeze %dma_start3A_152 : memref<1x40xi32, #tpu.memory_space<vmem>> -> memref<40xi32, #tpu.memory_space<vmem>>
            %dma_start3A_154 = arith.constant 0 : i32
            %dma_start3A_155 = arith.constant 0 : i32
            %dma_start3A_156 = tpu.memref_slice %arg2[%dma_start3A_154, %dma_start3A_155] : memref<10000x128xf32, #tpu.memory_space<hbm>> -> memref<10000x128xf32, #tpu.memory_space<hbm>>
            %dma_start3A_157 = tpu.memref_slice %arg10[%rem3A_145, %dma_start3A_146] : memref<3x2x!tpu.dma_semaphore, #tpu.memory_space<semaphore_mem>> -> memref<1x1x!tpu.dma_semaphore, #tpu.memory_space<semaphore_mem>>
            %dma_start3A_158 = tpu.memref_squeeze %dma_start3A_157 : memref<1x1x!tpu.dma_semaphore, #tpu.memory_space<semaphore_mem>> -> memref<!tpu.dma_semaphore, #tpu.memory_space<semaphore_mem>>
            tpu.enqueue_indirect_dma source(%dma_start3A_156 : memref<10000x128xf32, #tpu.memory_space<hbm>>) target(%dma_start3A_150 : memref<40x128xf32, #tpu.memory_space<vmem>>) offsets(%dma_start3A_153 : memref<40xi32, #tpu.memory_space<vmem>>) semaphore(%dma_start3A_158 : memref<!tpu.dma_semaphore, #tpu.memory_space<semaphore_mem>>)
            %dma_start3A_159 = arith.constant 1 : i32
            %dma_start3A_160 = arith.constant 40 : i32
            %dma_start3A_161 = arith.constant 0 : i32
            %dma_start3A_162 = tpu.memref_slice %arg8[%rem3A_145, %dma_start3A_160, %dma_start3A_161] : memref<3x80x128xf32, #tpu.memory_space<vmem>> -> memref<1x40x128xf32, #tpu.memory_space<vmem>>
            %dma_start3A_163 = tpu.memref_squeeze %dma_start3A_162 : memref<1x40x128xf32, #tpu.memory_space<vmem>> -> memref<40x128xf32, #tpu.memory_space<vmem>>
            %dma_start3A_164 = arith.constant 40 : i32
            %dma_start3A_165 = tpu.memref_slice %arg6[%add3A_91, %dma_start3A_164] : memref<25x80xi32, #tpu.memory_space<vmem>> -> memref<1x40xi32, #tpu.memory_space<vmem>>
            %dma_start3A_166 = tpu.memref_squeeze %dma_start3A_165 : memref<1x40xi32, #tpu.memory_space<vmem>> -> memref<40xi32, #tpu.memory_space<vmem>>
            %dma_start3A_167 = arith.constant 0 : i32
            %dma_start3A_168 = arith.constant 0 : i32
            %dma_start3A_169 = tpu.memref_slice %arg2[%dma_start3A_167, %dma_start3A_168] : memref<10000x128xf32, #tpu.memory_space<hbm>> -> memref<10000x128xf32, #tpu.memory_space<hbm>>
            %dma_start3A_170 = tpu.memref_slice %arg10[%rem3A_145, %dma_start3A_159] : memref<3x2x!tpu.dma_semaphore, #tpu.memory_space<semaphore_mem>> -> memref<1x1x!tpu.dma_semaphore, #tpu.memory_space<semaphore_mem>>
            %dma_start3A_171 = tpu.memref_squeeze %dma_start3A_170 : memref<1x1x!tpu.dma_semaphore, #tpu.memory_space<semaphore_mem>> -> memref<!tpu.dma_semaphore, #tpu.memory_space<semaphore_mem>>
            tpu.enqueue_indirect_dma source(%dma_start3A_169 : memref<10000x128xf32, #tpu.memory_space<hbm>>) target(%dma_start3A_163 : memref<40x128xf32, #tpu.memory_space<vmem>>) offsets(%dma_start3A_166 : memref<40xi32, #tpu.memory_space<vmem>>) semaphore(%dma_start3A_171 : memref<!tpu.dma_semaphore, #tpu.memory_space<semaphore_mem>>)
          } else {
          }
        } else {
        }
        %ge3A = arith.constant 2 : i32
        %ge3A_99 = arith.cmpi sge, %add3A_91, %ge3A : i32
        %convert_element_type3A_100 = arith.extui %ge3A_99 : i1 to i32
        %cond3A_101 = arith.constant 0 : i32
        %cond3A_102 = arith.cmpi ne, %convert_element_type3A_100, %cond3A_101 : i32
        scf.if %cond3A_102 {
          %sub3A = arith.constant 2 : i32
          %sub3A_103 = arith.subi %add3A_91, %sub3A : i32
          %sub3A_104 = arith.constant 2 : i32
          %sub3A_105 = arith.subi %add3A_94, %sub3A_104 : i32
          %rem3A_106 = arith.constant 3 : i32
          %rem3A_107 = arith.remsi %sub3A_105, %rem3A_106 : i32
          %dma_wait3A = arith.constant 0 : i32
          %dma_wait3A_108 = arith.constant 0 : i32
          %dma_wait3A_109 = arith.constant 0 : i32
          %dma_wait3A_110 = tpu.memref_slice %arg8[%rem3A_107, %dma_wait3A_108, %dma_wait3A_109] : memref<3x80x128xf32, #tpu.memory_space<vmem>> -> memref<1x40x128xf32, #tpu.memory_space<vmem>>
          %dma_wait3A_111 = tpu.memref_squeeze %dma_wait3A_110 : memref<1x40x128xf32, #tpu.memory_space<vmem>> -> memref<40x128xf32, #tpu.memory_space<vmem>>
          %dma_wait3A_112 = arith.constant 0 : i32
          %dma_wait3A_113 = tpu.memref_slice %arg6[%sub3A_103, %dma_wait3A_112] : memref<25x80xi32, #tpu.memory_space<vmem>> -> memref<1x40xi32, #tpu.memory_space<vmem>>
          %dma_wait3A_114 = tpu.memref_squeeze %dma_wait3A_113 : memref<1x40xi32, #tpu.memory_space<vmem>> -> memref<40xi32, #tpu.memory_space<vmem>>
          %dma_wait3A_115 = arith.constant 0 : i32
          %dma_wait3A_116 = arith.constant 0 : i32
          %dma_wait3A_117 = tpu.memref_slice %arg2[%dma_wait3A_115, %dma_wait3A_116] : memref<10000x128xf32, #tpu.memory_space<hbm>> -> memref<10000x128xf32, #tpu.memory_space<hbm>>
          %dma_wait3A_118 = tpu.memref_slice %arg10[%rem3A_107, %dma_wait3A] : memref<3x2x!tpu.dma_semaphore, #tpu.memory_space<semaphore_mem>> -> memref<1x1x!tpu.dma_semaphore, #tpu.memory_space<semaphore_mem>>
          %dma_wait3A_119 = tpu.memref_squeeze %dma_wait3A_118 : memref<1x1x!tpu.dma_semaphore, #tpu.memory_space<semaphore_mem>> -> memref<!tpu.dma_semaphore, #tpu.memory_space<semaphore_mem>>
          tpu.wait_indirect_dma semaphore(%dma_wait3A_119 : memref<!tpu.dma_semaphore, #tpu.memory_space<semaphore_mem>>) src(%dma_wait3A_117 : memref<10000x128xf32, #tpu.memory_space<hbm>>) dst(%dma_wait3A_111 : memref<40x128xf32, #tpu.memory_space<vmem>>)
          %dma_wait3A_120 = arith.constant 1 : i32
          %dma_wait3A_121 = arith.constant 40 : i32
          %dma_wait3A_122 = arith.constant 0 : i32
          %dma_wait3A_123 = tpu.memref_slice %arg8[%rem3A_107, %dma_wait3A_121, %dma_wait3A_122] : memref<3x80x128xf32, #tpu.memory_space<vmem>> -> memref<1x40x128xf32, #tpu.memory_space<vmem>>
          %dma_wait3A_124 = tpu.memref_squeeze %dma_wait3A_123 : memref<1x40x128xf32, #tpu.memory_space<vmem>> -> memref<40x128xf32, #tpu.memory_space<vmem>>
          %dma_wait3A_125 = arith.constant 40 : i32
          %dma_wait3A_126 = tpu.memref_slice %arg6[%sub3A_103, %dma_wait3A_125] : memref<25x80xi32, #tpu.memory_space<vmem>> -> memref<1x40xi32, #tpu.memory_space<vmem>>
          %dma_wait3A_127 = tpu.memref_squeeze %dma_wait3A_126 : memref<1x40xi32, #tpu.memory_space<vmem>> -> memref<40xi32, #tpu.memory_space<vmem>>
          %dma_wait3A_128 = arith.constant 0 : i32
          %dma_wait3A_129 = arith.constant 0 : i32
          %dma_wait3A_130 = tpu.memref_slice %arg2[%dma_wait3A_128, %dma_wait3A_129] : memref<10000x128xf32, #tpu.memory_space<hbm>> -> memref<10000x128xf32, #tpu.memory_space<hbm>>
          %dma_wait3A_131 = tpu.memref_slice %arg10[%rem3A_107, %dma_wait3A_120] : memref<3x2x!tpu.dma_semaphore, #tpu.memory_space<semaphore_mem>> -> memref<1x1x!tpu.dma_semaphore, #tpu.memory_space<semaphore_mem>>
          %dma_wait3A_132 = tpu.memref_squeeze %dma_wait3A_131 : memref<1x1x!tpu.dma_semaphore, #tpu.memory_space<semaphore_mem>> -> memref<!tpu.dma_semaphore, #tpu.memory_space<semaphore_mem>>
          tpu.wait_indirect_dma semaphore(%dma_wait3A_132 : memref<!tpu.dma_semaphore, #tpu.memory_space<semaphore_mem>>) src(%dma_wait3A_130 : memref<10000x128xf32, #tpu.memory_space<hbm>>) dst(%dma_wait3A_124 : memref<40x128xf32, #tpu.memory_space<vmem>>)
          %dma_start3A_133 = arith.constant 0 : i32
          %dma_start3A_134 = arith.constant 0 : i32
          %dma_start3A_135 = tpu.memref_slice %arg8[%rem3A_107, %dma_start3A_133, %dma_start3A_134] : memref<3x80x128xf32, #tpu.memory_space<vmem>> -> memref<1x80x128xf32, #tpu.memory_space<vmem>>
          %dma_start3A_136 = tpu.memref_squeeze %dma_start3A_135 : memref<1x80x128xf32, #tpu.memory_space<vmem>> -> memref<80x128xf32, #tpu.memory_space<vmem>>
          %dma_start3A_137 = arith.constant 0 : i32
          %dma_start3A_138 = tpu.memref_slice %arg7[%rem3A_79, %sub3A_103, %dma_start3A_137] : memref<2x25x80xi32, #tpu.memory_space<vmem>> -> memref<1x1x80xi32, #tpu.memory_space<vmem>>
          %dma_start3A_139 = tpu.memref_squeeze %dma_start3A_138 : memref<1x1x80xi32, #tpu.memory_space<vmem>> -> memref<80xi32, #tpu.memory_space<vmem>>
          %dma_start3A_140 = arith.constant 0 : i32
          %dma_start3A_141 = arith.constant 0 : i32
          %dma_start3A_142 = tpu.memref_slice %arg9[%dma_start3A_140, %dma_start3A_141] : memref<10000x128xf32, #tpu.memory_space<vmem_shared>> -> memref<10000x128xf32, #tpu.memory_space<vmem_shared>>
          %dma_start3A_143 = tpu.memref_slice %arg11[%rem3A_107] : memref<3x!tpu.dma_semaphore, #tpu.memory_space<semaphore_mem>> -> memref<1x!tpu.dma_semaphore, #tpu.memory_space<semaphore_mem>>
          %dma_start3A_144 = tpu.memref_squeeze %dma_start3A_143 : memref<1x!tpu.dma_semaphore, #tpu.memory_space<semaphore_mem>> -> memref<!tpu.dma_semaphore, #tpu.memory_space<semaphore_mem>>
          tpu.enqueue_indirect_dma source(%dma_start3A_136 : memref<80x128xf32, #tpu.memory_space<vmem>>) target(%dma_start3A_142 : memref<10000x128xf32, #tpu.memory_space<vmem_shared>>) offsets(%dma_start3A_139 : memref<80xi32, #tpu.memory_space<vmem>>) semaphore(%dma_start3A_144 : memref<!tpu.dma_semaphore, #tpu.memory_space<semaphore_mem>>) {add = true}
        } else {
        }
      }
      %scan3A_86 = arith.constant 27 : i32
    }
    %scan3A_57 = arith.constant 5 : i32
    %scan3A_58 = arith.constant 0 : i32
    %scan3A_59 = arith.constant 3 : i32
    %scan3A_60 = arith.addi %scan3A_58, %scan3A_59 : i32
    %scan3A_61 = arith.constant 1 : i32
    scf.for %scan3A_74 = %scan3A_58 to %scan3A_60 step %scan3A_61  : i32 {
      %mul3A_75 = arith.constant 1 : i32
      %mul3A_76 = arith.muli %scan3A_74, %mul3A_75 : i32
      %add3A_77 = arith.constant 122 : i32
      %add3A_78 = arith.addi %add3A_77, %mul3A_76 : i32
      %rem3A = arith.constant 3 : i32
      %rem3A_79 = arith.remsi %add3A_78, %rem3A : i32
      %rem3A_80 = arith.constant 25 : i32
      %rem3A_81 = arith.remsi %add3A_78, %rem3A_80 : i32
      %jit3A = arith.constant 25 : i32
      %div3A = arith.divsi %add3A_78, %jit3A : i32
      %sign3A = arith.constant 0 : i32
      %sign3A_82 = arith.cmpi sgt, %add3A_78, %sign3A : i32
      %sign3A_83 = arith.extui %sign3A_82 : i1 to i32
      %sign3A_84 = arith.constant 0 : i32
      %sign3A_85 = arith.cmpi slt, %add3A_78, %sign3A_84 : i32
      %sign3A_86 = arith.extui %sign3A_85 : i1 to i32
      %sign3A_87 = arith.subi %sign3A_83, %sign3A_86 : i32
      %sign3A_88 = arith.constant 0 : i32
      %sign3A_89 = arith.cmpi sgt, %jit3A, %sign3A_88 : i32
      %sign3A_90 = arith.extui %sign3A_89 : i1 to i32
      %sign3A_91 = arith.constant 0 : i32
      %sign3A_92 = arith.cmpi slt, %jit3A, %sign3A_91 : i32
      %sign3A_93 = arith.extui %sign3A_92 : i1 to i32
      %sign3A_94 = arith.subi %sign3A_90, %sign3A_93 : i32
      %ne3A = arith.cmpi ne, %sign3A_87, %sign3A_94 : i32
      %rem3A_95 = arith.remsi %add3A_78, %jit3A : i32
      %ne3A_96 = arith.constant 0 : i32
      %ne3A_97 = arith.cmpi ne, %rem3A_95, %ne3A_96 : i32
      %and3A = arith.andi %ne3A, %ne3A_97 : i1
      %sub3A = arith.constant 1 : i32
      %sub3A_98 = arith.subi %div3A, %sub3A : i32
      %select_n3A = arith.select %and3A, %sub3A_98, %div3A : i32
      %rem3A_99 = arith.constant 2 : i32
      %rem3A_100 = arith.remsi %select_n3A, %rem3A_99 : i32
      %dma_wait3A = arith.constant 0 : i32
      %dma_wait3A_101 = arith.constant 0 : i32
      %dma_wait3A_102 = tpu.memref_slice %arg8[%rem3A_79, %dma_wait3A, %dma_wait3A_101] : memref<3x80x128xf32, #tpu.memory_space<vmem>> -> memref<1x80x128xf32, #tpu.memory_space<vmem>>
      %dma_wait3A_103 = tpu.memref_squeeze %dma_wait3A_102 : memref<1x80x128xf32, #tpu.memory_space<vmem>> -> memref<80x128xf32, #tpu.memory_space<vmem>>
      %dma_wait3A_104 = arith.constant 0 : i32
      %dma_wait3A_105 = tpu.memref_slice %arg7[%rem3A_100, %rem3A_81, %dma_wait3A_104] : memref<2x25x80xi32, #tpu.memory_space<vmem>> -> memref<1x1x80xi32, #tpu.memory_space<vmem>>
      %dma_wait3A_106 = tpu.memref_squeeze %dma_wait3A_105 : memref<1x1x80xi32, #tpu.memory_space<vmem>> -> memref<80xi32, #tpu.memory_space<vmem>>
      %dma_wait3A_107 = arith.constant 0 : i32
      %dma_wait3A_108 = arith.constant 0 : i32
      %dma_wait3A_109 = tpu.memref_slice %arg9[%dma_wait3A_107, %dma_wait3A_108] : memref<10000x128xf32, #tpu.memory_space<vmem_shared>> -> memref<10000x128xf32, #tpu.memory_space<vmem_shared>>
      %dma_wait3A_110 = tpu.memref_slice %arg11[%rem3A_79] : memref<3x!tpu.dma_semaphore, #tpu.memory_space<semaphore_mem>> -> memref<1x!tpu.dma_semaphore, #tpu.memory_space<semaphore_mem>>
      %dma_wait3A_111 = tpu.memref_squeeze %dma_wait3A_110 : memref<1x!tpu.dma_semaphore, #tpu.memory_space<semaphore_mem>> -> memref<!tpu.dma_semaphore, #tpu.memory_space<semaphore_mem>>
      tpu.wait_indirect_dma semaphore(%dma_wait3A_111 : memref<!tpu.dma_semaphore, #tpu.memory_space<semaphore_mem>>) src(%dma_wait3A_103 : memref<80x128xf32, #tpu.memory_space<vmem>>) dst(%dma_wait3A_109 : memref<10000x128xf32, #tpu.memory_space<vmem_shared>>)
    }
    %scan3A_62 = arith.constant 3 : i32
    %barrier3A_63 = arith.constant 0 : index
    tpu.barrier barrier_id(%barrier3A_63)
    %scan3A_64 = arith.constant 0 : i32
    %scan3A_65 = arith.constant 8 : i32
    %scan3A_66 = arith.addi %scan3A_64, %scan3A_65 : i32
    %scan3A_67 = arith.constant 1 : i32
    scf.for %scan3A_74 = %scan3A_64 to %scan3A_66 step %scan3A_67  : i32 {
      %mul3A_75 = arith.constant 1 : i32
      %mul3A_76 = arith.muli %scan3A_74, %mul3A_75 : i32
      %add3A_77 = arith.constant 0 : i32
      %add3A_78 = arith.addi %add3A_77, %mul3A_76 : i32
      %mul3A_79 = arith.constant 16 : i32
      %mul3A_80 = arith.muli %add3A_78, %mul3A_79 : i32
      %add3A_81 = arith.addi %mul3A_80, %arg1 : i32
      %lt3A = arith.constant 125 : i32
      %lt3A_82 = arith.cmpi slt, %add3A_81, %lt3A : i32
      %convert_element_type3A = arith.extui %lt3A_82 : i1 to i32
      %cond3A = arith.constant 0 : i32
      %cond3A_83 = arith.cmpi ne, %convert_element_type3A, %cond3A : i32
      scf.if %cond3A_83 {
        %mul3A_84 = arith.constant 80 : i32
        %mul3A_85 = arith.muli %add3A_81, %mul3A_84 : i32
        %mul3A_86 = arith.constant 80 : i32
        %mul3A_87 = arith.muli %add3A_81, %mul3A_86 : i32
        %dma_start3A_88 = arith.constant 0 : i32
        %dma_start3A_89 = tpu.memref_slice %arg5[%arg0, %mul3A_87, %dma_start3A_88] : memref<2x10000x128xf32, #tpu.memory_space<hbm>> -> memref<1x80x128xf32, #tpu.memory_space<hbm>>
        %dma_start3A_90 = tpu.memref_squeeze %dma_start3A_89 : memref<1x80x128xf32, #tpu.memory_space<hbm>> -> memref<80x128xf32, #tpu.memory_space<hbm>>
        %dma_start3A_91 = arith.constant 0 : i32
        %dma_start3A_92 = tpu.memref_slice %arg9[%mul3A_85, %dma_start3A_91] : memref<10000x128xf32, #tpu.memory_space<vmem_shared>> -> memref<80x128xf32, #tpu.memory_space<vmem_shared>>
        tpu.enqueue_dma source(%dma_start3A_92 : memref<80x128xf32, #tpu.memory_space<vmem_shared>>) target(%dma_start3A_90 : memref<80x128xf32, #tpu.memory_space<hbm>>) target_semaphore(%arg12 : memref<!tpu.dma_semaphore, #tpu.memory_space<semaphore_mem>>)
      } else {
      }
    }
    %scan3A_68 = arith.constant 8 : i32
    %scan3A_69 = arith.constant 0 : i32
    %scan3A_70 = arith.constant 8 : i32
    %scan3A_71 = arith.addi %scan3A_69, %scan3A_70 : i32
    %scan3A_72 = arith.constant 1 : i32
    scf.for %scan3A_74 = %scan3A_69 to %scan3A_71 step %scan3A_72  : i32 {
      %mul3A_75 = arith.constant 1 : i32
      %mul3A_76 = arith.muli %scan3A_74, %mul3A_75 : i32
      %add3A_77 = arith.constant 0 : i32
      %add3A_78 = arith.addi %add3A_77, %mul3A_76 : i32
      %mul3A_79 = arith.constant 16 : i32
      %mul3A_80 = arith.muli %add3A_78, %mul3A_79 : i32
      %add3A_81 = arith.addi %mul3A_80, %arg1 : i32
      %lt3A = arith.constant 125 : i32
      %lt3A_82 = arith.cmpi slt, %add3A_81, %lt3A : i32
      %convert_element_type3A = arith.extui %lt3A_82 : i1 to i32
      %cond3A = arith.constant 0 : i32
      %cond3A_83 = arith.cmpi ne, %convert_element_type3A, %cond3A : i32
      scf.if %cond3A_83 {
        %mul3A_84 = arith.constant 80 : i32
        %mul3A_85 = arith.muli %add3A_81, %mul3A_84 : i32
        %mul3A_86 = arith.constant 80 : i32
        %mul3A_87 = arith.muli %add3A_81, %mul3A_86 : i32
        %dma_wait3A = arith.constant 0 : i32
        %dma_wait3A_88 = tpu.memref_slice %arg5[%arg0, %mul3A_87, %dma_wait3A] : memref<2x10000x128xf32, #tpu.memory_space<hbm>> -> memref<1x80x128xf32, #tpu.memory_space<hbm>>
        %dma_wait3A_89 = tpu.memref_squeeze %dma_wait3A_88 : memref<1x80x128xf32, #tpu.memory_space<hbm>> -> memref<80x128xf32, #tpu.memory_space<hbm>>
        %dma_wait3A_90 = arith.constant 0 : i32
        %dma_wait3A_91 = tpu.memref_slice %arg9[%mul3A_85, %dma_wait3A_90] : memref<10000x128xf32, #tpu.memory_space<vmem_shared>> -> memref<80x128xf32, #tpu.memory_space<vmem_shared>>
        tpu.wait_dma2 semaphore(%arg12 : memref<!tpu.dma_semaphore, #tpu.memory_space<semaphore_mem>>) src(%dma_wait3A_91 : memref<80x128xf32, #tpu.memory_space<vmem_shared>>) dst(%dma_wait3A_89 : memref<80x128xf32, #tpu.memory_space<hbm>>)
      } else {
      }
    }
    %scan3A_73 = arith.constant 8 : i32
    return
  }
}

#map = affine_map<(d0, d1) -> (0, 0)>
#map1 = affine_map<(d0, d1) -> (0, 0, 0, 0)>
#map2 = affine_map<(d0, d1) -> (0, 0, 0)>
module attributes {stable_mosaic.version = 14 : i64} {
  func.func @k(%arg0: i32, %arg1: i32, %arg2: memref<10000x128xf32, #tpu.memory_space<hbm>>, %arg3: memref<32x5x25x80xi32, #tpu.memory_space<hbm>>, %arg4: memref<32x5x25x80xi32, #tpu.memory_space<hbm>>, %arg5: memref<2x10000x128xf32, #tpu.memory_space<hbm>>, %arg6: memref<25x80xi32, #tpu.memory_space<vmem>>, %arg7: memref<2x25x80xi32, #tpu.memory_space<vmem>>, %arg8: memref<3x80x128xf32, #tpu.memory_space<vmem>>, %arg9: memref<10000x128xf32, #tpu.memory_space<vmem_shared>>, %arg10: memref<3x2x!tpu.dma_semaphore, #tpu.memory_space<semaphore_mem>>, %arg11: memref<3x!tpu.dma_semaphore, #tpu.memory_space<semaphore_mem>>, %arg12: memref<!tpu.dma_semaphore, #tpu.memory_space<semaphore_mem>>) attributes {dimension_semantics = [#tpu.dimension_semantics<core_parallel>, #tpu.dimension_semantics<subcore_parallel>], iteration_bounds = array<i64: 2, 16>, scalar_prefetch = 0 : i64, scratch_operands = 7 : i64, tpu.core_type = #tpu.core_type<sc_vector_subcore>, window_params = [{transform_indices = #map}, {transform_indices = #map1}, {transform_indices = #map1}, {transform_indices = #map2}]} {
    %mul3A = arith.constant 2 : i32
    %mul3A_0 = arith.muli %arg1, %mul3A : i32
    %add3A = arith.addi %mul3A_0, %arg0 : i32
    %scan3A = arith.constant 0 : i32
    %scan3A_1 = arith.constant 80 : i32
    %scan3A_2 = arith.addi %scan3A, %scan3A_1 : i32
    %scan3A_3 = arith.constant 1 : i32
    scf.for %scan3A_74 = %scan3A to %scan3A_2 step %scan3A_3  : i32 {
      %mul3A_75 = arith.constant 1 : i32
      %mul3A_76 = arith.muli %scan3A_74, %mul3A_75 : i32
      %add3A_77 = arith.constant 0 : i32
      %add3A_78 = arith.addi %add3A_77, %mul3A_76 : i32
      %scan3A_79 = arith.constant 0 : i32
      %scan3A_80 = arith.constant 8 : i32
      %scan3A_81 = arith.addi %scan3A_79, %scan3A_80 : i32
      %scan3A_82 = arith.constant 1 : i32
      scf.for %scan3A_84 = %scan3A_79 to %scan3A_81 step %scan3A_82  : i32 {
        %mul3A_85 = arith.constant 16 : i32
        %mul3A_86 = arith.muli %scan3A_84, %mul3A_85 : i32
        %add3A_87 = arith.constant 0 : i32
        %add3A_88 = arith.addi %add3A_87, %mul3A_86 : i32
        %broadcast_in_dim3A = arith.constant 0.000000e+00 : f32
        %broadcast_in_dim3A_89 = vector.broadcast %broadcast_in_dim3A : f32 to vector<16xf32>
        %swap3A = arith.constant 0 : i32
        %swap3A_90 = arith.index_cast %swap3A : i32 to index
        %swap3A_91 = arith.index_cast %add3A_78 : i32 to index
        %swap3A_92 = arith.index_cast %add3A_88 : i32 to index
        %swap3A_93 = tpu.vector_load %arg8[%swap3A_90, %swap3A_91, %swap3A_92] {strides = array<i32>} : memref<3x80x128xf32, #tpu.memory_space<vmem>>, vector<1x1x16xf32>,
        %swap3A_94 = vector.shape_cast %swap3A_93 : vector<1x1x16xf32> to vector<16xf32>
        %swap3A_95 = vector.shape_cast %broadcast_in_dim3A_89 : vector<16xf32> to vector<1x1x16xf32>
        tpu.vector_store %arg8[%swap3A_90, %swap3A_91, %swap3A_92], %swap3A_95 {strides = array<i32>} : memref<3x80x128xf32, #tpu.memory_space<vmem>>, vector<1x1x16xf32>,
      }
      %scan3A_83 = arith.constant 8 : i32
    }
    %scan3A_4 = arith.constant 80 : i32
    %scan3A_5 = arith.constant 0 : i32
    %scan3A_6 = arith.constant 8 : i32
    %scan3A_7 = arith.addi %scan3A_5, %scan3A_6 : i32
    %scan3A_8 = arith.constant 1 : i32
    scf.for %scan3A_74 = %scan3A_5 to %scan3A_7 step %scan3A_8  : i32 {
      %mul3A_75 = arith.constant 1 : i32
      %mul3A_76 = arith.muli %scan3A_74, %mul3A_75 : i32
      %add3A_77 = arith.constant 0 : i32
      %add3A_78 = arith.addi %add3A_77, %mul3A_76 : i32
      %mul3A_79 = arith.constant 16 : i32
      %mul3A_80 = arith.muli %add3A_78, %mul3A_79 : i32
      %add3A_81 = arith.addi %mul3A_80, %arg1 : i32
      %lt3A = arith.constant 125 : i32
      %lt3A_82 = arith.cmpi slt, %add3A_81, %lt3A : i32
      %convert_element_type3A = arith.extui %lt3A_82 : i1 to i32
      %cond3A = arith.constant 0 : i32
      %cond3A_83 = arith.cmpi ne, %convert_element_type3A, %cond3A : i32
      scf.if %cond3A_83 {
        %mul3A_84 = arith.constant 80 : i32
        %mul3A_85 = arith.muli %add3A_81, %mul3A_84 : i32
        %dma_start3A_86 = arith.constant 0 : i32
        %dma_start3A_87 = arith.constant 0 : i32
        %dma_start3A_88 = arith.constant 0 : i32
        %dma_start3A_89 = tpu.memref_slice %arg8[%dma_start3A_86, %dma_start3A_87, %dma_start3A_88] : memref<3x80x128xf32, #tpu.memory_space<vmem>> -> memref<1x80x128xf32, #tpu.memory_space<vmem>>
        %dma_start3A_90 = tpu.memref_squeeze %dma_start3A_89 : memref<1x80x128xf32, #tpu.memory_space<vmem>> -> memref<80x128xf32, #tpu.memory_space<vmem>>
        %dma_start3A_91 = arith.constant 0 : i32
        %dma_start3A_92 = tpu.memref_slice %arg9[%mul3A_85, %dma_start3A_91] : memref<10000x128xf32, #tpu.memory_space<vmem_shared>> -> memref<80x128xf32, #tpu.memory_space<vmem_shared>>
        %dma_start3A_93 = arith.constant 0 : i32
        %dma_start3A_94 = tpu.memref_slice %arg9[%mul3A_85, %dma_start3A_93] : memref<10000x128xf32, #tpu.memory_space<vmem_shared>> -> memref<80x128xf32, #tpu.memory_space<vmem_shared>>
        %dma_start3A_95 = arith.constant 0 : i32
        %dma_start3A_96 = arith.constant 0 : i32
        %dma_start3A_97 = tpu.memref_slice %arg8[%dma_start3A_86, %dma_start3A_95, %dma_start3A_96] : memref<3x80x128xf32, #tpu.memory_space<vmem>> -> memref<1x80x128xf32, #tpu.memory_space<vmem>>
        %dma_start3A_98 = tpu.memref_squeeze %dma_start3A_97 : memref<1x80x128xf32, #tpu.memory_space<vmem>> -> memref<80x128xf32, #tpu.memory_space<vmem>>
        tpu.enqueue_dma source(%dma_start3A_98 : memref<80x128xf32, #tpu.memory_space<vmem>>) target(%dma_start3A_94 : memref<80x128xf32, #tpu.memory_space<vmem_shared>>) target_semaphore(%arg12 : memref<!tpu.dma_semaphore, #tpu.memory_space<semaphore_mem>>)
      } else {
      }
    }
    %scan3A_9 = arith.constant 8 : i32
    %run_scoped3A = arith.constant 0 : i32
    "tpu.region"() ({
      %run_scoped3A_74 = tpu.sem_alloc : memref<!tpu.dma_semaphore, #tpu.memory_space<semaphore_mem>>
      %dma_start3A_75 = arith.constant 0 : i32
      %dma_start3A_76 = arith.constant 0 : i32
      %dma_start3A_77 = tpu.memref_slice %arg3[%add3A, %run_scoped3A, %dma_start3A_75, %dma_start3A_76] : memref<32x5x25x80xi32, #tpu.memory_space<hbm>> -> memref<1x1x25x80xi32, #tpu.memory_space<hbm>>
      %dma_start3A_78 = tpu.memref_squeeze %dma_start3A_77 : memref<1x1x25x80xi32, #tpu.memory_space<hbm>> -> memref<25x80xi32, #tpu.memory_space<hbm>>
      %dma_start3A_79 = arith.constant 0 : i32
      %dma_start3A_80 = arith.constant 0 : i32
      %dma_start3A_81 = tpu.memref_slice %arg3[%add3A, %run_scoped3A, %dma_start3A_79, %dma_start3A_80] : memref<32x5x25x80xi32, #tpu.memory_space<hbm>> -> memref<1x1x25x80xi32, #tpu.memory_space<hbm>>
      %dma_start3A_82 = tpu.memref_squeeze %dma_start3A_81 : memref<1x1x25x80xi32, #tpu.memory_space<hbm>> -> memref<25x80xi32, #tpu.memory_space<hbm>>
      tpu.enqueue_dma source(%dma_start3A_82 : memref<25x80xi32, #tpu.memory_space<hbm>>) target(%arg6 : memref<25x80xi32, #tpu.memory_space<vmem>>) target_semaphore(%run_scoped3A_74 : memref<!tpu.dma_semaphore, #tpu.memory_space<semaphore_mem>>)
      %dma_wait3A = arith.constant 0 : i32
      %dma_wait3A_83 = arith.constant 0 : i32
      %dma_wait3A_84 = tpu.memref_slice %arg3[%add3A, %run_scoped3A, %dma_wait3A, %dma_wait3A_83] : memref<32x5x25x80xi32, #tpu.memory_space<hbm>> -> memref<1x1x25x80xi32, #tpu.memory_space<hbm>>
      %dma_wait3A_85 = tpu.memref_squeeze %dma_wait3A_84 : memref<1x1x25x80xi32, #tpu.memory_space<hbm>> -> memref<25x80xi32, #tpu.memory_space<hbm>>
      %dma_wait3A_86 = arith.constant 0 : i32
      %dma_wait3A_87 = arith.constant 0 : i32
      %dma_wait3A_88 = tpu.memref_slice %arg3[%add3A, %run_scoped3A, %dma_wait3A_86, %dma_wait3A_87] : memref<32x5x25x80xi32, #tpu.memory_space<hbm>> -> memref<1x1x25x80xi32, #tpu.memory_space<hbm>>
      %dma_wait3A_89 = tpu.memref_squeeze %dma_wait3A_88 : memref<1x1x25x80xi32, #tpu.memory_space<hbm>> -> memref<25x80xi32, #tpu.memory_space<hbm>>
      tpu.wait_dma2 semaphore(%run_scoped3A_74 : memref<!tpu.dma_semaphore, #tpu.memory_space<semaphore_mem>>) src(%dma_wait3A_89 : memref<25x80xi32, #tpu.memory_space<hbm>>) dst(%arg6 : memref<25x80xi32, #tpu.memory_space<vmem>>)
      tpu.yield
    }) : () -> ()
    %run_scoped3A_10 = arith.constant 0 : i32
    %run_scoped3A_11 = arith.constant 0 : i32
    "tpu.region"() ({
      %run_scoped3A_74 = tpu.sem_alloc : memref<!tpu.dma_semaphore, #tpu.memory_space<semaphore_mem>>
      %dma_start3A_75 = arith.constant 0 : i32
      %dma_start3A_76 = arith.constant 0 : i32
      %dma_start3A_77 = tpu.memref_slice %arg7[%run_scoped3A_11, %dma_start3A_75, %dma_start3A_76] : memref<2x25x80xi32, #tpu.memory_space<vmem>> -> memref<1x25x80xi32, #tpu.memory_space<vmem>>
      %dma_start3A_78 = tpu.memref_squeeze %dma_start3A_77 : memref<1x25x80xi32, #tpu.memory_space<vmem>> -> memref<25x80xi32, #tpu.memory_space<vmem>>
      %dma_start3A_79 = arith.constant 0 : i32
      %dma_start3A_80 = arith.constant 0 : i32
      %dma_start3A_81 = tpu.memref_slice %arg4[%add3A, %run_scoped3A_10, %dma_start3A_79, %dma_start3A_80] : memref<32x5x25x80xi32, #tpu.memory_space<hbm>> -> memref<1x1x25x80xi32, #tpu.memory_space<hbm>>
      %dma_start3A_82 = tpu.memref_squeeze %dma_start3A_81 : memref<1x1x25x80xi32, #tpu.memory_space<hbm>> -> memref<25x80xi32, #tpu.memory_space<hbm>>
      %dma_start3A_83 = arith.constant 0 : i32
      %dma_start3A_84 = arith.constant 0 : i32
      %dma_start3A_85 = tpu.memref_slice %arg7[%run_scoped3A_11, %dma_start3A_83, %dma_start3A_84] : memref<2x25x80xi32, #tpu.memory_space<vmem>> -> memref<1x25x80xi32, #tpu.memory_space<vmem>>
      %dma_start3A_86 = tpu.memref_squeeze %dma_start3A_85 : memref<1x25x80xi32, #tpu.memory_space<vmem>> -> memref<25x80xi32, #tpu.memory_space<vmem>>
      %dma_start3A_87 = arith.constant 0 : i32
      %dma_start3A_88 = arith.constant 0 : i32
      %dma_start3A_89 = tpu.memref_slice %arg4[%add3A, %run_scoped3A_10, %dma_start3A_87, %dma_start3A_88] : memref<32x5x25x80xi32, #tpu.memory_space<hbm>> -> memref<1x1x25x80xi32, #tpu.memory_space<hbm>>
      %dma_start3A_90 = tpu.memref_squeeze %dma_start3A_89 : memref<1x1x25x80xi32, #tpu.memory_space<hbm>> -> memref<25x80xi32, #tpu.memory_space<hbm>>
      tpu.enqueue_dma source(%dma_start3A_90 : memref<25x80xi32, #tpu.memory_space<hbm>>) target(%dma_start3A_86 : memref<25x80xi32, #tpu.memory_space<vmem>>) target_semaphore(%run_scoped3A_74 : memref<!tpu.dma_semaphore, #tpu.memory_space<semaphore_mem>>)
      %dma_wait3A = arith.constant 0 : i32
      %dma_wait3A_91 = arith.constant 0 : i32
      %dma_wait3A_92 = tpu.memref_slice %arg7[%run_scoped3A_11, %dma_wait3A, %dma_wait3A_91] : memref<2x25x80xi32, #tpu.memory_space<vmem>> -> memref<1x25x80xi32, #tpu.memory_space<vmem>>
      %dma_wait3A_93 = tpu.memref_squeeze %dma_wait3A_92 : memref<1x25x80xi32, #tpu.memory_space<vmem>> -> memref<25x80xi32, #tpu.memory_space<vmem>>
      %dma_wait3A_94 = arith.constant 0 : i32
      %dma_wait3A_95 = arith.constant 0 : i32
      %dma_wait3A_96 = tpu.memref_slice %arg4[%add3A, %run_scoped3A_10, %dma_wait3A_94, %dma_wait3A_95] : memref<32x5x25x80xi32, #tpu.memory_space<hbm>> -> memref<1x1x25x80xi32, #tpu.memory_space<hbm>>
      %dma_wait3A_97 = tpu.memref_squeeze %dma_wait3A_96 : memref<1x1x25x80xi32, #tpu.memory_space<hbm>> -> memref<25x80xi32, #tpu.memory_space<hbm>>
      %dma_wait3A_98 = arith.constant 0 : i32
      %dma_wait3A_99 = arith.constant 0 : i32
      %dma_wait3A_100 = tpu.memref_slice %arg7[%run_scoped3A_11, %dma_wait3A_98, %dma_wait3A_99] : memref<2x25x80xi32, #tpu.memory_space<vmem>> -> memref<1x25x80xi32, #tpu.memory_space<vmem>>
      %dma_wait3A_101 = tpu.memref_squeeze %dma_wait3A_100 : memref<1x25x80xi32, #tpu.memory_space<vmem>> -> memref<25x80xi32, #tpu.memory_space<vmem>>
      %dma_wait3A_102 = arith.constant 0 : i32
      %dma_wait3A_103 = arith.constant 0 : i32
      %dma_wait3A_104 = tpu.memref_slice %arg4[%add3A, %run_scoped3A_10, %dma_wait3A_102, %dma_wait3A_103] : memref<32x5x25x80xi32, #tpu.memory_space<hbm>> -> memref<1x1x25x80xi32, #tpu.memory_space<hbm>>
      %dma_wait3A_105 = tpu.memref_squeeze %dma_wait3A_104 : memref<1x1x25x80xi32, #tpu.memory_space<hbm>> -> memref<25x80xi32, #tpu.memory_space<hbm>>
      tpu.wait_dma2 semaphore(%run_scoped3A_74 : memref<!tpu.dma_semaphore, #tpu.memory_space<semaphore_mem>>) src(%dma_wait3A_105 : memref<25x80xi32, #tpu.memory_space<hbm>>) dst(%dma_wait3A_101 : memref<25x80xi32, #tpu.memory_space<vmem>>)
      tpu.yield
    }) : () -> ()
    %scan3A_12 = arith.constant 0 : i32
    %scan3A_13 = arith.constant 2 : i32
    %scan3A_14 = arith.addi %scan3A_12, %scan3A_13 : i32
    %scan3A_15 = arith.constant 1 : i32
    scf.for %scan3A_74 = %scan3A_12 to %scan3A_14 step %scan3A_15  : i32 {
      %mul3A_75 = arith.constant 1 : i32
      %mul3A_76 = arith.muli %scan3A_74, %mul3A_75 : i32
      %add3A_77 = arith.constant 1 : i32
      %add3A_78 = arith.addi %add3A_77, %mul3A_76 : i32
      %dma_start3A_79 = arith.constant 0 : i32
      %dma_start3A_80 = arith.constant 0 : i32
      %dma_start3A_81 = arith.constant 0 : i32
      %dma_start3A_82 = tpu.memref_slice %arg8[%add3A_78, %dma_start3A_80, %dma_start3A_81] : memref<3x80x128xf32, #tpu.memory_space<vmem>> -> memref<1x40x128xf32, #tpu.memory_space<vmem>>
      %dma_start3A_83 = tpu.memref_squeeze %dma_start3A_82 : memref<1x40x128xf32, #tpu.memory_space<vmem>> -> memref<40x128xf32, #tpu.memory_space<vmem>>
      %dma_start3A_84 = arith.constant 0 : i32
      %dma_start3A_85 = tpu.memref_slice %arg6[%add3A_78, %dma_start3A_84] : memref<25x80xi32, #tpu.memory_space<vmem>> -> memref<1x40xi32, #tpu.memory_space<vmem>>
      %dma_start3A_86 = tpu.memref_squeeze %dma_start3A_85 : memref<1x40xi32, #tpu.memory_space<vmem>> -> memref<40xi32, #tpu.memory_space<vmem>>
      %dma_start3A_87 = arith.constant 0 : i32
      %dma_start3A_88 = arith.constant 0 : i32
      %dma_start3A_89 = tpu.memref_slice %arg2[%dma_start3A_87, %dma_start3A_88] : memref<10000x128xf32, #tpu.memory_space<hbm>> -> memref<10000x128xf32, #tpu.memory_space<hbm>>
      %dma_start3A_90 = tpu.memref_slice %arg10[%add3A_78, %dma_start3A_79] : memref<3x2x!tpu.dma_semaphore, #tpu.memory_space<semaphore_mem>> -> memref<1x1x!tpu.dma_semaphore, #tpu.memory_space<semaphore_mem>>
      %dma_start3A_91 = tpu.memref_squeeze %dma_start3A_90 : memref<1x1x!tpu.dma_semaphore, #tpu.memory_space<semaphore_mem>> -> memref<!tpu.dma_semaphore, #tpu.memory_space<semaphore_mem>>
      tpu.enqueue_indirect_dma source(%dma_start3A_89 : memref<10000x128xf32, #tpu.memory_space<hbm>>) target(%dma_start3A_83 : memref<40x128xf32, #tpu.memory_space<vmem>>) offsets(%dma_start3A_86 : memref<40xi32, #tpu.memory_space<vmem>>) semaphore(%dma_start3A_91 : memref<!tpu.dma_semaphore, #tpu.memory_space<semaphore_mem>>)
      %dma_start3A_92 = arith.constant 1 : i32
      %dma_start3A_93 = arith.constant 40 : i32
      %dma_start3A_94 = arith.constant 0 : i32
      %dma_start3A_95 = tpu.memref_slice %arg8[%add3A_78, %dma_start3A_93, %dma_start3A_94] : memref<3x80x128xf32, #tpu.memory_space<vmem>> -> memref<1x40x128xf32, #tpu.memory_space<vmem>>
      %dma_start3A_96 = tpu.memref_squeeze %dma_start3A_95 : memref<1x40x128xf32, #tpu.memory_space<vmem>> -> memref<40x128xf32, #tpu.memory_space<vmem>>
      %dma_start3A_97 = arith.constant 40 : i32
      %dma_start3A_98 = tpu.memref_slice %arg6[%add3A_78, %dma_start3A_97] : memref<25x80xi32, #tpu.memory_space<vmem>> -> memref<1x40xi32, #tpu.memory_space<vmem>>
      %dma_start3A_99 = tpu.memref_squeeze %dma_start3A_98 : memref<1x40xi32, #tpu.memory_space<vmem>> -> memref<40xi32, #tpu.memory_space<vmem>>
      %dma_start3A_100 = arith.constant 0 : i32
      %dma_start3A_101 = arith.constant 0 : i32
      %dma_start3A_102 = tpu.memref_slice %arg2[%dma_start3A_100, %dma_start3A_101] : memref<10000x128xf32, #tpu.memory_space<hbm>> -> memref<10000x128xf32, #tpu.memory_space<hbm>>
      %dma_start3A_103 = tpu.memref_slice %arg10[%add3A_78, %dma_start3A_92] : memref<3x2x!tpu.dma_semaphore, #tpu.memory_space<semaphore_mem>> -> memref<1x1x!tpu.dma_semaphore, #tpu.memory_space<semaphore_mem>>
      %dma_start3A_104 = tpu.memref_squeeze %dma_start3A_103 : memref<1x1x!tpu.dma_semaphore, #tpu.memory_space<semaphore_mem>> -> memref<!tpu.dma_semaphore, #tpu.memory_space<semaphore_mem>>
      tpu.enqueue_indirect_dma source(%dma_start3A_102 : memref<10000x128xf32, #tpu.memory_space<hbm>>) target(%dma_start3A_96 : memref<40x128xf32, #tpu.memory_space<vmem>>) offsets(%dma_start3A_99 : memref<40xi32, #tpu.memory_space<vmem>>) semaphore(%dma_start3A_104 : memref<!tpu.dma_semaphore, #tpu.memory_space<semaphore_mem>>)
    }
    %scan3A_16 = arith.constant 2 : i32
    %scan3A_17 = arith.constant 0 : i32
    %scan3A_18 = arith.constant 8 : i32
    %scan3A_19 = arith.addi %scan3A_17, %scan3A_18 : i32
    %scan3A_20 = arith.constant 1 : i32
    scf.for %scan3A_74 = %scan3A_17 to %scan3A_19 step %scan3A_20  : i32 {
      %mul3A_75 = arith.constant 1 : i32
      %mul3A_76 = arith.muli %scan3A_74, %mul3A_75 : i32
      %add3A_77 = arith.constant 0 : i32
      %add3A_78 = arith.addi %add3A_77, %mul3A_76 : i32
      %mul3A_79 = arith.constant 16 : i32
      %mul3A_80 = arith.muli %add3A_78, %mul3A_79 : i32
      %add3A_81 = arith.addi %mul3A_80, %arg1 : i32
      %lt3A = arith.constant 125 : i32
      %lt3A_82 = arith.cmpi slt, %add3A_81, %lt3A : i32
      %convert_element_type3A = arith.extui %lt3A_82 : i1 to i32
      %cond3A = arith.constant 0 : i32
      %cond3A_83 = arith.cmpi ne, %convert_element_type3A, %cond3A : i32
      scf.if %cond3A_83 {
        %mul3A_84 = arith.constant 80 : i32
        %mul3A_85 = arith.muli %add3A_81, %mul3A_84 : i32
        %dma_wait3A = arith.constant 0 : i32
        %dma_wait3A_86 = arith.constant 0 : i32
        %dma_wait3A_87 = arith.constant 0 : i32
        %dma_wait3A_88 = tpu.memref_slice %arg8[%dma_wait3A, %dma_wait3A_86, %dma_wait3A_87] : memref<3x80x128xf32, #tpu.memory_space<vmem>> -> memref<1x80x128xf32, #tpu.memory_space<vmem>>
        %dma_wait3A_89 = tpu.memref_squeeze %dma_wait3A_88 : memref<1x80x128xf32, #tpu.memory_space<vmem>> -> memref<80x128xf32, #tpu.memory_space<vmem>>
        %dma_wait3A_90 = arith.constant 0 : i32
        %dma_wait3A_91 = tpu.memref_slice %arg9[%mul3A_85, %dma_wait3A_90] : memref<10000x128xf32, #tpu.memory_space<vmem_shared>> -> memref<80x128xf32, #tpu.memory_space<vmem_shared>>
        %dma_wait3A_92 = arith.constant 0 : i32
        %dma_wait3A_93 = tpu.memref_slice %arg9[%mul3A_85, %dma_wait3A_92] : memref<10000x128xf32, #tpu.memory_space<vmem_shared>> -> memref<80x128xf32, #tpu.memory_space<vmem_shared>>
        %dma_wait3A_94 = arith.constant 0 : i32
        %dma_wait3A_95 = arith.constant 0 : i32
        %dma_wait3A_96 = tpu.memref_slice %arg8[%dma_wait3A, %dma_wait3A_94, %dma_wait3A_95] : memref<3x80x128xf32, #tpu.memory_space<vmem>> -> memref<1x80x128xf32, #tpu.memory_space<vmem>>
        %dma_wait3A_97 = tpu.memref_squeeze %dma_wait3A_96 : memref<1x80x128xf32, #tpu.memory_space<vmem>> -> memref<80x128xf32, #tpu.memory_space<vmem>>
        tpu.wait_dma2 semaphore(%arg12 : memref<!tpu.dma_semaphore, #tpu.memory_space<semaphore_mem>>) src(%dma_wait3A_97 : memref<80x128xf32, #tpu.memory_space<vmem>>) dst(%dma_wait3A_93 : memref<80x128xf32, #tpu.memory_space<vmem_shared>>)
      } else {
      }
    }
    %scan3A_21 = arith.constant 8 : i32
    %dma_start3A = arith.constant 0 : i32
    %dma_start3A_22 = arith.constant 0 : i32
    %dma_start3A_23 = arith.constant 0 : i32
    %dma_start3A_24 = arith.constant 0 : i32
    %dma_start3A_25 = arith.constant 0 : i32
    %dma_start3A_26 = arith.constant 0 : i32
    %dma_start3A_27 = tpu.memref_slice %arg8[%dma_start3A_22, %dma_start3A_25, %dma_start3A_26] : memref<3x80x128xf32, #tpu.memory_space<vmem>> -> memref<1x40x128xf32, #tpu.memory_space<vmem>>
    %dma_start3A_28 = tpu.memref_squeeze %dma_start3A_27 : memref<1x40x128xf32, #tpu.memory_space<vmem>> -> memref<40x128xf32, #tpu.memory_space<vmem>>
    %dma_start3A_29 = arith.constant 0 : i32
    %dma_start3A_30 = tpu.memref_slice %arg6[%dma_start3A, %dma_start3A_29] : memref<25x80xi32, #tpu.memory_space<vmem>> -> memref<1x40xi32, #tpu.memory_space<vmem>>
    %dma_start3A_31 = tpu.memref_squeeze %dma_start3A_30 : memref<1x40xi32, #tpu.memory_space<vmem>> -> memref<40xi32, #tpu.memory_space<vmem>>
    %dma_start3A_32 = arith.constant 0 : i32
    %dma_start3A_33 = arith.constant 0 : i32
    %dma_start3A_34 = tpu.memref_slice %arg2[%dma_start3A_32, %dma_start3A_33] : memref<10000x128xf32, #tpu.memory_space<hbm>> -> memref<10000x128xf32, #tpu.memory_space<hbm>>
    %dma_start3A_35 = tpu.memref_slice %arg10[%dma_start3A_23, %dma_start3A_24] : memref<3x2x!tpu.dma_semaphore, #tpu.memory_space<semaphore_mem>> -> memref<1x1x!tpu.dma_semaphore, #tpu.memory_space<semaphore_mem>>
    %dma_start3A_36 = tpu.memref_squeeze %dma_start3A_35 : memref<1x1x!tpu.dma_semaphore, #tpu.memory_space<semaphore_mem>> -> memref<!tpu.dma_semaphore, #tpu.memory_space<semaphore_mem>>
    tpu.enqueue_indirect_dma source(%dma_start3A_34 : memref<10000x128xf32, #tpu.memory_space<hbm>>) target(%dma_start3A_28 : memref<40x128xf32, #tpu.memory_space<vmem>>) offsets(%dma_start3A_31 : memref<40xi32, #tpu.memory_space<vmem>>) semaphore(%dma_start3A_36 : memref<!tpu.dma_semaphore, #tpu.memory_space<semaphore_mem>>)
    %dma_start3A_37 = arith.constant 0 : i32
    %dma_start3A_38 = arith.constant 0 : i32
    %dma_start3A_39 = arith.constant 0 : i32
    %dma_start3A_40 = arith.constant 1 : i32
    %dma_start3A_41 = arith.constant 40 : i32
    %dma_start3A_42 = arith.constant 0 : i32
    %dma_start3A_43 = tpu.memref_slice %arg8[%dma_start3A_38, %dma_start3A_41, %dma_start3A_42] : memref<3x80x128xf32, #tpu.memory_space<vmem>> -> memref<1x40x128xf32, #tpu.memory_space<vmem>>
    %dma_start3A_44 = tpu.memref_squeeze %dma_start3A_43 : memref<1x40x128xf32, #tpu.memory_space<vmem>> -> memref<40x128xf32, #tpu.memory_space<vmem>>
    %dma_start3A_45 = arith.constant 40 : i32
    %dma_start3A_46 = tpu.memref_slice %arg6[%dma_start3A_37, %dma_start3A_45] : memref<25x80xi32, #tpu.memory_space<vmem>> -> memref<1x40xi32, #tpu.memory_space<vmem>>
    %dma_start3A_47 = tpu.memref_squeeze %dma_start3A_46 : memref<1x40xi32, #tpu.memory_space<vmem>> -> memref<40xi32, #tpu.memory_space<vmem>>
    %dma_start3A_48 = arith.constant 0 : i32
    %dma_start3A_49 = arith.constant 0 : i32
    %dma_start3A_50 = tpu.memref_slice %arg2[%dma_start3A_48, %dma_start3A_49] : memref<10000x128xf32, #tpu.memory_space<hbm>> -> memref<10000x128xf32, #tpu.memory_space<hbm>>
    %dma_start3A_51 = tpu.memref_slice %arg10[%dma_start3A_39, %dma_start3A_40] : memref<3x2x!tpu.dma_semaphore, #tpu.memory_space<semaphore_mem>> -> memref<1x1x!tpu.dma_semaphore, #tpu.memory_space<semaphore_mem>>
    %dma_start3A_52 = tpu.memref_squeeze %dma_start3A_51 : memref<1x1x!tpu.dma_semaphore, #tpu.memory_space<semaphore_mem>> -> memref<!tpu.dma_semaphore, #tpu.memory_space<semaphore_mem>>
    tpu.enqueue_indirect_dma source(%dma_start3A_50 : memref<10000x128xf32, #tpu.memory_space<hbm>>) target(%dma_start3A_44 : memref<40x128xf32, #tpu.memory_space<vmem>>) offsets(%dma_start3A_47 : memref<40xi32, #tpu.memory_space<vmem>>) semaphore(%dma_start3A_52 : memref<!tpu.dma_semaphore, #tpu.memory_space<semaphore_mem>>)
    %barrier3A = arith.constant 0 : index
    tpu.barrier barrier_id(%barrier3A)
    %scan3A_53 = arith.constant 0 : i32
    %scan3A_54 = arith.constant 5 : i32
    %scan3A_55 = arith.addi %scan3A_53, %scan3A_54 : i32
    %scan3A_56 = arith.constant 1 : i32
    scf.for %scan3A_74 = %scan3A_53 to %scan3A_55 step %scan3A_56  : i32 {
      %mul3A_75 = arith.constant 1 : i32
      %mul3A_76 = arith.muli %scan3A_74, %mul3A_75 : i32
      %add3A_77 = arith.constant 0 : i32
      %add3A_78 = arith.addi %add3A_77, %mul3A_76 : i32
      %rem3A = arith.constant 2 : i32
      %rem3A_79 = arith.remsi %add3A_78, %rem3A : i32
      %gt3A = arith.constant 0 : i32
      %gt3A_80 = arith.cmpi sgt, %add3A_78, %gt3A : i32
      %convert_element_type3A = arith.extui %gt3A_80 : i1 to i32
      %cond3A = arith.constant 0 : i32
      %cond3A_81 = arith.cmpi ne, %convert_element_type3A, %cond3A : i32
      scf.if %cond3A_81 {
        "tpu.region"() ({
          %run_scoped3A_87 = tpu.sem_alloc : memref<!tpu.dma_semaphore, #tpu.memory_space<semaphore_mem>>
          %dma_start3A_88 = arith.constant 0 : i32
          %dma_start3A_89 = arith.constant 0 : i32
          %dma_start3A_90 = tpu.memref_slice %arg3[%add3A, %add3A_78, %dma_start3A_88, %dma_start3A_89] : memref<32x5x25x80xi32, #tpu.memory_space<hbm>> -> memref<1x1x25x80xi32, #tpu.memory_space<hbm>>
          %dma_start3A_91 = tpu.memref_squeeze %dma_start3A_90 : memref<1x1x25x80xi32, #tpu.memory_space<hbm>> -> memref<25x80xi32, #tpu.memory_space<hbm>>
          %dma_start3A_92 = arith.constant 0 : i32
          %dma_start3A_93 = arith.constant 0 : i32
          %dma_start3A_94 = tpu.memref_slice %arg3[%add3A, %add3A_78, %dma_start3A_92, %dma_start3A_93] : memref<32x5x25x80xi32, #tpu.memory_space<hbm>> -> memref<1x1x25x80xi32, #tpu.memory_space<hbm>>
          %dma_start3A_95 = tpu.memref_squeeze %dma_start3A_94 : memref<1x1x25x80xi32, #tpu.memory_space<hbm>> -> memref<25x80xi32, #tpu.memory_space<hbm>>
          tpu.enqueue_dma source(%dma_start3A_95 : memref<25x80xi32, #tpu.memory_space<hbm>>) target(%arg6 : memref<25x80xi32, #tpu.memory_space<vmem>>) target_semaphore(%run_scoped3A_87 : memref<!tpu.dma_semaphore, #tpu.memory_space<semaphore_mem>>)
          %dma_wait3A = arith.constant 0 : i32
          %dma_wait3A_96 = arith.constant 0 : i32
          %dma_wait3A_97 = tpu.memref_slice %arg3[%add3A, %add3A_78, %dma_wait3A, %dma_wait3A_96] : memref<32x5x25x80xi32, #tpu.memory_space<hbm>> -> memref<1x1x25x80xi32, #tpu.memory_space<hbm>>
          %dma_wait3A_98 = tpu.memref_squeeze %dma_wait3A_97 : memref<1x1x25x80xi32, #tpu.memory_space<hbm>> -> memref<25x80xi32, #tpu.memory_space<hbm>>
          %dma_wait3A_99 = arith.constant 0 : i32
          %dma_wait3A_100 = arith.constant 0 : i32
          %dma_wait3A_101 = tpu.memref_slice %arg3[%add3A, %add3A_78, %dma_wait3A_99, %dma_wait3A_100] : memref<32x5x25x80xi32, #tpu.memory_space<hbm>> -> memref<1x1x25x80xi32, #tpu.memory_space<hbm>>
          %dma_wait3A_102 = tpu.memref_squeeze %dma_wait3A_101 : memref<1x1x25x80xi32, #tpu.memory_space<hbm>> -> memref<25x80xi32, #tpu.memory_space<hbm>>
          tpu.wait_dma2 semaphore(%run_scoped3A_87 : memref<!tpu.dma_semaphore, #tpu.memory_space<semaphore_mem>>) src(%dma_wait3A_102 : memref<25x80xi32, #tpu.memory_space<hbm>>) dst(%arg6 : memref<25x80xi32, #tpu.memory_space<vmem>>)
          tpu.yield
        }) : () -> ()
        "tpu.region"() ({
          %run_scoped3A_87 = tpu.sem_alloc : memref<!tpu.dma_semaphore, #tpu.memory_space<semaphore_mem>>
          %dma_start3A_88 = arith.constant 0 : i32
          %dma_start3A_89 = arith.constant 0 : i32
          %dma_start3A_90 = tpu.memref_slice %arg7[%rem3A_79, %dma_start3A_88, %dma_start3A_89] : memref<2x25x80xi32, #tpu.memory_space<vmem>> -> memref<1x25x80xi32, #tpu.memory_space<vmem>>
          %dma_start3A_91 = tpu.memref_squeeze %dma_start3A_90 : memref<1x25x80xi32, #tpu.memory_space<vmem>> -> memref<25x80xi32, #tpu.memory_space<vmem>>
          %dma_start3A_92 = arith.constant 0 : i32
          %dma_start3A_93 = arith.constant 0 : i32
          %dma_start3A_94 = tpu.memref_slice %arg4[%add3A, %add3A_78, %dma_start3A_92, %dma_start3A_93] : memref<32x5x25x80xi32, #tpu.memory_space<hbm>> -> memref<1x1x25x80xi32, #tpu.memory_space<hbm>>
          %dma_start3A_95 = tpu.memref_squeeze %dma_start3A_94 : memref<1x1x25x80xi32, #tpu.memory_space<hbm>> -> memref<25x80xi32, #tpu.memory_space<hbm>>
          %dma_start3A_96 = arith.constant 0 : i32
          %dma_start3A_97 = arith.constant 0 : i32
          %dma_start3A_98 = tpu.memref_slice %arg7[%rem3A_79, %dma_start3A_96, %dma_start3A_97] : memref<2x25x80xi32, #tpu.memory_space<vmem>> -> memref<1x25x80xi32, #tpu.memory_space<vmem>>
          %dma_start3A_99 = tpu.memref_squeeze %dma_start3A_98 : memref<1x25x80xi32, #tpu.memory_space<vmem>> -> memref<25x80xi32, #tpu.memory_space<vmem>>
          %dma_start3A_100 = arith.constant 0 : i32
          %dma_start3A_101 = arith.constant 0 : i32
          %dma_start3A_102 = tpu.memref_slice %arg4[%add3A, %add3A_78, %dma_start3A_100, %dma_start3A_101] : memref<32x5x25x80xi32, #tpu.memory_space<hbm>> -> memref<1x1x25x80xi32, #tpu.memory_space<hbm>>
          %dma_start3A_103 = tpu.memref_squeeze %dma_start3A_102 : memref<1x1x25x80xi32, #tpu.memory_space<hbm>> -> memref<25x80xi32, #tpu.memory_space<hbm>>
          tpu.enqueue_dma source(%dma_start3A_103 : memref<25x80xi32, #tpu.memory_space<hbm>>) target(%dma_start3A_99 : memref<25x80xi32, #tpu.memory_space<vmem>>) target_semaphore(%run_scoped3A_87 : memref<!tpu.dma_semaphore, #tpu.memory_space<semaphore_mem>>)
          %dma_wait3A = arith.constant 0 : i32
          %dma_wait3A_104 = arith.constant 0 : i32
          %dma_wait3A_105 = tpu.memref_slice %arg7[%rem3A_79, %dma_wait3A, %dma_wait3A_104] : memref<2x25x80xi32, #tpu.memory_space<vmem>> -> memref<1x25x80xi32, #tpu.memory_space<vmem>>
          %dma_wait3A_106 = tpu.memref_squeeze %dma_wait3A_105 : memref<1x25x80xi32, #tpu.memory_space<vmem>> -> memref<25x80xi32, #tpu.memory_space<vmem>>
          %dma_wait3A_107 = arith.constant 0 : i32
          %dma_wait3A_108 = arith.constant 0 : i32
          %dma_wait3A_109 = tpu.memref_slice %arg4[%add3A, %add3A_78, %dma_wait3A_107, %dma_wait3A_108] : memref<32x5x25x80xi32, #tpu.memory_space<hbm>> -> memref<1x1x25x80xi32, #tpu.memory_space<hbm>>
          %dma_wait3A_110 = tpu.memref_squeeze %dma_wait3A_109 : memref<1x1x25x80xi32, #tpu.memory_space<hbm>> -> memref<25x80xi32, #tpu.memory_space<hbm>>
          %dma_wait3A_111 = arith.constant 0 : i32
          %dma_wait3A_112 = arith.constant 0 : i32
          %dma_wait3A_113 = tpu.memref_slice %arg7[%rem3A_79, %dma_wait3A_111, %dma_wait3A_112] : memref<2x25x80xi32, #tpu.memory_space<vmem>> -> memref<1x25x80xi32, #tpu.memory_space<vmem>>
          %dma_wait3A_114 = tpu.memref_squeeze %dma_wait3A_113 : memref<1x25x80xi32, #tpu.memory_space<vmem>> -> memref<25x80xi32, #tpu.memory_space<vmem>>
          %dma_wait3A_115 = arith.constant 0 : i32
          %dma_wait3A_116 = arith.constant 0 : i32
          %dma_wait3A_117 = tpu.memref_slice %arg4[%add3A, %add3A_78, %dma_wait3A_115, %dma_wait3A_116] : memref<32x5x25x80xi32, #tpu.memory_space<hbm>> -> memref<1x1x25x80xi32, #tpu.memory_space<hbm>>
          %dma_wait3A_118 = tpu.memref_squeeze %dma_wait3A_117 : memref<1x1x25x80xi32, #tpu.memory_space<hbm>> -> memref<25x80xi32, #tpu.memory_space<hbm>>
          tpu.wait_dma2 semaphore(%run_scoped3A_87 : memref<!tpu.dma_semaphore, #tpu.memory_space<semaphore_mem>>) src(%dma_wait3A_118 : memref<25x80xi32, #tpu.memory_space<hbm>>) dst(%dma_wait3A_114 : memref<25x80xi32, #tpu.memory_space<vmem>>)
          tpu.yield
        }) : () -> ()
      } else {
      }
      %scan3A_82 = arith.constant 0 : i32
      %scan3A_83 = arith.constant 27 : i32
      %scan3A_84 = arith.addi %scan3A_82, %scan3A_83 : i32
      %scan3A_85 = arith.constant 1 : i32
      scf.for %scan3A_87 = %scan3A_82 to %scan3A_84 step %scan3A_85  : i32 {
        %mul3A_88 = arith.constant 1 : i32
        %mul3A_89 = arith.muli %scan3A_87, %mul3A_88 : i32
        %add3A_90 = arith.constant 0 : i32
        %add3A_91 = arith.addi %add3A_90, %mul3A_89 : i32
        %mul3A_92 = arith.constant 25 : i32
        %mul3A_93 = arith.muli %add3A_78, %mul3A_92 : i32
        %add3A_94 = arith.addi %mul3A_93, %add3A_91 : i32
        %lt3A = arith.constant 25 : i32
        %lt3A_95 = arith.cmpi slt, %add3A_91, %lt3A : i32
        %convert_element_type3A_96 = arith.extui %lt3A_95 : i1 to i32
        %cond3A_97 = arith.constant 0 : i32
        %cond3A_98 = arith.cmpi ne, %convert_element_type3A_96, %cond3A_97 : i32
        scf.if %cond3A_98 {
          %ge3A_103 = arith.constant 3 : i32
          %ge3A_104 = arith.cmpi sge, %add3A_94, %ge3A_103 : i32
          %convert_element_type3A_105 = arith.extui %ge3A_104 : i1 to i32
          %cond3A_106 = arith.constant 0 : i32
          %cond3A_107 = arith.cmpi ne, %convert_element_type3A_105, %cond3A_106 : i32
          scf.if %cond3A_107 {
            %sub3A = arith.constant 3 : i32
            %sub3A_108 = arith.subi %add3A_94, %sub3A : i32
            %rem3A_109 = arith.constant 3 : i32
            %rem3A_110 = arith.remsi %sub3A_108, %rem3A_109 : i32
            %rem3A_111 = arith.constant 25 : i32
            %rem3A_112 = arith.remsi %sub3A_108, %rem3A_111 : i32
            %jit3A = arith.constant 25 : i32
            %div3A = arith.divsi %sub3A_108, %jit3A : i32
            %sign3A = arith.constant 0 : i32
            %sign3A_113 = arith.cmpi sgt, %sub3A_108, %sign3A : i32
            %sign3A_114 = arith.extui %sign3A_113 : i1 to i32
            %sign3A_115 = arith.constant 0 : i32
            %sign3A_116 = arith.cmpi slt, %sub3A_108, %sign3A_115 : i32
            %sign3A_117 = arith.extui %sign3A_116 : i1 to i32
            %sign3A_118 = arith.subi %sign3A_114, %sign3A_117 : i32
            %sign3A_119 = arith.constant 0 : i32
            %sign3A_120 = arith.cmpi sgt, %jit3A, %sign3A_119 : i32
            %sign3A_121 = arith.extui %sign3A_120 : i1 to i32
            %sign3A_122 = arith.constant 0 : i32
            %sign3A_123 = arith.cmpi slt, %jit3A, %sign3A_122 : i32
            %sign3A_124 = arith.extui %sign3A_123 : i1 to i32
            %sign3A_125 = arith.subi %sign3A_121, %sign3A_124 : i32
            %ne3A = arith.cmpi ne, %sign3A_118, %sign3A_125 : i32
            %rem3A_126 = arith.remsi %sub3A_108, %jit3A : i32
            %ne3A_127 = arith.constant 0 : i32
            %ne3A_128 = arith.cmpi ne, %rem3A_126, %ne3A_127 : i32
            %and3A = arith.andi %ne3A, %ne3A_128 : i1
            %sub3A_129 = arith.constant 1 : i32
            %sub3A_130 = arith.subi %div3A, %sub3A_129 : i32
            %select_n3A = arith.select %and3A, %sub3A_130, %div3A : i32
            %rem3A_131 = arith.constant 2 : i32
            %rem3A_132 = arith.remsi %select_n3A, %rem3A_131 : i32
            %dma_wait3A = arith.constant 0 : i32
            %dma_wait3A_133 = arith.constant 0 : i32
            %dma_wait3A_134 = tpu.memref_slice %arg8[%rem3A_110, %dma_wait3A, %dma_wait3A_133] : memref<3x80x128xf32, #tpu.memory_space<vmem>> -> memref<1x80x128xf32, #tpu.memory_space<vmem>>
            %dma_wait3A_135 = tpu.memref_squeeze %dma_wait3A_134 : memref<1x80x128xf32, #tpu.memory_space<vmem>> -> memref<80x128xf32, #tpu.memory_space<vmem>>
            %dma_wait3A_136 = arith.constant 0 : i32
            %dma_wait3A_137 = tpu.memref_slice %arg7[%rem3A_132, %rem3A_112, %dma_wait3A_136] : memref<2x25x80xi32, #tpu.memory_space<vmem>> -> memref<1x1x80xi32, #tpu.memory_space<vmem>>
            %dma_wait3A_138 = tpu.memref_squeeze %dma_wait3A_137 : memref<1x1x80xi32, #tpu.memory_space<vmem>> -> memref<80xi32, #tpu.memory_space<vmem>>
            %dma_wait3A_139 = arith.constant 0 : i32
            %dma_wait3A_140 = arith.constant 0 : i32
            %dma_wait3A_141 = tpu.memref_slice %arg9[%dma_wait3A_139, %dma_wait3A_140] : memref<10000x128xf32, #tpu.memory_space<vmem_shared>> -> memref<10000x128xf32, #tpu.memory_space<vmem_shared>>
            %dma_wait3A_142 = tpu.memref_slice %arg11[%rem3A_110] : memref<3x!tpu.dma_semaphore, #tpu.memory_space<semaphore_mem>> -> memref<1x!tpu.dma_semaphore, #tpu.memory_space<semaphore_mem>>
            %dma_wait3A_143 = tpu.memref_squeeze %dma_wait3A_142 : memref<1x!tpu.dma_semaphore, #tpu.memory_space<semaphore_mem>> -> memref<!tpu.dma_semaphore, #tpu.memory_space<semaphore_mem>>
            tpu.wait_indirect_dma semaphore(%dma_wait3A_143 : memref<!tpu.dma_semaphore, #tpu.memory_space<semaphore_mem>>) src(%dma_wait3A_135 : memref<80x128xf32, #tpu.memory_space<vmem>>) dst(%dma_wait3A_141 : memref<10000x128xf32, #tpu.memory_space<vmem_shared>>)
            %rem3A_144 = arith.constant 3 : i32
            %rem3A_145 = arith.remsi %add3A_94, %rem3A_144 : i32
            %dma_start3A_146 = arith.constant 0 : i32
            %dma_start3A_147 = arith.constant 0 : i32
            %dma_start3A_148 = arith.constant 0 : i32
            %dma_start3A_149 = tpu.memref_slice %arg8[%rem3A_145, %dma_start3A_147, %dma_start3A_148] : memref<3x80x128xf32, #tpu.memory_space<vmem>> -> memref<1x40x128xf32, #tpu.memory_space<vmem>>
            %dma_start3A_150 = tpu.memref_squeeze %dma_start3A_149 : memref<1x40x128xf32, #tpu.memory_space<vmem>> -> memref<40x128xf32, #tpu.memory_space<vmem>>
            %dma_start3A_151 = arith.constant 0 : i32
            %dma_start3A_152 = tpu.memref_slice %arg6[%add3A_91, %dma_start3A_151] : memref<25x80xi32, #tpu.memory_space<vmem>> -> memref<1x40xi32, #tpu.memory_space<vmem>>
            %dma_start3A_153 = tpu.memref_squeeze %dma_start3A_152 : memref<1x40xi32, #tpu.memory_space<vmem>> -> memref<40xi32, #tpu.memory_space<vmem>>
            %dma_start3A_154 = arith.constant 0 : i32
            %dma_start3A_155 = arith.constant 0 : i32
            %dma_start3A_156 = tpu.memref_slice %arg2[%dma_start3A_154, %dma_start3A_155] : memref<10000x128xf32, #tpu.memory_space<hbm>> -> memref<10000x128xf32, #tpu.memory_space<hbm>>
            %dma_start3A_157 = tpu.memref_slice %arg10[%rem3A_145, %dma_start3A_146] : memref<3x2x!tpu.dma_semaphore, #tpu.memory_space<semaphore_mem>> -> memref<1x1x!tpu.dma_semaphore, #tpu.memory_space<semaphore_mem>>
            %dma_start3A_158 = tpu.memref_squeeze %dma_start3A_157 : memref<1x1x!tpu.dma_semaphore, #tpu.memory_space<semaphore_mem>> -> memref<!tpu.dma_semaphore, #tpu.memory_space<semaphore_mem>>
            tpu.enqueue_indirect_dma source(%dma_start3A_156 : memref<10000x128xf32, #tpu.memory_space<hbm>>) target(%dma_start3A_150 : memref<40x128xf32, #tpu.memory_space<vmem>>) offsets(%dma_start3A_153 : memref<40xi32, #tpu.memory_space<vmem>>) semaphore(%dma_start3A_158 : memref<!tpu.dma_semaphore, #tpu.memory_space<semaphore_mem>>)
            %dma_start3A_159 = arith.constant 1 : i32
            %dma_start3A_160 = arith.constant 40 : i32
            %dma_start3A_161 = arith.constant 0 : i32
            %dma_start3A_162 = tpu.memref_slice %arg8[%rem3A_145, %dma_start3A_160, %dma_start3A_161] : memref<3x80x128xf32, #tpu.memory_space<vmem>> -> memref<1x40x128xf32, #tpu.memory_space<vmem>>
            %dma_start3A_163 = tpu.memref_squeeze %dma_start3A_162 : memref<1x40x128xf32, #tpu.memory_space<vmem>> -> memref<40x128xf32, #tpu.memory_space<vmem>>
            %dma_start3A_164 = arith.constant 40 : i32
            %dma_start3A_165 = tpu.memref_slice %arg6[%add3A_91, %dma_start3A_164] : memref<25x80xi32, #tpu.memory_space<vmem>> -> memref<1x40xi32, #tpu.memory_space<vmem>>
            %dma_start3A_166 = tpu.memref_squeeze %dma_start3A_165 : memref<1x40xi32, #tpu.memory_space<vmem>> -> memref<40xi32, #tpu.memory_space<vmem>>
            %dma_start3A_167 = arith.constant 0 : i32
            %dma_start3A_168 = arith.constant 0 : i32
            %dma_start3A_169 = tpu.memref_slice %arg2[%dma_start3A_167, %dma_start3A_168] : memref<10000x128xf32, #tpu.memory_space<hbm>> -> memref<10000x128xf32, #tpu.memory_space<hbm>>
            %dma_start3A_170 = tpu.memref_slice %arg10[%rem3A_145, %dma_start3A_159] : memref<3x2x!tpu.dma_semaphore, #tpu.memory_space<semaphore_mem>> -> memref<1x1x!tpu.dma_semaphore, #tpu.memory_space<semaphore_mem>>
            %dma_start3A_171 = tpu.memref_squeeze %dma_start3A_170 : memref<1x1x!tpu.dma_semaphore, #tpu.memory_space<semaphore_mem>> -> memref<!tpu.dma_semaphore, #tpu.memory_space<semaphore_mem>>
            tpu.enqueue_indirect_dma source(%dma_start3A_169 : memref<10000x128xf32, #tpu.memory_space<hbm>>) target(%dma_start3A_163 : memref<40x128xf32, #tpu.memory_space<vmem>>) offsets(%dma_start3A_166 : memref<40xi32, #tpu.memory_space<vmem>>) semaphore(%dma_start3A_171 : memref<!tpu.dma_semaphore, #tpu.memory_space<semaphore_mem>>)
          } else {
          }
        } else {
        }
        %ge3A = arith.constant 2 : i32
        %ge3A_99 = arith.cmpi sge, %add3A_91, %ge3A : i32
        %convert_element_type3A_100 = arith.extui %ge3A_99 : i1 to i32
        %cond3A_101 = arith.constant 0 : i32
        %cond3A_102 = arith.cmpi ne, %convert_element_type3A_100, %cond3A_101 : i32
        scf.if %cond3A_102 {
          %sub3A = arith.constant 2 : i32
          %sub3A_103 = arith.subi %add3A_91, %sub3A : i32
          %sub3A_104 = arith.constant 2 : i32
          %sub3A_105 = arith.subi %add3A_94, %sub3A_104 : i32
          %rem3A_106 = arith.constant 3 : i32
          %rem3A_107 = arith.remsi %sub3A_105, %rem3A_106 : i32
          %dma_wait3A = arith.constant 0 : i32
          %dma_wait3A_108 = arith.constant 0 : i32
          %dma_wait3A_109 = arith.constant 0 : i32
          %dma_wait3A_110 = tpu.memref_slice %arg8[%rem3A_107, %dma_wait3A_108, %dma_wait3A_109] : memref<3x80x128xf32, #tpu.memory_space<vmem>> -> memref<1x40x128xf32, #tpu.memory_space<vmem>>
          %dma_wait3A_111 = tpu.memref_squeeze %dma_wait3A_110 : memref<1x40x128xf32, #tpu.memory_space<vmem>> -> memref<40x128xf32, #tpu.memory_space<vmem>>
          %dma_wait3A_112 = arith.constant 0 : i32
          %dma_wait3A_113 = tpu.memref_slice %arg6[%sub3A_103, %dma_wait3A_112] : memref<25x80xi32, #tpu.memory_space<vmem>> -> memref<1x40xi32, #tpu.memory_space<vmem>>
          %dma_wait3A_114 = tpu.memref_squeeze %dma_wait3A_113 : memref<1x40xi32, #tpu.memory_space<vmem>> -> memref<40xi32, #tpu.memory_space<vmem>>
          %dma_wait3A_115 = arith.constant 0 : i32
          %dma_wait3A_116 = arith.constant 0 : i32
          %dma_wait3A_117 = tpu.memref_slice %arg2[%dma_wait3A_115, %dma_wait3A_116] : memref<10000x128xf32, #tpu.memory_space<hbm>> -> memref<10000x128xf32, #tpu.memory_space<hbm>>
          %dma_wait3A_118 = tpu.memref_slice %arg10[%rem3A_107, %dma_wait3A] : memref<3x2x!tpu.dma_semaphore, #tpu.memory_space<semaphore_mem>> -> memref<1x1x!tpu.dma_semaphore, #tpu.memory_space<semaphore_mem>>
          %dma_wait3A_119 = tpu.memref_squeeze %dma_wait3A_118 : memref<1x1x!tpu.dma_semaphore, #tpu.memory_space<semaphore_mem>> -> memref<!tpu.dma_semaphore, #tpu.memory_space<semaphore_mem>>
          tpu.wait_indirect_dma semaphore(%dma_wait3A_119 : memref<!tpu.dma_semaphore, #tpu.memory_space<semaphore_mem>>) src(%dma_wait3A_117 : memref<10000x128xf32, #tpu.memory_space<hbm>>) dst(%dma_wait3A_111 : memref<40x128xf32, #tpu.memory_space<vmem>>)
          %dma_wait3A_120 = arith.constant 1 : i32
          %dma_wait3A_121 = arith.constant 40 : i32
          %dma_wait3A_122 = arith.constant 0 : i32
          %dma_wait3A_123 = tpu.memref_slice %arg8[%rem3A_107, %dma_wait3A_121, %dma_wait3A_122] : memref<3x80x128xf32, #tpu.memory_space<vmem>> -> memref<1x40x128xf32, #tpu.memory_space<vmem>>
          %dma_wait3A_124 = tpu.memref_squeeze %dma_wait3A_123 : memref<1x40x128xf32, #tpu.memory_space<vmem>> -> memref<40x128xf32, #tpu.memory_space<vmem>>
          %dma_wait3A_125 = arith.constant 40 : i32
          %dma_wait3A_126 = tpu.memref_slice %arg6[%sub3A_103, %dma_wait3A_125] : memref<25x80xi32, #tpu.memory_space<vmem>> -> memref<1x40xi32, #tpu.memory_space<vmem>>
          %dma_wait3A_127 = tpu.memref_squeeze %dma_wait3A_126 : memref<1x40xi32, #tpu.memory_space<vmem>> -> memref<40xi32, #tpu.memory_space<vmem>>
          %dma_wait3A_128 = arith.constant 0 : i32
          %dma_wait3A_129 = arith.constant 0 : i32
          %dma_wait3A_130 = tpu.memref_slice %arg2[%dma_wait3A_128, %dma_wait3A_129] : memref<10000x128xf32, #tpu.memory_space<hbm>> -> memref<10000x128xf32, #tpu.memory_space<hbm>>
          %dma_wait3A_131 = tpu.memref_slice %arg10[%rem3A_107, %dma_wait3A_120] : memref<3x2x!tpu.dma_semaphore, #tpu.memory_space<semaphore_mem>> -> memref<1x1x!tpu.dma_semaphore, #tpu.memory_space<semaphore_mem>>
          %dma_wait3A_132 = tpu.memref_squeeze %dma_wait3A_131 : memref<1x1x!tpu.dma_semaphore, #tpu.memory_space<semaphore_mem>> -> memref<!tpu.dma_semaphore, #tpu.memory_space<semaphore_mem>>
          tpu.wait_indirect_dma semaphore(%dma_wait3A_132 : memref<!tpu.dma_semaphore, #tpu.memory_space<semaphore_mem>>) src(%dma_wait3A_130 : memref<10000x128xf32, #tpu.memory_space<hbm>>) dst(%dma_wait3A_124 : memref<40x128xf32, #tpu.memory_space<vmem>>)
          %dma_start3A_133 = arith.constant 0 : i32
          %dma_start3A_134 = arith.constant 0 : i32
          %dma_start3A_135 = tpu.memref_slice %arg8[%rem3A_107, %dma_start3A_133, %dma_start3A_134] : memref<3x80x128xf32, #tpu.memory_space<vmem>> -> memref<1x80x128xf32, #tpu.memory_space<vmem>>
          %dma_start3A_136 = tpu.memref_squeeze %dma_start3A_135 : memref<1x80x128xf32, #tpu.memory_space<vmem>> -> memref<80x128xf32, #tpu.memory_space<vmem>>
          %dma_start3A_137 = arith.constant 0 : i32
          %dma_start3A_138 = tpu.memref_slice %arg7[%rem3A_79, %sub3A_103, %dma_start3A_137] : memref<2x25x80xi32, #tpu.memory_space<vmem>> -> memref<1x1x80xi32, #tpu.memory_space<vmem>>
          %dma_start3A_139 = tpu.memref_squeeze %dma_start3A_138 : memref<1x1x80xi32, #tpu.memory_space<vmem>> -> memref<80xi32, #tpu.memory_space<vmem>>
          %dma_start3A_140 = arith.constant 0 : i32
          %dma_start3A_141 = arith.constant 0 : i32
          %dma_start3A_142 = tpu.memref_slice %arg9[%dma_start3A_140, %dma_start3A_141] : memref<10000x128xf32, #tpu.memory_space<vmem_shared>> -> memref<10000x128xf32, #tpu.memory_space<vmem_shared>>
          %dma_start3A_143 = tpu.memref_slice %arg11[%rem3A_107] : memref<3x!tpu.dma_semaphore, #tpu.memory_space<semaphore_mem>> -> memref<1x!tpu.dma_semaphore, #tpu.memory_space<semaphore_mem>>
          %dma_start3A_144 = tpu.memref_squeeze %dma_start3A_143 : memref<1x!tpu.dma_semaphore, #tpu.memory_space<semaphore_mem>> -> memref<!tpu.dma_semaphore, #tpu.memory_space<semaphore_mem>>
          tpu.enqueue_indirect_dma source(%dma_start3A_136 : memref<80x128xf32, #tpu.memory_space<vmem>>) target(%dma_start3A_142 : memref<10000x128xf32, #tpu.memory_space<vmem_shared>>) offsets(%dma_start3A_139 : memref<80xi32, #tpu.memory_space<vmem>>) semaphore(%dma_start3A_144 : memref<!tpu.dma_semaphore, #tpu.memory_space<semaphore_mem>>) {add = true}
        } else {
        }
      }
      %scan3A_86 = arith.constant 27 : i32
    }
    %scan3A_57 = arith.constant 5 : i32
    %scan3A_58 = arith.constant 0 : i32
    %scan3A_59 = arith.constant 3 : i32
    %scan3A_60 = arith.addi %scan3A_58, %scan3A_59 : i32
    %scan3A_61 = arith.constant 1 : i32
    scf.for %scan3A_74 = %scan3A_58 to %scan3A_60 step %scan3A_61  : i32 {
      %mul3A_75 = arith.constant 1 : i32
      %mul3A_76 = arith.muli %scan3A_74, %mul3A_75 : i32
      %add3A_77 = arith.constant 122 : i32
      %add3A_78 = arith.addi %add3A_77, %mul3A_76 : i32
      %rem3A = arith.constant 3 : i32
      %rem3A_79 = arith.remsi %add3A_78, %rem3A : i32
      %rem3A_80 = arith.constant 25 : i32
      %rem3A_81 = arith.remsi %add3A_78, %rem3A_80 : i32
      %jit3A = arith.constant 25 : i32
      %div3A = arith.divsi %add3A_78, %jit3A : i32
      %sign3A = arith.constant 0 : i32
      %sign3A_82 = arith.cmpi sgt, %add3A_78, %sign3A : i32
      %sign3A_83 = arith.extui %sign3A_82 : i1 to i32
      %sign3A_84 = arith.constant 0 : i32
      %sign3A_85 = arith.cmpi slt, %add3A_78, %sign3A_84 : i32
      %sign3A_86 = arith.extui %sign3A_85 : i1 to i32
      %sign3A_87 = arith.subi %sign3A_83, %sign3A_86 : i32
      %sign3A_88 = arith.constant 0 : i32
      %sign3A_89 = arith.cmpi sgt, %jit3A, %sign3A_88 : i32
      %sign3A_90 = arith.extui %sign3A_89 : i1 to i32
      %sign3A_91 = arith.constant 0 : i32
      %sign3A_92 = arith.cmpi slt, %jit3A, %sign3A_91 : i32
      %sign3A_93 = arith.extui %sign3A_92 : i1 to i32
      %sign3A_94 = arith.subi %sign3A_90, %sign3A_93 : i32
      %ne3A = arith.cmpi ne, %sign3A_87, %sign3A_94 : i32
      %rem3A_95 = arith.remsi %add3A_78, %jit3A : i32
      %ne3A_96 = arith.constant 0 : i32
      %ne3A_97 = arith.cmpi ne, %rem3A_95, %ne3A_96 : i32
      %and3A = arith.andi %ne3A, %ne3A_97 : i1
      %sub3A = arith.constant 1 : i32
      %sub3A_98 = arith.subi %div3A, %sub3A : i32
      %select_n3A = arith.select %and3A, %sub3A_98, %div3A : i32
      %rem3A_99 = arith.constant 2 : i32
      %rem3A_100 = arith.remsi %select_n3A, %rem3A_99 : i32
      %dma_wait3A = arith.constant 0 : i32
      %dma_wait3A_101 = arith.constant 0 : i32
      %dma_wait3A_102 = tpu.memref_slice %arg8[%rem3A_79, %dma_wait3A, %dma_wait3A_101] : memref<3x80x128xf32, #tpu.memory_space<vmem>> -> memref<1x80x128xf32, #tpu.memory_space<vmem>>
      %dma_wait3A_103 = tpu.memref_squeeze %dma_wait3A_102 : memref<1x80x128xf32, #tpu.memory_space<vmem>> -> memref<80x128xf32, #tpu.memory_space<vmem>>
      %dma_wait3A_104 = arith.constant 0 : i32
      %dma_wait3A_105 = tpu.memref_slice %arg7[%rem3A_100, %rem3A_81, %dma_wait3A_104] : memref<2x25x80xi32, #tpu.memory_space<vmem>> -> memref<1x1x80xi32, #tpu.memory_space<vmem>>
      %dma_wait3A_106 = tpu.memref_squeeze %dma_wait3A_105 : memref<1x1x80xi32, #tpu.memory_space<vmem>> -> memref<80xi32, #tpu.memory_space<vmem>>
      %dma_wait3A_107 = arith.constant 0 : i32
      %dma_wait3A_108 = arith.constant 0 : i32
      %dma_wait3A_109 = tpu.memref_slice %arg9[%dma_wait3A_107, %dma_wait3A_108] : memref<10000x128xf32, #tpu.memory_space<vmem_shared>> -> memref<10000x128xf32, #tpu.memory_space<vmem_shared>>
      %dma_wait3A_110 = tpu.memref_slice %arg11[%rem3A_79] : memref<3x!tpu.dma_semaphore, #tpu.memory_space<semaphore_mem>> -> memref<1x!tpu.dma_semaphore, #tpu.memory_space<semaphore_mem>>
      %dma_wait3A_111 = tpu.memref_squeeze %dma_wait3A_110 : memref<1x!tpu.dma_semaphore, #tpu.memory_space<semaphore_mem>> -> memref<!tpu.dma_semaphore, #tpu.memory_space<semaphore_mem>>
      tpu.wait_indirect_dma semaphore(%dma_wait3A_111 : memref<!tpu.dma_semaphore, #tpu.memory_space<semaphore_mem>>) src(%dma_wait3A_103 : memref<80x128xf32, #tpu.memory_space<vmem>>) dst(%dma_wait3A_109 : memref<10000x128xf32, #tpu.memory_space<vmem_shared>>)
    }
    %scan3A_62 = arith.constant 3 : i32
    %barrier3A_63 = arith.constant 0 : index
    tpu.barrier barrier_id(%barrier3A_63)
    %scan3A_64 = arith.constant 0 : i32
    %scan3A_65 = arith.constant 8 : i32
    %scan3A_66 = arith.addi %scan3A_64, %scan3A_65 : i32
    %scan3A_67 = arith.constant 1 : i32
    scf.for %scan3A_74 = %scan3A_64 to %scan3A_66 step %scan3A_67  : i32 {
      %mul3A_75 = arith.constant 1 : i32
      %mul3A_76 = arith.muli %scan3A_74, %mul3A_75 : i32
      %add3A_77 = arith.constant 0 : i32
      %add3A_78 = arith.addi %add3A_77, %mul3A_76 : i32
      %mul3A_79 = arith.constant 16 : i32
      %mul3A_80 = arith.muli %add3A_78, %mul3A_79 : i32
      %add3A_81 = arith.addi %mul3A_80, %arg1 : i32
      %lt3A = arith.constant 125 : i32
      %lt3A_82 = arith.cmpi slt, %add3A_81, %lt3A : i32
      %convert_element_type3A = arith.extui %lt3A_82 : i1 to i32
      %cond3A = arith.constant 0 : i32
      %cond3A_83 = arith.cmpi ne, %convert_element_type3A, %cond3A : i32
      scf.if %cond3A_83 {
        %mul3A_84 = arith.constant 80 : i32
        %mul3A_85 = arith.muli %add3A_81, %mul3A_84 : i32
        %mul3A_86 = arith.constant 80 : i32
        %mul3A_87 = arith.muli %add3A_81, %mul3A_86 : i32
        %dma_start3A_88 = arith.constant 0 : i32
        %dma_start3A_89 = tpu.memref_slice %arg5[%arg0, %mul3A_87, %dma_start3A_88] : memref<2x10000x128xf32, #tpu.memory_space<hbm>> -> memref<1x80x128xf32, #tpu.memory_space<hbm>>
        %dma_start3A_90 = tpu.memref_squeeze %dma_start3A_89 : memref<1x80x128xf32, #tpu.memory_space<hbm>> -> memref<80x128xf32, #tpu.memory_space<hbm>>
        %dma_start3A_91 = arith.constant 0 : i32
        %dma_start3A_92 = tpu.memref_slice %arg9[%mul3A_85, %dma_start3A_91] : memref<10000x128xf32, #tpu.memory_space<vmem_shared>> -> memref<80x128xf32, #tpu.memory_space<vmem_shared>>
        tpu.enqueue_dma source(%dma_start3A_92 : memref<80x128xf32, #tpu.memory_space<vmem_shared>>) target(%dma_start3A_90 : memref<80x128xf32, #tpu.memory_space<hbm>>) target_semaphore(%arg12 : memref<!tpu.dma_semaphore, #tpu.memory_space<semaphore_mem>>)
      } else {
      }
    }
    %scan3A_68 = arith.constant 8 : i32
    %scan3A_69 = arith.constant 0 : i32
    %scan3A_70 = arith.constant 8 : i32
    %scan3A_71 = arith.addi %scan3A_69, %scan3A_70 : i32
    %scan3A_72 = arith.constant 1 : i32
    scf.for %scan3A_74 = %scan3A_69 to %scan3A_71 step %scan3A_72  : i32 {
      %mul3A_75 = arith.constant 1 : i32
      %mul3A_76 = arith.muli %scan3A_74, %mul3A_75 : i32
      %add3A_77 = arith.constant 0 : i32
      %add3A_78 = arith.addi %add3A_77, %mul3A_76 : i32
      %mul3A_79 = arith.constant 16 : i32
      %mul3A_80 = arith.muli %add3A_78, %mul3A_79 : i32
      %add3A_81 = arith.addi %mul3A_80, %arg1 : i32
      %lt3A = arith.constant 125 : i32
      %lt3A_82 = arith.cmpi slt, %add3A_81, %lt3A : i32
      %convert_element_type3A = arith.extui %lt3A_82 : i1 to i32
      %cond3A = arith.constant 0 : i32
      %cond3A_83 = arith.cmpi ne, %convert_element_type3A, %cond3A : i32
      scf.if %cond3A_83 {
        %mul3A_84 = arith.constant 80 : i32
        %mul3A_85 = arith.muli %add3A_81, %mul3A_84 : i32
        %mul3A_86 = arith.constant 80 : i32
        %mul3A_87 = arith.muli %add3A_81, %mul3A_86 : i32
        %dma_wait3A = arith.constant 0 : i32
        %dma_wait3A_88 = tpu.memref_slice %arg5[%arg0, %mul3A_87, %dma_wait3A] : memref<2x10000x128xf32, #tpu.memory_space<hbm>> -> memref<1x80x128xf32, #tpu.memory_space<hbm>>
        %dma_wait3A_89 = tpu.memref_squeeze %dma_wait3A_88 : memref<1x80x128xf32, #tpu.memory_space<hbm>> -> memref<80x128xf32, #tpu.memory_space<hbm>>
        %dma_wait3A_90 = arith.constant 0 : i32
        %dma_wait3A_91 = tpu.memref_slice %arg9[%mul3A_85, %dma_wait3A_90] : memref<10000x128xf32, #tpu.memory_space<vmem_shared>> -> memref<80x128xf32, #tpu.memory_space<vmem_shared>>
        tpu.wait_dma2 semaphore(%arg12 : memref<!tpu.dma_semaphore, #tpu.memory_space<semaphore_mem>>) src(%dma_wait3A_91 : memref<80x128xf32, #tpu.memory_space<vmem_shared>>) dst(%dma_wait3A_89 : memref<80x128xf32, #tpu.memory_space<hbm>>)
      } else {
      }
    }
    %scan3A_73 = arith.constant 8 : i32
    return
  }
}

#map = affine_map<(d0, d1) -> (0, 0)>
#map1 = affine_map<(d0, d1) -> (0, 0, 0, 0)>
#map2 = affine_map<(d0, d1) -> (0, 0, 0)>
module attributes {stable_mosaic.version = 14 : i64} {
  func.func @k(%arg0: i32, %arg1: i32, %arg2: memref<10000x128xf32, #tpu.memory_space<hbm>>, %arg3: memref<32x5x25x80xi32, #tpu.memory_space<hbm>>, %arg4: memref<32x5x25x80xi32, #tpu.memory_space<hbm>>, %arg5: memref<2x10000x128xf32, #tpu.memory_space<hbm>>, %arg6: memref<25x80xi32, #tpu.memory_space<vmem>>, %arg7: memref<2x25x80xi32, #tpu.memory_space<vmem>>, %arg8: memref<3x80x128xf32, #tpu.memory_space<vmem>>, %arg9: memref<10000x128xf32, #tpu.memory_space<vmem_shared>>, %arg10: memref<3x2x!tpu.dma_semaphore, #tpu.memory_space<semaphore_mem>>, %arg11: memref<3x!tpu.dma_semaphore, #tpu.memory_space<semaphore_mem>>, %arg12: memref<!tpu.dma_semaphore, #tpu.memory_space<semaphore_mem>>) attributes {dimension_semantics = [#tpu.dimension_semantics<core_parallel>, #tpu.dimension_semantics<subcore_parallel>], iteration_bounds = array<i64: 2, 16>, scalar_prefetch = 0 : i64, scratch_operands = 7 : i64, tpu.core_type = #tpu.core_type<sc_vector_subcore>, window_params = [{transform_indices = #map}, {transform_indices = #map1}, {transform_indices = #map1}, {transform_indices = #map2}]} {
    %mul3A = arith.constant 2 : i32
    %mul3A_0 = arith.muli %arg1, %mul3A : i32
    %add3A = arith.addi %mul3A_0, %arg0 : i32
    %scan3A = arith.constant 0 : i32
    %scan3A_1 = arith.constant 80 : i32
    %scan3A_2 = arith.addi %scan3A, %scan3A_1 : i32
    %scan3A_3 = arith.constant 1 : i32
    scf.for %scan3A_74 = %scan3A to %scan3A_2 step %scan3A_3  : i32 {
      %mul3A_75 = arith.constant 1 : i32
      %mul3A_76 = arith.muli %scan3A_74, %mul3A_75 : i32
      %add3A_77 = arith.constant 0 : i32
      %add3A_78 = arith.addi %add3A_77, %mul3A_76 : i32
      %scan3A_79 = arith.constant 0 : i32
      %scan3A_80 = arith.constant 8 : i32
      %scan3A_81 = arith.addi %scan3A_79, %scan3A_80 : i32
      %scan3A_82 = arith.constant 1 : i32
      scf.for %scan3A_84 = %scan3A_79 to %scan3A_81 step %scan3A_82  : i32 {
        %mul3A_85 = arith.constant 16 : i32
        %mul3A_86 = arith.muli %scan3A_84, %mul3A_85 : i32
        %add3A_87 = arith.constant 0 : i32
        %add3A_88 = arith.addi %add3A_87, %mul3A_86 : i32
        %broadcast_in_dim3A = arith.constant 0.000000e+00 : f32
        %broadcast_in_dim3A_89 = vector.broadcast %broadcast_in_dim3A : f32 to vector<16xf32>
        %swap3A = arith.constant 0 : i32
        %swap3A_90 = arith.index_cast %swap3A : i32 to index
        %swap3A_91 = arith.index_cast %add3A_78 : i32 to index
        %swap3A_92 = arith.index_cast %add3A_88 : i32 to index
        %swap3A_93 = tpu.vector_load %arg8[%swap3A_90, %swap3A_91, %swap3A_92] {strides = array<i32>} : memref<3x80x128xf32, #tpu.memory_space<vmem>>, vector<1x1x16xf32>,
        %swap3A_94 = vector.shape_cast %swap3A_93 : vector<1x1x16xf32> to vector<16xf32>
        %swap3A_95 = vector.shape_cast %broadcast_in_dim3A_89 : vector<16xf32> to vector<1x1x16xf32>
        tpu.vector_store %arg8[%swap3A_90, %swap3A_91, %swap3A_92], %swap3A_95 {strides = array<i32>} : memref<3x80x128xf32, #tpu.memory_space<vmem>>, vector<1x1x16xf32>,
      }
      %scan3A_83 = arith.constant 8 : i32
    }
    %scan3A_4 = arith.constant 80 : i32
    %scan3A_5 = arith.constant 0 : i32
    %scan3A_6 = arith.constant 8 : i32
    %scan3A_7 = arith.addi %scan3A_5, %scan3A_6 : i32
    %scan3A_8 = arith.constant 1 : i32
    scf.for %scan3A_74 = %scan3A_5 to %scan3A_7 step %scan3A_8  : i32 {
      %mul3A_75 = arith.constant 1 : i32
      %mul3A_76 = arith.muli %scan3A_74, %mul3A_75 : i32
      %add3A_77 = arith.constant 0 : i32
      %add3A_78 = arith.addi %add3A_77, %mul3A_76 : i32
      %mul3A_79 = arith.constant 16 : i32
      %mul3A_80 = arith.muli %add3A_78, %mul3A_79 : i32
      %add3A_81 = arith.addi %mul3A_80, %arg1 : i32
      %lt3A = arith.constant 125 : i32
      %lt3A_82 = arith.cmpi slt, %add3A_81, %lt3A : i32
      %convert_element_type3A = arith.extui %lt3A_82 : i1 to i32
      %cond3A = arith.constant 0 : i32
      %cond3A_83 = arith.cmpi ne, %convert_element_type3A, %cond3A : i32
      scf.if %cond3A_83 {
        %mul3A_84 = arith.constant 80 : i32
        %mul3A_85 = arith.muli %add3A_81, %mul3A_84 : i32
        %dma_start3A_86 = arith.constant 0 : i32
        %dma_start3A_87 = arith.constant 0 : i32
        %dma_start3A_88 = arith.constant 0 : i32
        %dma_start3A_89 = tpu.memref_slice %arg8[%dma_start3A_86, %dma_start3A_87, %dma_start3A_88] : memref<3x80x128xf32, #tpu.memory_space<vmem>> -> memref<1x80x128xf32, #tpu.memory_space<vmem>>
        %dma_start3A_90 = tpu.memref_squeeze %dma_start3A_89 : memref<1x80x128xf32, #tpu.memory_space<vmem>> -> memref<80x128xf32, #tpu.memory_space<vmem>>
        %dma_start3A_91 = arith.constant 0 : i32
        %dma_start3A_92 = tpu.memref_slice %arg9[%mul3A_85, %dma_start3A_91] : memref<10000x128xf32, #tpu.memory_space<vmem_shared>> -> memref<80x128xf32, #tpu.memory_space<vmem_shared>>
        %dma_start3A_93 = arith.constant 0 : i32
        %dma_start3A_94 = tpu.memref_slice %arg9[%mul3A_85, %dma_start3A_93] : memref<10000x128xf32, #tpu.memory_space<vmem_shared>> -> memref<80x128xf32, #tpu.memory_space<vmem_shared>>
        %dma_start3A_95 = arith.constant 0 : i32
        %dma_start3A_96 = arith.constant 0 : i32
        %dma_start3A_97 = tpu.memref_slice %arg8[%dma_start3A_86, %dma_start3A_95, %dma_start3A_96] : memref<3x80x128xf32, #tpu.memory_space<vmem>> -> memref<1x80x128xf32, #tpu.memory_space<vmem>>
        %dma_start3A_98 = tpu.memref_squeeze %dma_start3A_97 : memref<1x80x128xf32, #tpu.memory_space<vmem>> -> memref<80x128xf32, #tpu.memory_space<vmem>>
        tpu.enqueue_dma source(%dma_start3A_98 : memref<80x128xf32, #tpu.memory_space<vmem>>) target(%dma_start3A_94 : memref<80x128xf32, #tpu.memory_space<vmem_shared>>) target_semaphore(%arg12 : memref<!tpu.dma_semaphore, #tpu.memory_space<semaphore_mem>>)
      } else {
      }
    }
    %scan3A_9 = arith.constant 8 : i32
    %run_scoped3A = arith.constant 0 : i32
    "tpu.region"() ({
      %run_scoped3A_74 = tpu.sem_alloc : memref<!tpu.dma_semaphore, #tpu.memory_space<semaphore_mem>>
      %dma_start3A_75 = arith.constant 0 : i32
      %dma_start3A_76 = arith.constant 0 : i32
      %dma_start3A_77 = tpu.memref_slice %arg3[%add3A, %run_scoped3A, %dma_start3A_75, %dma_start3A_76] : memref<32x5x25x80xi32, #tpu.memory_space<hbm>> -> memref<1x1x25x80xi32, #tpu.memory_space<hbm>>
      %dma_start3A_78 = tpu.memref_squeeze %dma_start3A_77 : memref<1x1x25x80xi32, #tpu.memory_space<hbm>> -> memref<25x80xi32, #tpu.memory_space<hbm>>
      %dma_start3A_79 = arith.constant 0 : i32
      %dma_start3A_80 = arith.constant 0 : i32
      %dma_start3A_81 = tpu.memref_slice %arg3[%add3A, %run_scoped3A, %dma_start3A_79, %dma_start3A_80] : memref<32x5x25x80xi32, #tpu.memory_space<hbm>> -> memref<1x1x25x80xi32, #tpu.memory_space<hbm>>
      %dma_start3A_82 = tpu.memref_squeeze %dma_start3A_81 : memref<1x1x25x80xi32, #tpu.memory_space<hbm>> -> memref<25x80xi32, #tpu.memory_space<hbm>>
      tpu.enqueue_dma source(%dma_start3A_82 : memref<25x80xi32, #tpu.memory_space<hbm>>) target(%arg6 : memref<25x80xi32, #tpu.memory_space<vmem>>) target_semaphore(%run_scoped3A_74 : memref<!tpu.dma_semaphore, #tpu.memory_space<semaphore_mem>>)
      %dma_wait3A = arith.constant 0 : i32
      %dma_wait3A_83 = arith.constant 0 : i32
      %dma_wait3A_84 = tpu.memref_slice %arg3[%add3A, %run_scoped3A, %dma_wait3A, %dma_wait3A_83] : memref<32x5x25x80xi32, #tpu.memory_space<hbm>> -> memref<1x1x25x80xi32, #tpu.memory_space<hbm>>
      %dma_wait3A_85 = tpu.memref_squeeze %dma_wait3A_84 : memref<1x1x25x80xi32, #tpu.memory_space<hbm>> -> memref<25x80xi32, #tpu.memory_space<hbm>>
      %dma_wait3A_86 = arith.constant 0 : i32
      %dma_wait3A_87 = arith.constant 0 : i32
      %dma_wait3A_88 = tpu.memref_slice %arg3[%add3A, %run_scoped3A, %dma_wait3A_86, %dma_wait3A_87] : memref<32x5x25x80xi32, #tpu.memory_space<hbm>> -> memref<1x1x25x80xi32, #tpu.memory_space<hbm>>
      %dma_wait3A_89 = tpu.memref_squeeze %dma_wait3A_88 : memref<1x1x25x80xi32, #tpu.memory_space<hbm>> -> memref<25x80xi32, #tpu.memory_space<hbm>>
      tpu.wait_dma2 semaphore(%run_scoped3A_74 : memref<!tpu.dma_semaphore, #tpu.memory_space<semaphore_mem>>) src(%dma_wait3A_89 : memref<25x80xi32, #tpu.memory_space<hbm>>) dst(%arg6 : memref<25x80xi32, #tpu.memory_space<vmem>>)
      tpu.yield
    }) : () -> ()
    %run_scoped3A_10 = arith.constant 0 : i32
    %run_scoped3A_11 = arith.constant 0 : i32
    "tpu.region"() ({
      %run_scoped3A_74 = tpu.sem_alloc : memref<!tpu.dma_semaphore, #tpu.memory_space<semaphore_mem>>
      %dma_start3A_75 = arith.constant 0 : i32
      %dma_start3A_76 = arith.constant 0 : i32
      %dma_start3A_77 = tpu.memref_slice %arg7[%run_scoped3A_11, %dma_start3A_75, %dma_start3A_76] : memref<2x25x80xi32, #tpu.memory_space<vmem>> -> memref<1x25x80xi32, #tpu.memory_space<vmem>>
      %dma_start3A_78 = tpu.memref_squeeze %dma_start3A_77 : memref<1x25x80xi32, #tpu.memory_space<vmem>> -> memref<25x80xi32, #tpu.memory_space<vmem>>
      %dma_start3A_79 = arith.constant 0 : i32
      %dma_start3A_80 = arith.constant 0 : i32
      %dma_start3A_81 = tpu.memref_slice %arg4[%add3A, %run_scoped3A_10, %dma_start3A_79, %dma_start3A_80] : memref<32x5x25x80xi32, #tpu.memory_space<hbm>> -> memref<1x1x25x80xi32, #tpu.memory_space<hbm>>
      %dma_start3A_82 = tpu.memref_squeeze %dma_start3A_81 : memref<1x1x25x80xi32, #tpu.memory_space<hbm>> -> memref<25x80xi32, #tpu.memory_space<hbm>>
      %dma_start3A_83 = arith.constant 0 : i32
      %dma_start3A_84 = arith.constant 0 : i32
      %dma_start3A_85 = tpu.memref_slice %arg7[%run_scoped3A_11, %dma_start3A_83, %dma_start3A_84] : memref<2x25x80xi32, #tpu.memory_space<vmem>> -> memref<1x25x80xi32, #tpu.memory_space<vmem>>
      %dma_start3A_86 = tpu.memref_squeeze %dma_start3A_85 : memref<1x25x80xi32, #tpu.memory_space<vmem>> -> memref<25x80xi32, #tpu.memory_space<vmem>>
      %dma_start3A_87 = arith.constant 0 : i32
      %dma_start3A_88 = arith.constant 0 : i32
      %dma_start3A_89 = tpu.memref_slice %arg4[%add3A, %run_scoped3A_10, %dma_start3A_87, %dma_start3A_88] : memref<32x5x25x80xi32, #tpu.memory_space<hbm>> -> memref<1x1x25x80xi32, #tpu.memory_space<hbm>>
      %dma_start3A_90 = tpu.memref_squeeze %dma_start3A_89 : memref<1x1x25x80xi32, #tpu.memory_space<hbm>> -> memref<25x80xi32, #tpu.memory_space<hbm>>
      tpu.enqueue_dma source(%dma_start3A_90 : memref<25x80xi32, #tpu.memory_space<hbm>>) target(%dma_start3A_86 : memref<25x80xi32, #tpu.memory_space<vmem>>) target_semaphore(%run_scoped3A_74 : memref<!tpu.dma_semaphore, #tpu.memory_space<semaphore_mem>>)
      %dma_wait3A = arith.constant 0 : i32
      %dma_wait3A_91 = arith.constant 0 : i32
      %dma_wait3A_92 = tpu.memref_slice %arg7[%run_scoped3A_11, %dma_wait3A, %dma_wait3A_91] : memref<2x25x80xi32, #tpu.memory_space<vmem>> -> memref<1x25x80xi32, #tpu.memory_space<vmem>>
      %dma_wait3A_93 = tpu.memref_squeeze %dma_wait3A_92 : memref<1x25x80xi32, #tpu.memory_space<vmem>> -> memref<25x80xi32, #tpu.memory_space<vmem>>
      %dma_wait3A_94 = arith.constant 0 : i32
      %dma_wait3A_95 = arith.constant 0 : i32
      %dma_wait3A_96 = tpu.memref_slice %arg4[%add3A, %run_scoped3A_10, %dma_wait3A_94, %dma_wait3A_95] : memref<32x5x25x80xi32, #tpu.memory_space<hbm>> -> memref<1x1x25x80xi32, #tpu.memory_space<hbm>>
      %dma_wait3A_97 = tpu.memref_squeeze %dma_wait3A_96 : memref<1x1x25x80xi32, #tpu.memory_space<hbm>> -> memref<25x80xi32, #tpu.memory_space<hbm>>
      %dma_wait3A_98 = arith.constant 0 : i32
      %dma_wait3A_99 = arith.constant 0 : i32
      %dma_wait3A_100 = tpu.memref_slice %arg7[%run_scoped3A_11, %dma_wait3A_98, %dma_wait3A_99] : memref<2x25x80xi32, #tpu.memory_space<vmem>> -> memref<1x25x80xi32, #tpu.memory_space<vmem>>
      %dma_wait3A_101 = tpu.memref_squeeze %dma_wait3A_100 : memref<1x25x80xi32, #tpu.memory_space<vmem>> -> memref<25x80xi32, #tpu.memory_space<vmem>>
      %dma_wait3A_102 = arith.constant 0 : i32
      %dma_wait3A_103 = arith.constant 0 : i32
      %dma_wait3A_104 = tpu.memref_slice %arg4[%add3A, %run_scoped3A_10, %dma_wait3A_102, %dma_wait3A_103] : memref<32x5x25x80xi32, #tpu.memory_space<hbm>> -> memref<1x1x25x80xi32, #tpu.memory_space<hbm>>
      %dma_wait3A_105 = tpu.memref_squeeze %dma_wait3A_104 : memref<1x1x25x80xi32, #tpu.memory_space<hbm>> -> memref<25x80xi32, #tpu.memory_space<hbm>>
      tpu.wait_dma2 semaphore(%run_scoped3A_74 : memref<!tpu.dma_semaphore, #tpu.memory_space<semaphore_mem>>) src(%dma_wait3A_105 : memref<25x80xi32, #tpu.memory_space<hbm>>) dst(%dma_wait3A_101 : memref<25x80xi32, #tpu.memory_space<vmem>>)
      tpu.yield
    }) : () -> ()
    %scan3A_12 = arith.constant 0 : i32
    %scan3A_13 = arith.constant 2 : i32
    %scan3A_14 = arith.addi %scan3A_12, %scan3A_13 : i32
    %scan3A_15 = arith.constant 1 : i32
    scf.for %scan3A_74 = %scan3A_12 to %scan3A_14 step %scan3A_15  : i32 {
      %mul3A_75 = arith.constant 1 : i32
      %mul3A_76 = arith.muli %scan3A_74, %mul3A_75 : i32
      %add3A_77 = arith.constant 1 : i32
      %add3A_78 = arith.addi %add3A_77, %mul3A_76 : i32
      %dma_start3A_79 = arith.constant 0 : i32
      %dma_start3A_80 = arith.constant 0 : i32
      %dma_start3A_81 = arith.constant 0 : i32
      %dma_start3A_82 = tpu.memref_slice %arg8[%add3A_78, %dma_start3A_80, %dma_start3A_81] : memref<3x80x128xf32, #tpu.memory_space<vmem>> -> memref<1x40x128xf32, #tpu.memory_space<vmem>>
      %dma_start3A_83 = tpu.memref_squeeze %dma_start3A_82 : memref<1x40x128xf32, #tpu.memory_space<vmem>> -> memref<40x128xf32, #tpu.memory_space<vmem>>
      %dma_start3A_84 = arith.constant 0 : i32
      %dma_start3A_85 = tpu.memref_slice %arg6[%add3A_78, %dma_start3A_84] : memref<25x80xi32, #tpu.memory_space<vmem>> -> memref<1x40xi32, #tpu.memory_space<vmem>>
      %dma_start3A_86 = tpu.memref_squeeze %dma_start3A_85 : memref<1x40xi32, #tpu.memory_space<vmem>> -> memref<40xi32, #tpu.memory_space<vmem>>
      %dma_start3A_87 = arith.constant 0 : i32
      %dma_start3A_88 = arith.constant 0 : i32
      %dma_start3A_89 = tpu.memref_slice %arg2[%dma_start3A_87, %dma_start3A_88] : memref<10000x128xf32, #tpu.memory_space<hbm>> -> memref<10000x128xf32, #tpu.memory_space<hbm>>
      %dma_start3A_90 = tpu.memref_slice %arg10[%add3A_78, %dma_start3A_79] : memref<3x2x!tpu.dma_semaphore, #tpu.memory_space<semaphore_mem>> -> memref<1x1x!tpu.dma_semaphore, #tpu.memory_space<semaphore_mem>>
      %dma_start3A_91 = tpu.memref_squeeze %dma_start3A_90 : memref<1x1x!tpu.dma_semaphore, #tpu.memory_space<semaphore_mem>> -> memref<!tpu.dma_semaphore, #tpu.memory_space<semaphore_mem>>
      tpu.enqueue_indirect_dma source(%dma_start3A_89 : memref<10000x128xf32, #tpu.memory_space<hbm>>) target(%dma_start3A_83 : memref<40x128xf32, #tpu.memory_space<vmem>>) offsets(%dma_start3A_86 : memref<40xi32, #tpu.memory_space<vmem>>) semaphore(%dma_start3A_91 : memref<!tpu.dma_semaphore, #tpu.memory_space<semaphore_mem>>)
      %dma_start3A_92 = arith.constant 1 : i32
      %dma_start3A_93 = arith.constant 40 : i32
      %dma_start3A_94 = arith.constant 0 : i32
      %dma_start3A_95 = tpu.memref_slice %arg8[%add3A_78, %dma_start3A_93, %dma_start3A_94] : memref<3x80x128xf32, #tpu.memory_space<vmem>> -> memref<1x40x128xf32, #tpu.memory_space<vmem>>
      %dma_start3A_96 = tpu.memref_squeeze %dma_start3A_95 : memref<1x40x128xf32, #tpu.memory_space<vmem>> -> memref<40x128xf32, #tpu.memory_space<vmem>>
      %dma_start3A_97 = arith.constant 40 : i32
      %dma_start3A_98 = tpu.memref_slice %arg6[%add3A_78, %dma_start3A_97] : memref<25x80xi32, #tpu.memory_space<vmem>> -> memref<1x40xi32, #tpu.memory_space<vmem>>
      %dma_start3A_99 = tpu.memref_squeeze %dma_start3A_98 : memref<1x40xi32, #tpu.memory_space<vmem>> -> memref<40xi32, #tpu.memory_space<vmem>>
      %dma_start3A_100 = arith.constant 0 : i32
      %dma_start3A_101 = arith.constant 0 : i32
      %dma_start3A_102 = tpu.memref_slice %arg2[%dma_start3A_100, %dma_start3A_101] : memref<10000x128xf32, #tpu.memory_space<hbm>> -> memref<10000x128xf32, #tpu.memory_space<hbm>>
      %dma_start3A_103 = tpu.memref_slice %arg10[%add3A_78, %dma_start3A_92] : memref<3x2x!tpu.dma_semaphore, #tpu.memory_space<semaphore_mem>> -> memref<1x1x!tpu.dma_semaphore, #tpu.memory_space<semaphore_mem>>
      %dma_start3A_104 = tpu.memref_squeeze %dma_start3A_103 : memref<1x1x!tpu.dma_semaphore, #tpu.memory_space<semaphore_mem>> -> memref<!tpu.dma_semaphore, #tpu.memory_space<semaphore_mem>>
      tpu.enqueue_indirect_dma source(%dma_start3A_102 : memref<10000x128xf32, #tpu.memory_space<hbm>>) target(%dma_start3A_96 : memref<40x128xf32, #tpu.memory_space<vmem>>) offsets(%dma_start3A_99 : memref<40xi32, #tpu.memory_space<vmem>>) semaphore(%dma_start3A_104 : memref<!tpu.dma_semaphore, #tpu.memory_space<semaphore_mem>>)
    }
    %scan3A_16 = arith.constant 2 : i32
    %scan3A_17 = arith.constant 0 : i32
    %scan3A_18 = arith.constant 8 : i32
    %scan3A_19 = arith.addi %scan3A_17, %scan3A_18 : i32
    %scan3A_20 = arith.constant 1 : i32
    scf.for %scan3A_74 = %scan3A_17 to %scan3A_19 step %scan3A_20  : i32 {
      %mul3A_75 = arith.constant 1 : i32
      %mul3A_76 = arith.muli %scan3A_74, %mul3A_75 : i32
      %add3A_77 = arith.constant 0 : i32
      %add3A_78 = arith.addi %add3A_77, %mul3A_76 : i32
      %mul3A_79 = arith.constant 16 : i32
      %mul3A_80 = arith.muli %add3A_78, %mul3A_79 : i32
      %add3A_81 = arith.addi %mul3A_80, %arg1 : i32
      %lt3A = arith.constant 125 : i32
      %lt3A_82 = arith.cmpi slt, %add3A_81, %lt3A : i32
      %convert_element_type3A = arith.extui %lt3A_82 : i1 to i32
      %cond3A = arith.constant 0 : i32
      %cond3A_83 = arith.cmpi ne, %convert_element_type3A, %cond3A : i32
      scf.if %cond3A_83 {
        %mul3A_84 = arith.constant 80 : i32
        %mul3A_85 = arith.muli %add3A_81, %mul3A_84 : i32
        %dma_wait3A = arith.constant 0 : i32
        %dma_wait3A_86 = arith.constant 0 : i32
        %dma_wait3A_87 = arith.constant 0 : i32
        %dma_wait3A_88 = tpu.memref_slice %arg8[%dma_wait3A, %dma_wait3A_86, %dma_wait3A_87] : memref<3x80x128xf32, #tpu.memory_space<vmem>> -> memref<1x80x128xf32, #tpu.memory_space<vmem>>
        %dma_wait3A_89 = tpu.memref_squeeze %dma_wait3A_88 : memref<1x80x128xf32, #tpu.memory_space<vmem>> -> memref<80x128xf32, #tpu.memory_space<vmem>>
        %dma_wait3A_90 = arith.constant 0 : i32
        %dma_wait3A_91 = tpu.memref_slice %arg9[%mul3A_85, %dma_wait3A_90] : memref<10000x128xf32, #tpu.memory_space<vmem_shared>> -> memref<80x128xf32, #tpu.memory_space<vmem_shared>>
        %dma_wait3A_92 = arith.constant 0 : i32
        %dma_wait3A_93 = tpu.memref_slice %arg9[%mul3A_85, %dma_wait3A_92] : memref<10000x128xf32, #tpu.memory_space<vmem_shared>> -> memref<80x128xf32, #tpu.memory_space<vmem_shared>>
        %dma_wait3A_94 = arith.constant 0 : i32
        %dma_wait3A_95 = arith.constant 0 : i32
        %dma_wait3A_96 = tpu.memref_slice %arg8[%dma_wait3A, %dma_wait3A_94, %dma_wait3A_95] : memref<3x80x128xf32, #tpu.memory_space<vmem>> -> memref<1x80x128xf32, #tpu.memory_space<vmem>>
        %dma_wait3A_97 = tpu.memref_squeeze %dma_wait3A_96 : memref<1x80x128xf32, #tpu.memory_space<vmem>> -> memref<80x128xf32, #tpu.memory_space<vmem>>
        tpu.wait_dma2 semaphore(%arg12 : memref<!tpu.dma_semaphore, #tpu.memory_space<semaphore_mem>>) src(%dma_wait3A_97 : memref<80x128xf32, #tpu.memory_space<vmem>>) dst(%dma_wait3A_93 : memref<80x128xf32, #tpu.memory_space<vmem_shared>>)
      } else {
      }
    }
    %scan3A_21 = arith.constant 8 : i32
    %dma_start3A = arith.constant 0 : i32
    %dma_start3A_22 = arith.constant 0 : i32
    %dma_start3A_23 = arith.constant 0 : i32
    %dma_start3A_24 = arith.constant 0 : i32
    %dma_start3A_25 = arith.constant 0 : i32
    %dma_start3A_26 = arith.constant 0 : i32
    %dma_start3A_27 = tpu.memref_slice %arg8[%dma_start3A_22, %dma_start3A_25, %dma_start3A_26] : memref<3x80x128xf32, #tpu.memory_space<vmem>> -> memref<1x40x128xf32, #tpu.memory_space<vmem>>
    %dma_start3A_28 = tpu.memref_squeeze %dma_start3A_27 : memref<1x40x128xf32, #tpu.memory_space<vmem>> -> memref<40x128xf32, #tpu.memory_space<vmem>>
    %dma_start3A_29 = arith.constant 0 : i32
    %dma_start3A_30 = tpu.memref_slice %arg6[%dma_start3A, %dma_start3A_29] : memref<25x80xi32, #tpu.memory_space<vmem>> -> memref<1x40xi32, #tpu.memory_space<vmem>>
    %dma_start3A_31 = tpu.memref_squeeze %dma_start3A_30 : memref<1x40xi32, #tpu.memory_space<vmem>> -> memref<40xi32, #tpu.memory_space<vmem>>
    %dma_start3A_32 = arith.constant 0 : i32
    %dma_start3A_33 = arith.constant 0 : i32
    %dma_start3A_34 = tpu.memref_slice %arg2[%dma_start3A_32, %dma_start3A_33] : memref<10000x128xf32, #tpu.memory_space<hbm>> -> memref<10000x128xf32, #tpu.memory_space<hbm>>
    %dma_start3A_35 = tpu.memref_slice %arg10[%dma_start3A_23, %dma_start3A_24] : memref<3x2x!tpu.dma_semaphore, #tpu.memory_space<semaphore_mem>> -> memref<1x1x!tpu.dma_semaphore, #tpu.memory_space<semaphore_mem>>
    %dma_start3A_36 = tpu.memref_squeeze %dma_start3A_35 : memref<1x1x!tpu.dma_semaphore, #tpu.memory_space<semaphore_mem>> -> memref<!tpu.dma_semaphore, #tpu.memory_space<semaphore_mem>>
    tpu.enqueue_indirect_dma source(%dma_start3A_34 : memref<10000x128xf32, #tpu.memory_space<hbm>>) target(%dma_start3A_28 : memref<40x128xf32, #tpu.memory_space<vmem>>) offsets(%dma_start3A_31 : memref<40xi32, #tpu.memory_space<vmem>>) semaphore(%dma_start3A_36 : memref<!tpu.dma_semaphore, #tpu.memory_space<semaphore_mem>>)
    %dma_start3A_37 = arith.constant 0 : i32
    %dma_start3A_38 = arith.constant 0 : i32
    %dma_start3A_39 = arith.constant 0 : i32
    %dma_start3A_40 = arith.constant 1 : i32
    %dma_start3A_41 = arith.constant 40 : i32
    %dma_start3A_42 = arith.constant 0 : i32
    %dma_start3A_43 = tpu.memref_slice %arg8[%dma_start3A_38, %dma_start3A_41, %dma_start3A_42] : memref<3x80x128xf32, #tpu.memory_space<vmem>> -> memref<1x40x128xf32, #tpu.memory_space<vmem>>
    %dma_start3A_44 = tpu.memref_squeeze %dma_start3A_43 : memref<1x40x128xf32, #tpu.memory_space<vmem>> -> memref<40x128xf32, #tpu.memory_space<vmem>>
    %dma_start3A_45 = arith.constant 40 : i32
    %dma_start3A_46 = tpu.memref_slice %arg6[%dma_start3A_37, %dma_start3A_45] : memref<25x80xi32, #tpu.memory_space<vmem>> -> memref<1x40xi32, #tpu.memory_space<vmem>>
    %dma_start3A_47 = tpu.memref_squeeze %dma_start3A_46 : memref<1x40xi32, #tpu.memory_space<vmem>> -> memref<40xi32, #tpu.memory_space<vmem>>
    %dma_start3A_48 = arith.constant 0 : i32
    %dma_start3A_49 = arith.constant 0 : i32
    %dma_start3A_50 = tpu.memref_slice %arg2[%dma_start3A_48, %dma_start3A_49] : memref<10000x128xf32, #tpu.memory_space<hbm>> -> memref<10000x128xf32, #tpu.memory_space<hbm>>
    %dma_start3A_51 = tpu.memref_slice %arg10[%dma_start3A_39, %dma_start3A_40] : memref<3x2x!tpu.dma_semaphore, #tpu.memory_space<semaphore_mem>> -> memref<1x1x!tpu.dma_semaphore, #tpu.memory_space<semaphore_mem>>
    %dma_start3A_52 = tpu.memref_squeeze %dma_start3A_51 : memref<1x1x!tpu.dma_semaphore, #tpu.memory_space<semaphore_mem>> -> memref<!tpu.dma_semaphore, #tpu.memory_space<semaphore_mem>>
    tpu.enqueue_indirect_dma source(%dma_start3A_50 : memref<10000x128xf32, #tpu.memory_space<hbm>>) target(%dma_start3A_44 : memref<40x128xf32, #tpu.memory_space<vmem>>) offsets(%dma_start3A_47 : memref<40xi32, #tpu.memory_space<vmem>>) semaphore(%dma_start3A_52 : memref<!tpu.dma_semaphore, #tpu.memory_space<semaphore_mem>>)
    %barrier3A = arith.constant 0 : index
    tpu.barrier barrier_id(%barrier3A)
    %scan3A_53 = arith.constant 0 : i32
    %scan3A_54 = arith.constant 5 : i32
    %scan3A_55 = arith.addi %scan3A_53, %scan3A_54 : i32
    %scan3A_56 = arith.constant 1 : i32
    scf.for %scan3A_74 = %scan3A_53 to %scan3A_55 step %scan3A_56  : i32 {
      %mul3A_75 = arith.constant 1 : i32
      %mul3A_76 = arith.muli %scan3A_74, %mul3A_75 : i32
      %add3A_77 = arith.constant 0 : i32
      %add3A_78 = arith.addi %add3A_77, %mul3A_76 : i32
      %rem3A = arith.constant 2 : i32
      %rem3A_79 = arith.remsi %add3A_78, %rem3A : i32
      %gt3A = arith.constant 0 : i32
      %gt3A_80 = arith.cmpi sgt, %add3A_78, %gt3A : i32
      %convert_element_type3A = arith.extui %gt3A_80 : i1 to i32
      %cond3A = arith.constant 0 : i32
      %cond3A_81 = arith.cmpi ne, %convert_element_type3A, %cond3A : i32
      scf.if %cond3A_81 {
        "tpu.region"() ({
          %run_scoped3A_87 = tpu.sem_alloc : memref<!tpu.dma_semaphore, #tpu.memory_space<semaphore_mem>>
          %dma_start3A_88 = arith.constant 0 : i32
          %dma_start3A_89 = arith.constant 0 : i32
          %dma_start3A_90 = tpu.memref_slice %arg3[%add3A, %add3A_78, %dma_start3A_88, %dma_start3A_89] : memref<32x5x25x80xi32, #tpu.memory_space<hbm>> -> memref<1x1x25x80xi32, #tpu.memory_space<hbm>>
          %dma_start3A_91 = tpu.memref_squeeze %dma_start3A_90 : memref<1x1x25x80xi32, #tpu.memory_space<hbm>> -> memref<25x80xi32, #tpu.memory_space<hbm>>
          %dma_start3A_92 = arith.constant 0 : i32
          %dma_start3A_93 = arith.constant 0 : i32
          %dma_start3A_94 = tpu.memref_slice %arg3[%add3A, %add3A_78, %dma_start3A_92, %dma_start3A_93] : memref<32x5x25x80xi32, #tpu.memory_space<hbm>> -> memref<1x1x25x80xi32, #tpu.memory_space<hbm>>
          %dma_start3A_95 = tpu.memref_squeeze %dma_start3A_94 : memref<1x1x25x80xi32, #tpu.memory_space<hbm>> -> memref<25x80xi32, #tpu.memory_space<hbm>>
          tpu.enqueue_dma source(%dma_start3A_95 : memref<25x80xi32, #tpu.memory_space<hbm>>) target(%arg6 : memref<25x80xi32, #tpu.memory_space<vmem>>) target_semaphore(%run_scoped3A_87 : memref<!tpu.dma_semaphore, #tpu.memory_space<semaphore_mem>>)
          %dma_wait3A = arith.constant 0 : i32
          %dma_wait3A_96 = arith.constant 0 : i32
          %dma_wait3A_97 = tpu.memref_slice %arg3[%add3A, %add3A_78, %dma_wait3A, %dma_wait3A_96] : memref<32x5x25x80xi32, #tpu.memory_space<hbm>> -> memref<1x1x25x80xi32, #tpu.memory_space<hbm>>
          %dma_wait3A_98 = tpu.memref_squeeze %dma_wait3A_97 : memref<1x1x25x80xi32, #tpu.memory_space<hbm>> -> memref<25x80xi32, #tpu.memory_space<hbm>>
          %dma_wait3A_99 = arith.constant 0 : i32
          %dma_wait3A_100 = arith.constant 0 : i32
          %dma_wait3A_101 = tpu.memref_slice %arg3[%add3A, %add3A_78, %dma_wait3A_99, %dma_wait3A_100] : memref<32x5x25x80xi32, #tpu.memory_space<hbm>> -> memref<1x1x25x80xi32, #tpu.memory_space<hbm>>
          %dma_wait3A_102 = tpu.memref_squeeze %dma_wait3A_101 : memref<1x1x25x80xi32, #tpu.memory_space<hbm>> -> memref<25x80xi32, #tpu.memory_space<hbm>>
          tpu.wait_dma2 semaphore(%run_scoped3A_87 : memref<!tpu.dma_semaphore, #tpu.memory_space<semaphore_mem>>) src(%dma_wait3A_102 : memref<25x80xi32, #tpu.memory_space<hbm>>) dst(%arg6 : memref<25x80xi32, #tpu.memory_space<vmem>>)
          tpu.yield
        }) : () -> ()
        "tpu.region"() ({
          %run_scoped3A_87 = tpu.sem_alloc : memref<!tpu.dma_semaphore, #tpu.memory_space<semaphore_mem>>
          %dma_start3A_88 = arith.constant 0 : i32
          %dma_start3A_89 = arith.constant 0 : i32
          %dma_start3A_90 = tpu.memref_slice %arg7[%rem3A_79, %dma_start3A_88, %dma_start3A_89] : memref<2x25x80xi32, #tpu.memory_space<vmem>> -> memref<1x25x80xi32, #tpu.memory_space<vmem>>
          %dma_start3A_91 = tpu.memref_squeeze %dma_start3A_90 : memref<1x25x80xi32, #tpu.memory_space<vmem>> -> memref<25x80xi32, #tpu.memory_space<vmem>>
          %dma_start3A_92 = arith.constant 0 : i32
          %dma_start3A_93 = arith.constant 0 : i32
          %dma_start3A_94 = tpu.memref_slice %arg4[%add3A, %add3A_78, %dma_start3A_92, %dma_start3A_93] : memref<32x5x25x80xi32, #tpu.memory_space<hbm>> -> memref<1x1x25x80xi32, #tpu.memory_space<hbm>>
          %dma_start3A_95 = tpu.memref_squeeze %dma_start3A_94 : memref<1x1x25x80xi32, #tpu.memory_space<hbm>> -> memref<25x80xi32, #tpu.memory_space<hbm>>
          %dma_start3A_96 = arith.constant 0 : i32
          %dma_start3A_97 = arith.constant 0 : i32
          %dma_start3A_98 = tpu.memref_slice %arg7[%rem3A_79, %dma_start3A_96, %dma_start3A_97] : memref<2x25x80xi32, #tpu.memory_space<vmem>> -> memref<1x25x80xi32, #tpu.memory_space<vmem>>
          %dma_start3A_99 = tpu.memref_squeeze %dma_start3A_98 : memref<1x25x80xi32, #tpu.memory_space<vmem>> -> memref<25x80xi32, #tpu.memory_space<vmem>>
          %dma_start3A_100 = arith.constant 0 : i32
          %dma_start3A_101 = arith.constant 0 : i32
          %dma_start3A_102 = tpu.memref_slice %arg4[%add3A, %add3A_78, %dma_start3A_100, %dma_start3A_101] : memref<32x5x25x80xi32, #tpu.memory_space<hbm>> -> memref<1x1x25x80xi32, #tpu.memory_space<hbm>>
          %dma_start3A_103 = tpu.memref_squeeze %dma_start3A_102 : memref<1x1x25x80xi32, #tpu.memory_space<hbm>> -> memref<25x80xi32, #tpu.memory_space<hbm>>
          tpu.enqueue_dma source(%dma_start3A_103 : memref<25x80xi32, #tpu.memory_space<hbm>>) target(%dma_start3A_99 : memref<25x80xi32, #tpu.memory_space<vmem>>) target_semaphore(%run_scoped3A_87 : memref<!tpu.dma_semaphore, #tpu.memory_space<semaphore_mem>>)
          %dma_wait3A = arith.constant 0 : i32
          %dma_wait3A_104 = arith.constant 0 : i32
          %dma_wait3A_105 = tpu.memref_slice %arg7[%rem3A_79, %dma_wait3A, %dma_wait3A_104] : memref<2x25x80xi32, #tpu.memory_space<vmem>> -> memref<1x25x80xi32, #tpu.memory_space<vmem>>
          %dma_wait3A_106 = tpu.memref_squeeze %dma_wait3A_105 : memref<1x25x80xi32, #tpu.memory_space<vmem>> -> memref<25x80xi32, #tpu.memory_space<vmem>>
          %dma_wait3A_107 = arith.constant 0 : i32
          %dma_wait3A_108 = arith.constant 0 : i32
          %dma_wait3A_109 = tpu.memref_slice %arg4[%add3A, %add3A_78, %dma_wait3A_107, %dma_wait3A_108] : memref<32x5x25x80xi32, #tpu.memory_space<hbm>> -> memref<1x1x25x80xi32, #tpu.memory_space<hbm>>
          %dma_wait3A_110 = tpu.memref_squeeze %dma_wait3A_109 : memref<1x1x25x80xi32, #tpu.memory_space<hbm>> -> memref<25x80xi32, #tpu.memory_space<hbm>>
          %dma_wait3A_111 = arith.constant 0 : i32
          %dma_wait3A_112 = arith.constant 0 : i32
          %dma_wait3A_113 = tpu.memref_slice %arg7[%rem3A_79, %dma_wait3A_111, %dma_wait3A_112] : memref<2x25x80xi32, #tpu.memory_space<vmem>> -> memref<1x25x80xi32, #tpu.memory_space<vmem>>
          %dma_wait3A_114 = tpu.memref_squeeze %dma_wait3A_113 : memref<1x25x80xi32, #tpu.memory_space<vmem>> -> memref<25x80xi32, #tpu.memory_space<vmem>>
          %dma_wait3A_115 = arith.constant 0 : i32
          %dma_wait3A_116 = arith.constant 0 : i32
          %dma_wait3A_117 = tpu.memref_slice %arg4[%add3A, %add3A_78, %dma_wait3A_115, %dma_wait3A_116] : memref<32x5x25x80xi32, #tpu.memory_space<hbm>> -> memref<1x1x25x80xi32, #tpu.memory_space<hbm>>
          %dma_wait3A_118 = tpu.memref_squeeze %dma_wait3A_117 : memref<1x1x25x80xi32, #tpu.memory_space<hbm>> -> memref<25x80xi32, #tpu.memory_space<hbm>>
          tpu.wait_dma2 semaphore(%run_scoped3A_87 : memref<!tpu.dma_semaphore, #tpu.memory_space<semaphore_mem>>) src(%dma_wait3A_118 : memref<25x80xi32, #tpu.memory_space<hbm>>) dst(%dma_wait3A_114 : memref<25x80xi32, #tpu.memory_space<vmem>>)
          tpu.yield
        }) : () -> ()
      } else {
      }
      %scan3A_82 = arith.constant 0 : i32
      %scan3A_83 = arith.constant 27 : i32
      %scan3A_84 = arith.addi %scan3A_82, %scan3A_83 : i32
      %scan3A_85 = arith.constant 1 : i32
      scf.for %scan3A_87 = %scan3A_82 to %scan3A_84 step %scan3A_85  : i32 {
        %mul3A_88 = arith.constant 1 : i32
        %mul3A_89 = arith.muli %scan3A_87, %mul3A_88 : i32
        %add3A_90 = arith.constant 0 : i32
        %add3A_91 = arith.addi %add3A_90, %mul3A_89 : i32
        %mul3A_92 = arith.constant 25 : i32
        %mul3A_93 = arith.muli %add3A_78, %mul3A_92 : i32
        %add3A_94 = arith.addi %mul3A_93, %add3A_91 : i32
        %lt3A = arith.constant 25 : i32
        %lt3A_95 = arith.cmpi slt, %add3A_91, %lt3A : i32
        %convert_element_type3A_96 = arith.extui %lt3A_95 : i1 to i32
        %cond3A_97 = arith.constant 0 : i32
        %cond3A_98 = arith.cmpi ne, %convert_element_type3A_96, %cond3A_97 : i32
        scf.if %cond3A_98 {
          %ge3A_103 = arith.constant 3 : i32
          %ge3A_104 = arith.cmpi sge, %add3A_94, %ge3A_103 : i32
          %convert_element_type3A_105 = arith.extui %ge3A_104 : i1 to i32
          %cond3A_106 = arith.constant 0 : i32
          %cond3A_107 = arith.cmpi ne, %convert_element_type3A_105, %cond3A_106 : i32
          scf.if %cond3A_107 {
            %sub3A = arith.constant 3 : i32
            %sub3A_108 = arith.subi %add3A_94, %sub3A : i32
            %rem3A_109 = arith.constant 3 : i32
            %rem3A_110 = arith.remsi %sub3A_108, %rem3A_109 : i32
            %rem3A_111 = arith.constant 25 : i32
            %rem3A_112 = arith.remsi %sub3A_108, %rem3A_111 : i32
            %jit3A = arith.constant 25 : i32
            %div3A = arith.divsi %sub3A_108, %jit3A : i32
            %sign3A = arith.constant 0 : i32
            %sign3A_113 = arith.cmpi sgt, %sub3A_108, %sign3A : i32
            %sign3A_114 = arith.extui %sign3A_113 : i1 to i32
            %sign3A_115 = arith.constant 0 : i32
            %sign3A_116 = arith.cmpi slt, %sub3A_108, %sign3A_115 : i32
            %sign3A_117 = arith.extui %sign3A_116 : i1 to i32
            %sign3A_118 = arith.subi %sign3A_114, %sign3A_117 : i32
            %sign3A_119 = arith.constant 0 : i32
            %sign3A_120 = arith.cmpi sgt, %jit3A, %sign3A_119 : i32
            %sign3A_121 = arith.extui %sign3A_120 : i1 to i32
            %sign3A_122 = arith.constant 0 : i32
            %sign3A_123 = arith.cmpi slt, %jit3A, %sign3A_122 : i32
            %sign3A_124 = arith.extui %sign3A_123 : i1 to i32
            %sign3A_125 = arith.subi %sign3A_121, %sign3A_124 : i32
            %ne3A = arith.cmpi ne, %sign3A_118, %sign3A_125 : i32
            %rem3A_126 = arith.remsi %sub3A_108, %jit3A : i32
            %ne3A_127 = arith.constant 0 : i32
            %ne3A_128 = arith.cmpi ne, %rem3A_126, %ne3A_127 : i32
            %and3A = arith.andi %ne3A, %ne3A_128 : i1
            %sub3A_129 = arith.constant 1 : i32
            %sub3A_130 = arith.subi %div3A, %sub3A_129 : i32
            %select_n3A = arith.select %and3A, %sub3A_130, %div3A : i32
            %rem3A_131 = arith.constant 2 : i32
            %rem3A_132 = arith.remsi %select_n3A, %rem3A_131 : i32
            %dma_wait3A = arith.constant 0 : i32
            %dma_wait3A_133 = arith.constant 0 : i32
            %dma_wait3A_134 = tpu.memref_slice %arg8[%rem3A_110, %dma_wait3A, %dma_wait3A_133] : memref<3x80x128xf32, #tpu.memory_space<vmem>> -> memref<1x80x128xf32, #tpu.memory_space<vmem>>
            %dma_wait3A_135 = tpu.memref_squeeze %dma_wait3A_134 : memref<1x80x128xf32, #tpu.memory_space<vmem>> -> memref<80x128xf32, #tpu.memory_space<vmem>>
            %dma_wait3A_136 = arith.constant 0 : i32
            %dma_wait3A_137 = tpu.memref_slice %arg7[%rem3A_132, %rem3A_112, %dma_wait3A_136] : memref<2x25x80xi32, #tpu.memory_space<vmem>> -> memref<1x1x80xi32, #tpu.memory_space<vmem>>
            %dma_wait3A_138 = tpu.memref_squeeze %dma_wait3A_137 : memref<1x1x80xi32, #tpu.memory_space<vmem>> -> memref<80xi32, #tpu.memory_space<vmem>>
            %dma_wait3A_139 = arith.constant 0 : i32
            %dma_wait3A_140 = arith.constant 0 : i32
            %dma_wait3A_141 = tpu.memref_slice %arg9[%dma_wait3A_139, %dma_wait3A_140] : memref<10000x128xf32, #tpu.memory_space<vmem_shared>> -> memref<10000x128xf32, #tpu.memory_space<vmem_shared>>
            %dma_wait3A_142 = tpu.memref_slice %arg11[%rem3A_110] : memref<3x!tpu.dma_semaphore, #tpu.memory_space<semaphore_mem>> -> memref<1x!tpu.dma_semaphore, #tpu.memory_space<semaphore_mem>>
            %dma_wait3A_143 = tpu.memref_squeeze %dma_wait3A_142 : memref<1x!tpu.dma_semaphore, #tpu.memory_space<semaphore_mem>> -> memref<!tpu.dma_semaphore, #tpu.memory_space<semaphore_mem>>
            tpu.wait_indirect_dma semaphore(%dma_wait3A_143 : memref<!tpu.dma_semaphore, #tpu.memory_space<semaphore_mem>>) src(%dma_wait3A_135 : memref<80x128xf32, #tpu.memory_space<vmem>>) dst(%dma_wait3A_141 : memref<10000x128xf32, #tpu.memory_space<vmem_shared>>)
            %rem3A_144 = arith.constant 3 : i32
            %rem3A_145 = arith.remsi %add3A_94, %rem3A_144 : i32
            %dma_start3A_146 = arith.constant 0 : i32
            %dma_start3A_147 = arith.constant 0 : i32
            %dma_start3A_148 = arith.constant 0 : i32
            %dma_start3A_149 = tpu.memref_slice %arg8[%rem3A_145, %dma_start3A_147, %dma_start3A_148] : memref<3x80x128xf32, #tpu.memory_space<vmem>> -> memref<1x40x128xf32, #tpu.memory_space<vmem>>
            %dma_start3A_150 = tpu.memref_squeeze %dma_start3A_149 : memref<1x40x128xf32, #tpu.memory_space<vmem>> -> memref<40x128xf32, #tpu.memory_space<vmem>>
            %dma_start3A_151 = arith.constant 0 : i32
            %dma_start3A_152 = tpu.memref_slice %arg6[%add3A_91, %dma_start3A_151] : memref<25x80xi32, #tpu.memory_space<vmem>> -> memref<1x40xi32, #tpu.memory_space<vmem>>
            %dma_start3A_153 = tpu.memref_squeeze %dma_start3A_152 : memref<1x40xi32, #tpu.memory_space<vmem>> -> memref<40xi32, #tpu.memory_space<vmem>>
            %dma_start3A_154 = arith.constant 0 : i32
            %dma_start3A_155 = arith.constant 0 : i32
            %dma_start3A_156 = tpu.memref_slice %arg2[%dma_start3A_154, %dma_start3A_155] : memref<10000x128xf32, #tpu.memory_space<hbm>> -> memref<10000x128xf32, #tpu.memory_space<hbm>>
            %dma_start3A_157 = tpu.memref_slice %arg10[%rem3A_145, %dma_start3A_146] : memref<3x2x!tpu.dma_semaphore, #tpu.memory_space<semaphore_mem>> -> memref<1x1x!tpu.dma_semaphore, #tpu.memory_space<semaphore_mem>>
            %dma_start3A_158 = tpu.memref_squeeze %dma_start3A_157 : memref<1x1x!tpu.dma_semaphore, #tpu.memory_space<semaphore_mem>> -> memref<!tpu.dma_semaphore, #tpu.memory_space<semaphore_mem>>
            tpu.enqueue_indirect_dma source(%dma_start3A_156 : memref<10000x128xf32, #tpu.memory_space<hbm>>) target(%dma_start3A_150 : memref<40x128xf32, #tpu.memory_space<vmem>>) offsets(%dma_start3A_153 : memref<40xi32, #tpu.memory_space<vmem>>) semaphore(%dma_start3A_158 : memref<!tpu.dma_semaphore, #tpu.memory_space<semaphore_mem>>)
            %dma_start3A_159 = arith.constant 1 : i32
            %dma_start3A_160 = arith.constant 40 : i32
            %dma_start3A_161 = arith.constant 0 : i32
            %dma_start3A_162 = tpu.memref_slice %arg8[%rem3A_145, %dma_start3A_160, %dma_start3A_161] : memref<3x80x128xf32, #tpu.memory_space<vmem>> -> memref<1x40x128xf32, #tpu.memory_space<vmem>>
            %dma_start3A_163 = tpu.memref_squeeze %dma_start3A_162 : memref<1x40x128xf32, #tpu.memory_space<vmem>> -> memref<40x128xf32, #tpu.memory_space<vmem>>
            %dma_start3A_164 = arith.constant 40 : i32
            %dma_start3A_165 = tpu.memref_slice %arg6[%add3A_91, %dma_start3A_164] : memref<25x80xi32, #tpu.memory_space<vmem>> -> memref<1x40xi32, #tpu.memory_space<vmem>>
            %dma_start3A_166 = tpu.memref_squeeze %dma_start3A_165 : memref<1x40xi32, #tpu.memory_space<vmem>> -> memref<40xi32, #tpu.memory_space<vmem>>
            %dma_start3A_167 = arith.constant 0 : i32
            %dma_start3A_168 = arith.constant 0 : i32
            %dma_start3A_169 = tpu.memref_slice %arg2[%dma_start3A_167, %dma_start3A_168] : memref<10000x128xf32, #tpu.memory_space<hbm>> -> memref<10000x128xf32, #tpu.memory_space<hbm>>
            %dma_start3A_170 = tpu.memref_slice %arg10[%rem3A_145, %dma_start3A_159] : memref<3x2x!tpu.dma_semaphore, #tpu.memory_space<semaphore_mem>> -> memref<1x1x!tpu.dma_semaphore, #tpu.memory_space<semaphore_mem>>
            %dma_start3A_171 = tpu.memref_squeeze %dma_start3A_170 : memref<1x1x!tpu.dma_semaphore, #tpu.memory_space<semaphore_mem>> -> memref<!tpu.dma_semaphore, #tpu.memory_space<semaphore_mem>>
            tpu.enqueue_indirect_dma source(%dma_start3A_169 : memref<10000x128xf32, #tpu.memory_space<hbm>>) target(%dma_start3A_163 : memref<40x128xf32, #tpu.memory_space<vmem>>) offsets(%dma_start3A_166 : memref<40xi32, #tpu.memory_space<vmem>>) semaphore(%dma_start3A_171 : memref<!tpu.dma_semaphore, #tpu.memory_space<semaphore_mem>>)
          } else {
          }
        } else {
        }
        %ge3A = arith.constant 2 : i32
        %ge3A_99 = arith.cmpi sge, %add3A_91, %ge3A : i32
        %convert_element_type3A_100 = arith.extui %ge3A_99 : i1 to i32
        %cond3A_101 = arith.constant 0 : i32
        %cond3A_102 = arith.cmpi ne, %convert_element_type3A_100, %cond3A_101 : i32
        scf.if %cond3A_102 {
          %sub3A = arith.constant 2 : i32
          %sub3A_103 = arith.subi %add3A_91, %sub3A : i32
          %sub3A_104 = arith.constant 2 : i32
          %sub3A_105 = arith.subi %add3A_94, %sub3A_104 : i32
          %rem3A_106 = arith.constant 3 : i32
          %rem3A_107 = arith.remsi %sub3A_105, %rem3A_106 : i32
          %dma_wait3A = arith.constant 0 : i32
          %dma_wait3A_108 = arith.constant 0 : i32
          %dma_wait3A_109 = arith.constant 0 : i32
          %dma_wait3A_110 = tpu.memref_slice %arg8[%rem3A_107, %dma_wait3A_108, %dma_wait3A_109] : memref<3x80x128xf32, #tpu.memory_space<vmem>> -> memref<1x40x128xf32, #tpu.memory_space<vmem>>
          %dma_wait3A_111 = tpu.memref_squeeze %dma_wait3A_110 : memref<1x40x128xf32, #tpu.memory_space<vmem>> -> memref<40x128xf32, #tpu.memory_space<vmem>>
          %dma_wait3A_112 = arith.constant 0 : i32
          %dma_wait3A_113 = tpu.memref_slice %arg6[%sub3A_103, %dma_wait3A_112] : memref<25x80xi32, #tpu.memory_space<vmem>> -> memref<1x40xi32, #tpu.memory_space<vmem>>
          %dma_wait3A_114 = tpu.memref_squeeze %dma_wait3A_113 : memref<1x40xi32, #tpu.memory_space<vmem>> -> memref<40xi32, #tpu.memory_space<vmem>>
          %dma_wait3A_115 = arith.constant 0 : i32
          %dma_wait3A_116 = arith.constant 0 : i32
          %dma_wait3A_117 = tpu.memref_slice %arg2[%dma_wait3A_115, %dma_wait3A_116] : memref<10000x128xf32, #tpu.memory_space<hbm>> -> memref<10000x128xf32, #tpu.memory_space<hbm>>
          %dma_wait3A_118 = tpu.memref_slice %arg10[%rem3A_107, %dma_wait3A] : memref<3x2x!tpu.dma_semaphore, #tpu.memory_space<semaphore_mem>> -> memref<1x1x!tpu.dma_semaphore, #tpu.memory_space<semaphore_mem>>
          %dma_wait3A_119 = tpu.memref_squeeze %dma_wait3A_118 : memref<1x1x!tpu.dma_semaphore, #tpu.memory_space<semaphore_mem>> -> memref<!tpu.dma_semaphore, #tpu.memory_space<semaphore_mem>>
          tpu.wait_indirect_dma semaphore(%dma_wait3A_119 : memref<!tpu.dma_semaphore, #tpu.memory_space<semaphore_mem>>) src(%dma_wait3A_117 : memref<10000x128xf32, #tpu.memory_space<hbm>>) dst(%dma_wait3A_111 : memref<40x128xf32, #tpu.memory_space<vmem>>)
          %dma_wait3A_120 = arith.constant 1 : i32
          %dma_wait3A_121 = arith.constant 40 : i32
          %dma_wait3A_122 = arith.constant 0 : i32
          %dma_wait3A_123 = tpu.memref_slice %arg8[%rem3A_107, %dma_wait3A_121, %dma_wait3A_122] : memref<3x80x128xf32, #tpu.memory_space<vmem>> -> memref<1x40x128xf32, #tpu.memory_space<vmem>>
          %dma_wait3A_124 = tpu.memref_squeeze %dma_wait3A_123 : memref<1x40x128xf32, #tpu.memory_space<vmem>> -> memref<40x128xf32, #tpu.memory_space<vmem>>
          %dma_wait3A_125 = arith.constant 40 : i32
          %dma_wait3A_126 = tpu.memref_slice %arg6[%sub3A_103, %dma_wait3A_125] : memref<25x80xi32, #tpu.memory_space<vmem>> -> memref<1x40xi32, #tpu.memory_space<vmem>>
          %dma_wait3A_127 = tpu.memref_squeeze %dma_wait3A_126 : memref<1x40xi32, #tpu.memory_space<vmem>> -> memref<40xi32, #tpu.memory_space<vmem>>
          %dma_wait3A_128 = arith.constant 0 : i32
          %dma_wait3A_129 = arith.constant 0 : i32
          %dma_wait3A_130 = tpu.memref_slice %arg2[%dma_wait3A_128, %dma_wait3A_129] : memref<10000x128xf32, #tpu.memory_space<hbm>> -> memref<10000x128xf32, #tpu.memory_space<hbm>>
          %dma_wait3A_131 = tpu.memref_slice %arg10[%rem3A_107, %dma_wait3A_120] : memref<3x2x!tpu.dma_semaphore, #tpu.memory_space<semaphore_mem>> -> memref<1x1x!tpu.dma_semaphore, #tpu.memory_space<semaphore_mem>>
          %dma_wait3A_132 = tpu.memref_squeeze %dma_wait3A_131 : memref<1x1x!tpu.dma_semaphore, #tpu.memory_space<semaphore_mem>> -> memref<!tpu.dma_semaphore, #tpu.memory_space<semaphore_mem>>
          tpu.wait_indirect_dma semaphore(%dma_wait3A_132 : memref<!tpu.dma_semaphore, #tpu.memory_space<semaphore_mem>>) src(%dma_wait3A_130 : memref<10000x128xf32, #tpu.memory_space<hbm>>) dst(%dma_wait3A_124 : memref<40x128xf32, #tpu.memory_space<vmem>>)
          %dma_start3A_133 = arith.constant 0 : i32
          %dma_start3A_134 = arith.constant 0 : i32
          %dma_start3A_135 = tpu.memref_slice %arg8[%rem3A_107, %dma_start3A_133, %dma_start3A_134] : memref<3x80x128xf32, #tpu.memory_space<vmem>> -> memref<1x80x128xf32, #tpu.memory_space<vmem>>
          %dma_start3A_136 = tpu.memref_squeeze %dma_start3A_135 : memref<1x80x128xf32, #tpu.memory_space<vmem>> -> memref<80x128xf32, #tpu.memory_space<vmem>>
          %dma_start3A_137 = arith.constant 0 : i32
          %dma_start3A_138 = tpu.memref_slice %arg7[%rem3A_79, %sub3A_103, %dma_start3A_137] : memref<2x25x80xi32, #tpu.memory_space<vmem>> -> memref<1x1x80xi32, #tpu.memory_space<vmem>>
          %dma_start3A_139 = tpu.memref_squeeze %dma_start3A_138 : memref<1x1x80xi32, #tpu.memory_space<vmem>> -> memref<80xi32, #tpu.memory_space<vmem>>
          %dma_start3A_140 = arith.constant 0 : i32
          %dma_start3A_141 = arith.constant 0 : i32
          %dma_start3A_142 = tpu.memref_slice %arg9[%dma_start3A_140, %dma_start3A_141] : memref<10000x128xf32, #tpu.memory_space<vmem_shared>> -> memref<10000x128xf32, #tpu.memory_space<vmem_shared>>
          %dma_start3A_143 = tpu.memref_slice %arg11[%rem3A_107] : memref<3x!tpu.dma_semaphore, #tpu.memory_space<semaphore_mem>> -> memref<1x!tpu.dma_semaphore, #tpu.memory_space<semaphore_mem>>
          %dma_start3A_144 = tpu.memref_squeeze %dma_start3A_143 : memref<1x!tpu.dma_semaphore, #tpu.memory_space<semaphore_mem>> -> memref<!tpu.dma_semaphore, #tpu.memory_space<semaphore_mem>>
          tpu.enqueue_indirect_dma source(%dma_start3A_136 : memref<80x128xf32, #tpu.memory_space<vmem>>) target(%dma_start3A_142 : memref<10000x128xf32, #tpu.memory_space<vmem_shared>>) offsets(%dma_start3A_139 : memref<80xi32, #tpu.memory_space<vmem>>) semaphore(%dma_start3A_144 : memref<!tpu.dma_semaphore, #tpu.memory_space<semaphore_mem>>) {add = true}
        } else {
        }
      }
      %scan3A_86 = arith.constant 27 : i32
    }
    %scan3A_57 = arith.constant 5 : i32
    %scan3A_58 = arith.constant 0 : i32
    %scan3A_59 = arith.constant 3 : i32
    %scan3A_60 = arith.addi %scan3A_58, %scan3A_59 : i32
    %scan3A_61 = arith.constant 1 : i32
    scf.for %scan3A_74 = %scan3A_58 to %scan3A_60 step %scan3A_61  : i32 {
      %mul3A_75 = arith.constant 1 : i32
      %mul3A_76 = arith.muli %scan3A_74, %mul3A_75 : i32
      %add3A_77 = arith.constant 122 : i32
      %add3A_78 = arith.addi %add3A_77, %mul3A_76 : i32
      %rem3A = arith.constant 3 : i32
      %rem3A_79 = arith.remsi %add3A_78, %rem3A : i32
      %rem3A_80 = arith.constant 25 : i32
      %rem3A_81 = arith.remsi %add3A_78, %rem3A_80 : i32
      %jit3A = arith.constant 25 : i32
      %div3A = arith.divsi %add3A_78, %jit3A : i32
      %sign3A = arith.constant 0 : i32
      %sign3A_82 = arith.cmpi sgt, %add3A_78, %sign3A : i32
      %sign3A_83 = arith.extui %sign3A_82 : i1 to i32
      %sign3A_84 = arith.constant 0 : i32
      %sign3A_85 = arith.cmpi slt, %add3A_78, %sign3A_84 : i32
      %sign3A_86 = arith.extui %sign3A_85 : i1 to i32
      %sign3A_87 = arith.subi %sign3A_83, %sign3A_86 : i32
      %sign3A_88 = arith.constant 0 : i32
      %sign3A_89 = arith.cmpi sgt, %jit3A, %sign3A_88 : i32
      %sign3A_90 = arith.extui %sign3A_89 : i1 to i32
      %sign3A_91 = arith.constant 0 : i32
      %sign3A_92 = arith.cmpi slt, %jit3A, %sign3A_91 : i32
      %sign3A_93 = arith.extui %sign3A_92 : i1 to i32
      %sign3A_94 = arith.subi %sign3A_90, %sign3A_93 : i32
      %ne3A = arith.cmpi ne, %sign3A_87, %sign3A_94 : i32
      %rem3A_95 = arith.remsi %add3A_78, %jit3A : i32
      %ne3A_96 = arith.constant 0 : i32
      %ne3A_97 = arith.cmpi ne, %rem3A_95, %ne3A_96 : i32
      %and3A = arith.andi %ne3A, %ne3A_97 : i1
      %sub3A = arith.constant 1 : i32
      %sub3A_98 = arith.subi %div3A, %sub3A : i32
      %select_n3A = arith.select %and3A, %sub3A_98, %div3A : i32
      %rem3A_99 = arith.constant 2 : i32
      %rem3A_100 = arith.remsi %select_n3A, %rem3A_99 : i32
      %dma_wait3A = arith.constant 0 : i32
      %dma_wait3A_101 = arith.constant 0 : i32
      %dma_wait3A_102 = tpu.memref_slice %arg8[%rem3A_79, %dma_wait3A, %dma_wait3A_101] : memref<3x80x128xf32, #tpu.memory_space<vmem>> -> memref<1x80x128xf32, #tpu.memory_space<vmem>>
      %dma_wait3A_103 = tpu.memref_squeeze %dma_wait3A_102 : memref<1x80x128xf32, #tpu.memory_space<vmem>> -> memref<80x128xf32, #tpu.memory_space<vmem>>
      %dma_wait3A_104 = arith.constant 0 : i32
      %dma_wait3A_105 = tpu.memref_slice %arg7[%rem3A_100, %rem3A_81, %dma_wait3A_104] : memref<2x25x80xi32, #tpu.memory_space<vmem>> -> memref<1x1x80xi32, #tpu.memory_space<vmem>>
      %dma_wait3A_106 = tpu.memref_squeeze %dma_wait3A_105 : memref<1x1x80xi32, #tpu.memory_space<vmem>> -> memref<80xi32, #tpu.memory_space<vmem>>
      %dma_wait3A_107 = arith.constant 0 : i32
      %dma_wait3A_108 = arith.constant 0 : i32
      %dma_wait3A_109 = tpu.memref_slice %arg9[%dma_wait3A_107, %dma_wait3A_108] : memref<10000x128xf32, #tpu.memory_space<vmem_shared>> -> memref<10000x128xf32, #tpu.memory_space<vmem_shared>>
      %dma_wait3A_110 = tpu.memref_slice %arg11[%rem3A_79] : memref<3x!tpu.dma_semaphore, #tpu.memory_space<semaphore_mem>> -> memref<1x!tpu.dma_semaphore, #tpu.memory_space<semaphore_mem>>
      %dma_wait3A_111 = tpu.memref_squeeze %dma_wait3A_110 : memref<1x!tpu.dma_semaphore, #tpu.memory_space<semaphore_mem>> -> memref<!tpu.dma_semaphore, #tpu.memory_space<semaphore_mem>>
      tpu.wait_indirect_dma semaphore(%dma_wait3A_111 : memref<!tpu.dma_semaphore, #tpu.memory_space<semaphore_mem>>) src(%dma_wait3A_103 : memref<80x128xf32, #tpu.memory_space<vmem>>) dst(%dma_wait3A_109 : memref<10000x128xf32, #tpu.memory_space<vmem_shared>>)
    }
    %scan3A_62 = arith.constant 3 : i32
    %barrier3A_63 = arith.constant 0 : index
    tpu.barrier barrier_id(%barrier3A_63)
    %scan3A_64 = arith.constant 0 : i32
    %scan3A_65 = arith.constant 8 : i32
    %scan3A_66 = arith.addi %scan3A_64, %scan3A_65 : i32
    %scan3A_67 = arith.constant 1 : i32
    scf.for %scan3A_74 = %scan3A_64 to %scan3A_66 step %scan3A_67  : i32 {
      %mul3A_75 = arith.constant 1 : i32
      %mul3A_76 = arith.muli %scan3A_74, %mul3A_75 : i32
      %add3A_77 = arith.constant 0 : i32
      %add3A_78 = arith.addi %add3A_77, %mul3A_76 : i32
      %mul3A_79 = arith.constant 16 : i32
      %mul3A_80 = arith.muli %add3A_78, %mul3A_79 : i32
      %add3A_81 = arith.addi %mul3A_80, %arg1 : i32
      %lt3A = arith.constant 125 : i32
      %lt3A_82 = arith.cmpi slt, %add3A_81, %lt3A : i32
      %convert_element_type3A = arith.extui %lt3A_82 : i1 to i32
      %cond3A = arith.constant 0 : i32
      %cond3A_83 = arith.cmpi ne, %convert_element_type3A, %cond3A : i32
      scf.if %cond3A_83 {
        %mul3A_84 = arith.constant 80 : i32
        %mul3A_85 = arith.muli %add3A_81, %mul3A_84 : i32
        %mul3A_86 = arith.constant 80 : i32
        %mul3A_87 = arith.muli %add3A_81, %mul3A_86 : i32
        %dma_start3A_88 = arith.constant 0 : i32
        %dma_start3A_89 = tpu.memref_slice %arg5[%arg0, %mul3A_87, %dma_start3A_88] : memref<2x10000x128xf32, #tpu.memory_space<hbm>> -> memref<1x80x128xf32, #tpu.memory_space<hbm>>
        %dma_start3A_90 = tpu.memref_squeeze %dma_start3A_89 : memref<1x80x128xf32, #tpu.memory_space<hbm>> -> memref<80x128xf32, #tpu.memory_space<hbm>>
        %dma_start3A_91 = arith.constant 0 : i32
        %dma_start3A_92 = tpu.memref_slice %arg9[%mul3A_85, %dma_start3A_91] : memref<10000x128xf32, #tpu.memory_space<vmem_shared>> -> memref<80x128xf32, #tpu.memory_space<vmem_shared>>
        tpu.enqueue_dma source(%dma_start3A_92 : memref<80x128xf32, #tpu.memory_space<vmem_shared>>) target(%dma_start3A_90 : memref<80x128xf32, #tpu.memory_space<hbm>>) target_semaphore(%arg12 : memref<!tpu.dma_semaphore, #tpu.memory_space<semaphore_mem>>)
      } else {
      }
    }
    %scan3A_68 = arith.constant 8 : i32
    %scan3A_69 = arith.constant 0 : i32
    %scan3A_70 = arith.constant 8 : i32
    %scan3A_71 = arith.addi %scan3A_69, %scan3A_70 : i32
    %scan3A_72 = arith.constant 1 : i32
    scf.for %scan3A_74 = %scan3A_69 to %scan3A_71 step %scan3A_72  : i32 {
      %mul3A_75 = arith.constant 1 : i32
      %mul3A_76 = arith.muli %scan3A_74, %mul3A_75 : i32
      %add3A_77 = arith.constant 0 : i32
      %add3A_78 = arith.addi %add3A_77, %mul3A_76 : i32
      %mul3A_79 = arith.constant 16 : i32
      %mul3A_80 = arith.muli %add3A_78, %mul3A_79 : i32
      %add3A_81 = arith.addi %mul3A_80, %arg1 : i32
      %lt3A = arith.constant 125 : i32
      %lt3A_82 = arith.cmpi slt, %add3A_81, %lt3A : i32
      %convert_element_type3A = arith.extui %lt3A_82 : i1 to i32
      %cond3A = arith.constant 0 : i32
      %cond3A_83 = arith.cmpi ne, %convert_element_type3A, %cond3A : i32
      scf.if %cond3A_83 {
        %mul3A_84 = arith.constant 80 : i32
        %mul3A_85 = arith.muli %add3A_81, %mul3A_84 : i32
        %mul3A_86 = arith.constant 80 : i32
        %mul3A_87 = arith.muli %add3A_81, %mul3A_86 : i32
        %dma_wait3A = arith.constant 0 : i32
        %dma_wait3A_88 = tpu.memref_slice %arg5[%arg0, %mul3A_87, %dma_wait3A] : memref<2x10000x128xf32, #tpu.memory_space<hbm>> -> memref<1x80x128xf32, #tpu.memory_space<hbm>>
        %dma_wait3A_89 = tpu.memref_squeeze %dma_wait3A_88 : memref<1x80x128xf32, #tpu.memory_space<hbm>> -> memref<80x128xf32, #tpu.memory_space<hbm>>
        %dma_wait3A_90 = arith.constant 0 : i32
        %dma_wait3A_91 = tpu.memref_slice %arg9[%mul3A_85, %dma_wait3A_90] : memref<10000x128xf32, #tpu.memory_space<vmem_shared>> -> memref<80x128xf32, #tpu.memory_space<vmem_shared>>
        tpu.wait_dma2 semaphore(%arg12 : memref<!tpu.dma_semaphore, #tpu.memory_space<semaphore_mem>>) src(%dma_wait3A_91 : memref<80x128xf32, #tpu.memory_space<vmem_shared>>) dst(%dma_wait3A_89 : memref<80x128xf32, #tpu.memory_space<hbm>>)
      } else {
      }
    }
    %scan3A_73 = arith.constant 8 : i32
    return
  }
}

module attributes {stable_mosaic.version = 14 : i64} {
  func.func @_dense_proj_body(%arg0: i32, %arg1: memref<2x2000x128xf32, #tpu.memory_space<vmem>>, %arg2: memref<2000x128xf32, #tpu.memory_space<vmem>>, %arg3: memref<128x128xf32, #tpu.memory_space<vmem>>, %arg4: memref<1x128xf32, #tpu.memory_space<vmem>>, %arg5: memref<2000x128xf32, #tpu.memory_space<vmem>>) attributes {dimension_semantics = [#tpu.dimension_semantics<arbitrary>], iteration_bounds = array<i64: 5>, scalar_prefetch = 0 : i64, scratch_operands = 0 : i64, tpu.core_type = #tpu.core_type<tc>, window_params = [{transform_indices = @transform_0, window_bounds = array<i64: 2, 2000, 128>}, {transform_indices = @transform_1, window_bounds = array<i64: 2000, 128>}, {pipeline_mode = #tpu.pipeline_mode<synchronous>, transform_indices = @transform_2, window_bounds = array<i64: 128, 128>}, {pipeline_mode = #tpu.pipeline_mode<synchronous>, transform_indices = @transform_3, window_bounds = array<i64: 1, 128>}, {transform_indices = @transform_4, window_bounds = array<i64: 2000, 128>}]} {
    %get3A = arith.constant 0 : index
    %get3A_0 = arith.constant 0 : index
    %get3A_1 = arith.constant 0 : index
    %get3A_2 = vector.load %arg1[%get3A, %get3A_0, %get3A_1] : memref<2x2000x128xf32, #tpu.memory_space<vmem>>, vector<1x2000x128xf32>
    %get3A_3 = vector.shape_cast %get3A_2 : vector<1x2000x128xf32> to vector<2000x128xf32>
    %get3A_4 = arith.constant 1 : index
    %get3A_5 = arith.constant 0 : index
    %get3A_6 = arith.constant 0 : index
    %get3A_7 = vector.load %arg1[%get3A_4, %get3A_5, %get3A_6] : memref<2x2000x128xf32, #tpu.memory_space<vmem>>, vector<1x2000x128xf32>
    %get3A_8 = vector.shape_cast %get3A_7 : vector<1x2000x128xf32> to vector<2000x128xf32>
    %add3A = arith.addf %get3A_3, %get3A_8 : vector<2000x128xf32>
    %get3A_9 = arith.constant 0 : index
    %get3A_10 = arith.constant 0 : index
    %get3A_11 = vector.load %arg3[%get3A_9, %get3A_10] : memref<128x128xf32, #tpu.memory_space<vmem>>, vector<128x128xf32>
    %dot_general3A = arith.constant dense<0.000000e+00> : vector<2000x128xf32>
    %dot_general3A_12 = tpu.matmul %add3A, %get3A_11, %dot_general3A {dimension_numbers = #tpu.dot_dimension_numbers<[1], [0], [0], [1], [0, 0, 1, 1], [], []>, precision = #tpu.contract_precision<fp32>, transpose_lhs_hint = false} : vector<2000x128xf32>, vector<128x128xf32>, vector<2000x128xf32> -> vector<2000x128xf32>
    %get3A_13 = arith.constant 0 : index
    %get3A_14 = arith.constant 0 : index
    %get3A_15 = vector.load %arg4[%get3A_13, %get3A_14] : memref<1x128xf32, #tpu.memory_space<vmem>>, vector<1x128xf32>
    %add3A_16 = vector.broadcast %get3A_15 : vector<1x128xf32> to vector<2000x128xf32>
    %add3A_17 = arith.addf %dot_general3A_12, %add3A_16 : vector<2000x128xf32>
    %max3A = arith.constant 0.000000e+00 : f32
    %max3A_18 = vector.broadcast %max3A : f32 to vector<2000x128xf32>
    %max3A_19 = arith.maximumf %add3A_17, %max3A_18 : vector<2000x128xf32>
    %get3A_20 = arith.constant 0 : index
    %get3A_21 = arith.constant 0 : index
    %get3A_22 = vector.load %arg2[%get3A_20, %get3A_21] : memref<2000x128xf32, #tpu.memory_space<vmem>>, vector<2000x128xf32>
    %add3A_23 = arith.addf %max3A_19, %get3A_22 : vector<2000x128xf32>
    %swap3A = arith.constant 0 : index
    %swap3A_24 = arith.constant 0 : index
    %swap3A_25 = vector.load %arg5[%swap3A, %swap3A_24] : memref<2000x128xf32, #tpu.memory_space<vmem>>, vector<2000x128xf32>
    tpu.vector_store %arg5[%swap3A, %swap3A_24], %add3A_23 {strides = array<i32>} : memref<2000x128xf32, #tpu.memory_space<vmem>>, vector<2000x128xf32>,
    return
  }
  func.func @transform_0(%arg0: i32) -> (i32, i32, i32) {
    %c0_i32 = arith.constant 0 : i32
    %c0_i32_0 = arith.constant 0 : i32
    %c0_i32_1 = arith.constant 0 : i32
    return %c0_i32, %arg0, %c0_i32_0 : i32, i32, i32
  }
  func.func @transform_1(%arg0: i32) -> (i32, i32) {
    %c0_i32 = arith.constant 0 : i32
    %c0_i32_0 = arith.constant 0 : i32
    return %arg0, %c0_i32 : i32, i32
  }
  func.func @transform_2(%arg0: i32) -> (i32, i32) {
    %c0_i32 = arith.constant 0 : i32
    %c0_i32_0 = arith.constant 0 : i32
    %c0_i32_1 = arith.constant 0 : i32
    return %c0_i32, %c0_i32_0 : i32, i32
  }
  func.func @transform_3(%arg0: i32) -> (i32, i32) {
    %c0_i32 = arith.constant 0 : i32
    %c0_i32_0 = arith.constant 0 : i32
    %c0_i32_1 = arith.constant 0 : i32
    return %c0_i32, %c0_i32_0 : i32, i32
  }
  func.func @transform_4(%arg0: i32) -> (i32, i32) {
    %c0_i32 = arith.constant 0 : i32
    %c0_i32_0 = arith.constant 0 : i32
    return %arg0, %c0_i32 : i32, i32
  }
}

module attributes {stable_mosaic.version = 14 : i64} {
  func.func @_resid_body(%arg0: i32, %arg1: memref<2000x128xf32, #tpu.memory_space<vmem>>, %arg2: memref<128x128xf32, #tpu.memory_space<vmem>>, %arg3: memref<1x128xf32, #tpu.memory_space<vmem>>, %arg4: memref<2000x128xf32, #tpu.memory_space<vmem>>) attributes {dimension_semantics = [#tpu.dimension_semantics<arbitrary>], iteration_bounds = array<i64: 5>, scalar_prefetch = 0 : i64, scratch_operands = 0 : i64, tpu.core_type = #tpu.core_type<tc>, window_params = [{transform_indices = @transform_0, window_bounds = array<i64: 2000, 128>}, {pipeline_mode = #tpu.pipeline_mode<synchronous>, transform_indices = @transform_1, window_bounds = array<i64: 128, 128>}, {pipeline_mode = #tpu.pipeline_mode<synchronous>, transform_indices = @transform_2, window_bounds = array<i64: 1, 128>}, {transform_indices = @transform_3, window_bounds = array<i64: 2000, 128>}]} {
    %get3A = arith.constant 0 : index
    %get3A_0 = arith.constant 0 : index
    %get3A_1 = vector.load %arg1[%get3A, %get3A_0] : memref<2000x128xf32, #tpu.memory_space<vmem>>, vector<2000x128xf32>
    %get3A_2 = arith.constant 0 : index
    %get3A_3 = arith.constant 0 : index
    %get3A_4 = vector.load %arg2[%get3A_2, %get3A_3] : memref<128x128xf32, #tpu.memory_space<vmem>>, vector<128x128xf32>
    %dot_general3A = arith.constant dense<0.000000e+00> : vector<2000x128xf32>
    %dot_general3A_5 = tpu.matmul %get3A_1, %get3A_4, %dot_general3A {dimension_numbers = #tpu.dot_dimension_numbers<[1], [0], [0], [1], [0, 0, 1, 1], [], []>, precision = #tpu.contract_precision<fp32>, transpose_lhs_hint = false} : vector<2000x128xf32>, vector<128x128xf32>, vector<2000x128xf32> -> vector<2000x128xf32>
    %get3A_6 = arith.constant 0 : index
    %get3A_7 = arith.constant 0 : index
    %get3A_8 = vector.load %arg3[%get3A_6, %get3A_7] : memref<1x128xf32, #tpu.memory_space<vmem>>, vector<1x128xf32>
    %add3A = vector.broadcast %get3A_8 : vector<1x128xf32> to vector<2000x128xf32>
    %add3A_9 = arith.addf %dot_general3A_5, %add3A : vector<2000x128xf32>
    %swap3A = arith.constant 0 : index
    %swap3A_10 = arith.constant 0 : index
    %swap3A_11 = vector.load %arg4[%swap3A, %swap3A_10] : memref<2000x128xf32, #tpu.memory_space<vmem>>, vector<2000x128xf32>
    tpu.vector_store %arg4[%swap3A, %swap3A_10], %add3A_9 {strides = array<i32>} : memref<2000x128xf32, #tpu.memory_space<vmem>>, vector<2000x128xf32>,
    return
  }
  func.func @transform_0(%arg0: i32) -> (i32, i32) {
    %c0_i32 = arith.constant 0 : i32
    %c0_i32_0 = arith.constant 0 : i32
    return %arg0, %c0_i32 : i32, i32
  }
  func.func @transform_1(%arg0: i32) -> (i32, i32) {
    %c0_i32 = arith.constant 0 : i32
    %c0_i32_0 = arith.constant 0 : i32
    %c0_i32_1 = arith.constant 0 : i32
    return %c0_i32, %c0_i32_0 : i32, i32
  }
  func.func @transform_2(%arg0: i32) -> (i32, i32) {
    %c0_i32 = arith.constant 0 : i32
    %c0_i32_0 = arith.constant 0 : i32
    %c0_i32_1 = arith.constant 0 : i32
    return %c0_i32, %c0_i32_0 : i32, i32
  }
  func.func @transform_3(%arg0: i32) -> (i32, i32) {
    %c0_i32 = arith.constant 0 : i32
    %c0_i32_0 = arith.constant 0 : i32
    return %arg0, %c0_i32 : i32, i32
  }
}

module attributes {stable_mosaic.version = 14 : i64} {
  func.func @_dense_id_body(%arg0: i32, %arg1: memref<2x2000x128xf32, #tpu.memory_space<vmem>>, %arg2: memref<2000x128xf32, #tpu.memory_space<vmem>>, %arg3: memref<128x128xf32, #tpu.memory_space<vmem>>, %arg4: memref<1x128xf32, #tpu.memory_space<vmem>>, %arg5: memref<2000x128xf32, #tpu.memory_space<vmem>>) attributes {dimension_semantics = [#tpu.dimension_semantics<arbitrary>], iteration_bounds = array<i64: 5>, scalar_prefetch = 0 : i64, scratch_operands = 0 : i64, tpu.core_type = #tpu.core_type<tc>, window_params = [{transform_indices = @transform_0, window_bounds = array<i64: 2, 2000, 128>}, {transform_indices = @transform_1, window_bounds = array<i64: 2000, 128>}, {pipeline_mode = #tpu.pipeline_mode<synchronous>, transform_indices = @transform_2, window_bounds = array<i64: 128, 128>}, {pipeline_mode = #tpu.pipeline_mode<synchronous>, transform_indices = @transform_3, window_bounds = array<i64: 1, 128>}, {transform_indices = @transform_4, window_bounds = array<i64: 2000, 128>}]} {
    %get3A = arith.constant 0 : index
    %get3A_0 = arith.constant 0 : index
    %get3A_1 = arith.constant 0 : index
    %get3A_2 = vector.load %arg1[%get3A, %get3A_0, %get3A_1] : memref<2x2000x128xf32, #tpu.memory_space<vmem>>, vector<1x2000x128xf32>
    %get3A_3 = vector.shape_cast %get3A_2 : vector<1x2000x128xf32> to vector<2000x128xf32>
    %get3A_4 = arith.constant 1 : index
    %get3A_5 = arith.constant 0 : index
    %get3A_6 = arith.constant 0 : index
    %get3A_7 = vector.load %arg1[%get3A_4, %get3A_5, %get3A_6] : memref<2x2000x128xf32, #tpu.memory_space<vmem>>, vector<1x2000x128xf32>
    %get3A_8 = vector.shape_cast %get3A_7 : vector<1x2000x128xf32> to vector<2000x128xf32>
    %add3A = arith.addf %get3A_3, %get3A_8 : vector<2000x128xf32>
    %get3A_9 = arith.constant 0 : index
    %get3A_10 = arith.constant 0 : index
    %get3A_11 = vector.load %arg3[%get3A_9, %get3A_10] : memref<128x128xf32, #tpu.memory_space<vmem>>, vector<128x128xf32>
    %dot_general3A = arith.constant dense<0.000000e+00> : vector<2000x128xf32>
    %dot_general3A_12 = tpu.matmul %add3A, %get3A_11, %dot_general3A {dimension_numbers = #tpu.dot_dimension_numbers<[1], [0], [0], [1], [0, 0, 1, 1], [], []>, precision = #tpu.contract_precision<fp32>, transpose_lhs_hint = false} : vector<2000x128xf32>, vector<128x128xf32>, vector<2000x128xf32> -> vector<2000x128xf32>
    %get3A_13 = arith.constant 0 : index
    %get3A_14 = arith.constant 0 : index
    %get3A_15 = vector.load %arg4[%get3A_13, %get3A_14] : memref<1x128xf32, #tpu.memory_space<vmem>>, vector<1x128xf32>
    %add3A_16 = vector.broadcast %get3A_15 : vector<1x128xf32> to vector<2000x128xf32>
    %add3A_17 = arith.addf %dot_general3A_12, %add3A_16 : vector<2000x128xf32>
    %max3A = arith.constant 0.000000e+00 : f32
    %max3A_18 = vector.broadcast %max3A : f32 to vector<2000x128xf32>
    %max3A_19 = arith.maximumf %add3A_17, %max3A_18 : vector<2000x128xf32>
    %get3A_20 = arith.constant 0 : index
    %get3A_21 = arith.constant 0 : index
    %get3A_22 = vector.load %arg2[%get3A_20, %get3A_21] : memref<2000x128xf32, #tpu.memory_space<vmem>>, vector<2000x128xf32>
    %add3A_23 = arith.addf %max3A_19, %get3A_22 : vector<2000x128xf32>
    %swap3A = arith.constant 0 : index
    %swap3A_24 = arith.constant 0 : index
    %swap3A_25 = vector.load %arg5[%swap3A, %swap3A_24] : memref<2000x128xf32, #tpu.memory_space<vmem>>, vector<2000x128xf32>
    tpu.vector_store %arg5[%swap3A, %swap3A_24], %add3A_23 {strides = array<i32>} : memref<2000x128xf32, #tpu.memory_space<vmem>>, vector<2000x128xf32>,
    return
  }
  func.func @transform_0(%arg0: i32) -> (i32, i32, i32) {
    %c0_i32 = arith.constant 0 : i32
    %c0_i32_0 = arith.constant 0 : i32
    %c0_i32_1 = arith.constant 0 : i32
    return %c0_i32, %arg0, %c0_i32_0 : i32, i32, i32
  }
  func.func @transform_1(%arg0: i32) -> (i32, i32) {
    %c0_i32 = arith.constant 0 : i32
    %c0_i32_0 = arith.constant 0 : i32
    return %arg0, %c0_i32 : i32, i32
  }
  func.func @transform_2(%arg0: i32) -> (i32, i32) {
    %c0_i32 = arith.constant 0 : i32
    %c0_i32_0 = arith.constant 0 : i32
    %c0_i32_1 = arith.constant 0 : i32
    return %c0_i32, %c0_i32_0 : i32, i32
  }
  func.func @transform_3(%arg0: i32) -> (i32, i32) {
    %c0_i32 = arith.constant 0 : i32
    %c0_i32_0 = arith.constant 0 : i32
    %c0_i32_1 = arith.constant 0 : i32
    return %c0_i32, %c0_i32_0 : i32, i32
  }
  func.func @transform_4(%arg0: i32) -> (i32, i32) {
    %c0_i32 = arith.constant 0 : i32
    %c0_i32_0 = arith.constant 0 : i32
    return %arg0, %c0_i32 : i32, i32
  }
}

module attributes {stable_mosaic.version = 14 : i64} {
  func.func @_dense_proj_body(%arg0: i32, %arg1: memref<2x2000x128xf32, #tpu.memory_space<vmem>>, %arg2: memref<2000x128xf32, #tpu.memory_space<vmem>>, %arg3: memref<128x128xf32, #tpu.memory_space<vmem>>, %arg4: memref<1x128xf32, #tpu.memory_space<vmem>>, %arg5: memref<2000x128xf32, #tpu.memory_space<vmem>>) attributes {dimension_semantics = [#tpu.dimension_semantics<arbitrary>], iteration_bounds = array<i64: 5>, scalar_prefetch = 0 : i64, scratch_operands = 0 : i64, tpu.core_type = #tpu.core_type<tc>, window_params = [{transform_indices = @transform_0, window_bounds = array<i64: 2, 2000, 128>}, {transform_indices = @transform_1, window_bounds = array<i64: 2000, 128>}, {pipeline_mode = #tpu.pipeline_mode<synchronous>, transform_indices = @transform_2, window_bounds = array<i64: 128, 128>}, {pipeline_mode = #tpu.pipeline_mode<synchronous>, transform_indices = @transform_3, window_bounds = array<i64: 1, 128>}, {transform_indices = @transform_4, window_bounds = array<i64: 2000, 128>}]} {
    %get3A = arith.constant 0 : index
    %get3A_0 = arith.constant 0 : index
    %get3A_1 = arith.constant 0 : index
    %get3A_2 = vector.load %arg1[%get3A, %get3A_0, %get3A_1] : memref<2x2000x128xf32, #tpu.memory_space<vmem>>, vector<1x2000x128xf32>
    %get3A_3 = vector.shape_cast %get3A_2 : vector<1x2000x128xf32> to vector<2000x128xf32>
    %get3A_4 = arith.constant 1 : index
    %get3A_5 = arith.constant 0 : index
    %get3A_6 = arith.constant 0 : index
    %get3A_7 = vector.load %arg1[%get3A_4, %get3A_5, %get3A_6] : memref<2x2000x128xf32, #tpu.memory_space<vmem>>, vector<1x2000x128xf32>
    %get3A_8 = vector.shape_cast %get3A_7 : vector<1x2000x128xf32> to vector<2000x128xf32>
    %add3A = arith.addf %get3A_3, %get3A_8 : vector<2000x128xf32>
    %get3A_9 = arith.constant 0 : index
    %get3A_10 = arith.constant 0 : index
    %get3A_11 = vector.load %arg3[%get3A_9, %get3A_10] : memref<128x128xf32, #tpu.memory_space<vmem>>, vector<128x128xf32>
    %dot_general3A = arith.constant dense<0.000000e+00> : vector<2000x128xf32>
    %dot_general3A_12 = tpu.matmul %add3A, %get3A_11, %dot_general3A {dimension_numbers = #tpu.dot_dimension_numbers<[1], [0], [0], [1], [0, 0, 1, 1], [], []>, precision = #tpu.contract_precision<fp32>, transpose_lhs_hint = false} : vector<2000x128xf32>, vector<128x128xf32>, vector<2000x128xf32> -> vector<2000x128xf32>
    %get3A_13 = arith.constant 0 : index
    %get3A_14 = arith.constant 0 : index
    %get3A_15 = vector.load %arg4[%get3A_13, %get3A_14] : memref<1x128xf32, #tpu.memory_space<vmem>>, vector<1x128xf32>
    %add3A_16 = vector.broadcast %get3A_15 : vector<1x128xf32> to vector<2000x128xf32>
    %add3A_17 = arith.addf %dot_general3A_12, %add3A_16 : vector<2000x128xf32>
    %max3A = arith.constant 0.000000e+00 : f32
    %max3A_18 = vector.broadcast %max3A : f32 to vector<2000x128xf32>
    %max3A_19 = arith.maximumf %add3A_17, %max3A_18 : vector<2000x128xf32>
    %get3A_20 = arith.constant 0 : index
    %get3A_21 = arith.constant 0 : index
    %get3A_22 = vector.load %arg2[%get3A_20, %get3A_21] : memref<2000x128xf32, #tpu.memory_space<vmem>>, vector<2000x128xf32>
    %add3A_23 = arith.addf %max3A_19, %get3A_22 : vector<2000x128xf32>
    %swap3A = arith.constant 0 : index
    %swap3A_24 = arith.constant 0 : index
    %swap3A_25 = vector.load %arg5[%swap3A, %swap3A_24] : memref<2000x128xf32, #tpu.memory_space<vmem>>, vector<2000x128xf32>
    tpu.vector_store %arg5[%swap3A, %swap3A_24], %add3A_23 {strides = array<i32>} : memref<2000x128xf32, #tpu.memory_space<vmem>>, vector<2000x128xf32>,
    return
  }
  func.func @transform_0(%arg0: i32) -> (i32, i32, i32) {
    %c0_i32 = arith.constant 0 : i32
    %c0_i32_0 = arith.constant 0 : i32
    %c0_i32_1 = arith.constant 0 : i32
    return %c0_i32, %arg0, %c0_i32_0 : i32, i32, i32
  }
  func.func @transform_1(%arg0: i32) -> (i32, i32) {
    %c0_i32 = arith.constant 0 : i32
    %c0_i32_0 = arith.constant 0 : i32
    return %arg0, %c0_i32 : i32, i32
  }
  func.func @transform_2(%arg0: i32) -> (i32, i32) {
    %c0_i32 = arith.constant 0 : i32
    %c0_i32_0 = arith.constant 0 : i32
    %c0_i32_1 = arith.constant 0 : i32
    return %c0_i32, %c0_i32_0 : i32, i32
  }
  func.func @transform_3(%arg0: i32) -> (i32, i32) {
    %c0_i32 = arith.constant 0 : i32
    %c0_i32_0 = arith.constant 0 : i32
    %c0_i32_1 = arith.constant 0 : i32
    return %c0_i32, %c0_i32_0 : i32, i32
  }
  func.func @transform_4(%arg0: i32) -> (i32, i32) {
    %c0_i32 = arith.constant 0 : i32
    %c0_i32_0 = arith.constant 0 : i32
    return %arg0, %c0_i32 : i32, i32
  }
}

</mosaic_0001>

<sc_bundles>
// kernel: kernel.10.cloned.1.call-start
scs
__scs_entry_jumppad:
0x0: {  	(pc) =	sbr.rel $0x88, $3  }
0x1: {  	(tag) =	ssettag $0x0;
	lr =	simm.s32 $0x1  }
0x2: {  	[smem:$0x3F94] =	sst lr;
	_ =	strace $0xD0000000  }
0x3: {  	_ = 	snop  }
0x4: {  	_ = 	snop  }
0x5: {  	_ = 	snop  }
0x6: {  	_ = 	snop  }
0x7: {  	_ = 	snop  }
__scs_overlays_trampoline_lowered:
0x8: {  	[smem:$0x3FA3] =	sst s0  }
0x9: {  	[smem:$0x3FA4] =	sst s1  }
0xa: {  	[smem:$0x3FA5] =	sst s2  }
0xb: {  	[smem:$0x3FA6] =	sst s3  }
0xc: {  	[smem:$0x3FA7] =	sst s4  }
0xd: {  	[smem:$0x3FA8] =	sst s5  }
0xe: {  	[smem:$0x3FA9] =	sst s6  }
0xf: {  	[smem:$0x3FAA] =	sst s7  }
0x10: {  	[smem:$0x3FAB] =	sst s8  }
0x11: {  	[smem:$0x3FAC] =	sst s9;
	s0 =	simm.s32 @!p0 $0x0  }
0x12: {  	s1 =	sld [smem:$0x3F92];
	s0 =	simm.s32 @p0 $0x1  }
0x13: {  	[smem:$0x3FAD] =	sst s0;
	s0 =	simm.s32 @!p1 $0x0  }
0x14: {  	s2 =	sld [smem:$0x3F91];
	s0 =	simm.s32 @p1 $0x1  }
0x15: {  	[smem:$0x3FAE] =	sst s0;
	s0 =	simm.s32 @!p2 $0x0  }
0x16: {  	s3 =	sld [smem:$0x3FDB];
	s0 =	simm.s32 @p2 $0x1  }
0x17: {  	s4 =	simm.s32 $0x1BF5;
	[smem:$0x3FB0] =	sst s0  }
0x18: {  	s0 =	sld [smem:$0x3F93];
	_ =	swait.ge [sflag:s4], $0x0  }
0x19: {  	s7 =	sld [smem:$0x3F94]  }
0x1a: {  	s8 =	sadd.s32 $0xFFFFE003, lr  }
0x1b: {  	s9 =	sadd.s32 $0xFFFFFEF7, lr;
	s5 =	simm.s32 $0xFFFFFFFF;
	p2 =	slt.u32 s8, $0xFFFFF086  }
0x1c: {  	p1 =	slt.u32 s9, $0xF7A;
	s5 =	simm.s32 @!p2 $0x0  }
0x1d: {  	s5 =	simm.s32 @p1 $0x1;
	p0 =	seq.s32 s7, s2  }
0x1e: {  	s7 =	smul.u32 @!p0 $0xF7A, s2;
	p2 =	seq.s32 @!p0 s5, $0x0  }
0x1f: {  	s9 =	smul.u32 $0xF7A, s1;
	s8 =	simm.s32 @!p0 $0x1BF5;
	p2 =	por !p2, p0  }
0x20: {  	[sflag:s8] =	ssyncset.s32 @!p0 $0xFFFFF086;
	s6 =	sadd.s32 @!p0 s3, s7;
	s7 =	simm.s32 @!p0 $0x108  }
0x21: {  	s3 =	sadd.s32 s3, s9;
	s6 =	sadd.s32 @!p0 $0x88, s6;
	s7 =	simm.s32 @p2 $0x1082  }
0x22: {  	[simem:s7], [sflag:s8] =	dma.local @!p0 [hbm:s6], $0xF7A  }
0x23: {  	s9 =	sor.u32 $0xD0000000, s2;
	s6 =	simm.s32 $0x108;
	_ =	swait.ge @!p0 [sflag:s8], $0x0  }
0x24: {  	s3 =	sadd.s32 $0x88, s3;
	s6 =	simm.s32 @!p1 $0x1082;
	[sflag:s4] =	ssyncset.s32 $0xFFFFF086  }
0x25: {  	[simem:s6], [sflag:s4] =	dma.local [hbm:s3], $0xF7A  }
0x26: {  	[smem:$0x3F94] =	sst s1;
	(tag) =	ssettag s2;
	_ =	strace s9  }
0x27: {  	s1 =	sld [smem:$0x3FA4]  }
0x28: {  	s2 =	sld [smem:$0x3FA5]  }
0x29: {  	s4 =	sld [smem:$0x3FA7]  }
0x2a: {  	p0 =	seq.s32 s5, $0x0;
	s5 =	sld [smem:$0x3FA8]  }
0x2b: {  	s6 =	sld [smem:$0x3FA9]  }
0x2c: {  	s7 =	sld [smem:$0x3FAA]  }
0x2d: {  	s3 =	simm.s32 $0x108;
	s8 =	sld [smem:$0x3FAB]  }
0x2e: {  	s3 =	simm.s32 @!p0 $0x1082;
	s9 =	sld [smem:$0x3FAC]  }
0x2f: {  	lr =	sadd.s32 s0, s3;
	s0 =	sld [smem:$0x3FA3]  }
0x30: {  	s3 =	sld [smem:$0x3FA6]  }
0x31: {  	[smem:$0x3FAF] =	sst s10  }
0x32: {  	s10 =	sld [smem:$0x3FAD];
	_ =	sdelay $0x3  }
0x33: {  	p0 =	seq.s32 s10, $0x1;
	s10 =	sld [smem:$0x3FAF];
	_ =	sdelay $0x3  }
0x34: {  	[smem:$0x3FAF] =	sst s10  }
0x35: {  	s10 =	sld [smem:$0x3FAE];
	_ =	sdelay $0x3  }
0x36: {  	p1 =	seq.s32 s10, $0x1;
	s10 =	sld [smem:$0x3FAF];
	_ =	sdelay $0x3  }
0x37: {  	[smem:$0x3FAF] =	sst s10  }
0x38: {  	s10 =	sld [smem:$0x3FB0]  }
0x39: {  	_ = 	snop;
	(pc) =	sbr.ind lr, $3  }
0x3a: {  	_ = 	snop  }
0x3b: {  	_ = 	snop  }
0x3c: {  	p2 =	seq.s32 s10, $0x1;
	s10 =	sld [smem:$0x3FAF]  }
0x3d: {  	_ =	shalt  }
0x3e: {  	_ =	shalt  }
0x3f: {  	_ =	shalt  }
0x40: {  	_ =	shalt  }
0x41: {  	_ =	shalt  }
0x42: {  	_ =	shalt  }
0x43: {  	_ =	shalt  }
0x44: {  	_ =	shalt  }
0x45: {  	_ =	shalt  }
0x46: {  	_ =	shalt  }
0x47: {  	_ =	shalt  }
0x48: {  	_ =	shalt  }
0x49: {  	_ =	shalt  }
0x4a: {  	_ =	shalt  }
0x4b: {  	_ =	shalt  }
0x4c: {  	_ =	shalt  }
0x4d: {  	_ =	shalt  }
0x4e: {  	_ =	shalt  }
0x4f: {  	_ =	shalt  }
0x50: {  	_ =	shalt  }
0x51: {  	_ =	shalt  }
0x52: {  	_ =	shalt  }
0x53: {  	_ =	shalt  }
0x54: {  	_ =	shalt  }
0x55: {  	_ =	shalt  }
0x56: {  	_ =	shalt  }
0x57: {  	_ =	shalt  }
0x58: {  	_ =	shalt  }
0x59: {  	_ =	shalt  }
0x5a: {  	_ =	shalt  }
0x5b: {  	_ =	shalt  }
0x5c: {  	_ =	shalt  }
0x5d: {  	_ =	shalt  }
0x5e: {  	_ =	shalt  }
0x5f: {  	_ =	shalt  }
0x60: {  	_ =	shalt  }
0x61: {  	_ =	shalt  }
0x62: {  	_ =	shalt  }
0x63: {  	_ =	shalt  }
0x64: {  	_ =	shalt  }
0x65: {  	_ =	shalt  }
0x66: {  	_ =	shalt  }
0x67: {  	_ =	shalt  }
0x68: {  	_ =	shalt  }
0x69: {  	_ =	shalt  }
0x6a: {  	_ =	shalt  }
0x6b: {  	_ =	shalt  }
0x6c: {  	_ =	shalt  }
0x6d: {  	_ =	shalt  }
0x6e: {  	_ =	shalt  }
0x6f: {  	_ =	shalt  }
0x70: {  	_ =	shalt  }
0x71: {  	_ =	shalt  }
0x72: {  	_ =	shalt  }
0x73: {  	_ =	shalt  }
0x74: {  	_ =	shalt  }
0x75: {  	_ =	shalt  }
0x76: {  	_ =	shalt  }
0x77: {  	_ =	shalt  }
0x78: {  	_ =	shalt  }
0x79: {  	_ =	shalt  }
0x7a: {  	_ =	shalt  }
0x7b: {  	_ =	shalt  }
0x7c: {  	_ =	shalt  }
0x7d: {  	_ =	shalt  }
0x7e: {  	_ =	shalt  }
0x7f: {  	_ =	shalt  }
0x80: {  	_ =	shalt  }
0x81: {  	_ =	shalt  }
0x82: {  	_ =	shalt  }
0x83: {  	_ =	shalt  }
0x84: {  	_ =	shalt  }
0x85: {  	_ =	shalt  }
0x86: {  	_ =	shalt  }
0x87: {  	_ =	shalt  }
.Lfunc_end0:
.L_simem_size_0:
called_computation_lowered:
.L_overlay_start_0:
0x88: {  	s2 =	sld [smem:$0x3FD9]  }
0x89: {  	s3 =	sld [smem:$0x3FFE];
	_ =	sdelay $0x1  }
0x8a: {  	s1 =	srdreg.scid  }
0x8b: {  	s0 =	sand.u32 $0x1, s1  }
0x8c: {  	s17 =	sshll.u32 s0, $0xA;
	s2 =	sadd.s32 s3, s2  }
0x8d: {  	s2 =	sadd.s32 s2, s17  }
0x8e: {  	[smem:$0x3FBB] =	sst s2  }
0x8f: {  	_ = 	snop  }
0x90: {  	s2 =	sld [smem:$0x3FC9];
	(tm) =	ssettm $0x1  }
0x91: {  	s18 =	sld [smem:$0x3FFB];
	_ =	sdelay $0x3  }
0x92: {  	_ =	strace s18  }
0x93: {  	s3 =	sld [smem:$0x3FFC];
	_ =	sdelay $0x3  }
0x94: {  	_ =	strace s3  }
0x95: {  	s3 =	sld [smem:$0x3FFD];
	_ =	sdelay $0x3  }
0x96: {  	_ =	strace s3  }
0x97: {  	_ =	strace $0x8FFFFFFF  }
0x98: {  	s19 =	sld [smem:$0x3FDB];
	_ =	sdelay $0x1  }
0x99: {  	s4 =	simm.s32 $_scs_section_size  }
0x9a: {  	s5 =	simm.s32 $_size__tile_overlayer_lowered;
	s6 =	simm.s32 $_tile_overlayer_lowered  }
0x9b: {  	s22 =	simm.s32 $0x1BFF;
	s21 =	sshll.u32 s6, $0x1;
	s3 =	sadd.s32 s4, s19  }
0x9c: {  	s7 =	simm.s32 $0x0;
	s20 =	sshll.u32 s5, $0x1;
	s5 =	sadd.s32 s21, s3  }
0x9d: {  	[timem:s7], [sflag:s22] =	dma.local [hbm:s5], s20  }
0x9e: {  	_ =	swait.ge [sflag:s22], s20  }
0x9f: {  	s4 =	ssub.s32 $0x0, s20;
	[sflag:s22] =	ssyncset.done $0x0  }
0xa0: {  	[sflag:s22] =	ssyncadd.s32 s4;
	_ =	sdelay $0x1  }
0xa1: {  	s23 =	simm.s32 $0x1B8B  }
0xa2: {  	_ =	swait.ge [sflag:s23], $0x1  }
0xa3: {  	[sflag:s23] =	ssyncset.done $0x0  }
0xa4: {  	s25 =	simm.s32 $0x1B8E;
	s24 =	sld [smem:$0x3FFE];
	[sflag:s23] =	ssyncadd.s32 $0xFFFFFFFF  }
0xa5: {  	s26 =	simm.s32 $execute0_lowered;
	[smem:$0x3FD2] =	sst s25  }
0xa6: {  	s5 =	sshll.u32 s26, $0x1;
	_ =	strace $0x80000046;
	[dreg:$0x1] =	wrdreg $0xFFFFFFFF  }
0xa7: {  	s28 =	simm.s32 $_size_execute0_lowered;
	s3 =	sadd.s32 s3, s5;
	[dreg:$0x0] =	wrdreg $0x0  }
0xa8: {  	s5 =	sshll.u32 s28, $0x1;
	[dreg:$0x2] =	wrdreg s3  }
0xa9: {  	[dreg:$0x3] =	wrdreg s5  }
0xaa: {  	[dreg:$0x4] =	wrdreg $0xC0  }
0xab: {  	_ =	task [dreg:s7], $0x5FFFF  }
0xac: {  	[dreg:$0x1] =	wrdreg $0xFFFFFFFF  }
0xad: {  	[dreg:$0x0] =	wrdreg $0x60  }
0xae: {  	[dreg:$0x2] =	wrdreg s2  }
0xaf: {  	[dreg:$0x3] =	wrdreg s24  }
0xb0: {  	[dreg:$0x4] =	wrdreg $0xA8000  }
0xb1: {  	[dreg:$0x5] =	wrdreg $0x9  }
0xb2: {  	_ =	task.clear_ibuf [dreg:s7], $0x6FFFF;
	_ =	strace $0x90000046  }
0xb3: {  	s29 =	simm.s32 $0x9;
	_ =	strace $0x80000048  }
0xb4: {  	_ =	swait.ge [sflag:s29], $0x1  }
0xb5: {  	[sflag:s29] =	ssyncadd.s32 $0xFFFFFFFF  }
0xb6: {  	_ =	strace $0x90000048  }
0xb7: {  	_ =	sfence  }
0xb8: {  	s30 =	sld [smem:$0x0];
	_ =	sdelay $0x2  }
0xb9: {  	s31 =	sshll.u32 s1, $0xD;
	s1 =	sshrl.u32 s1, $0x2  }
0xba: {  	s3 =	sand.u32 $0x4000, s31;
	s1 =	sadd.s32 s1, s30  }
0xbb: {  	s0 =	sor.u32 s3, s0;
	s1 =	sshll.u32 s1, $0x11  }
0xbc: {  	s0 =	sor.u32 s1, s0  }
0xbd: {  	s0 =	sadd.s32 $0x8F2B, s0  }
0xbe: {  	[sflag:s0] =	ssyncadd.remote.s32 $0x1  }
0xbf: {  	_ =	sfence.sel $0xFFFF  }
0xc0: {  	[dreg:$0x0] =	wrdreg $0xFFFFFFFF;
	(pc) =	sbr.abs _section_cstart, $3  }
0xc1: {  	[dreg:$0x1] =	wrdreg $0xFFFFFFFF  }
0xc2: {  	_ =	task.clear_ibuf [dreg:s7], $0x2FFFF;
	_ =	strace $0x9FFFFFFF  }
0xc3: {  	(tm) =	ssettm $0x7FFFFFFF  }
tec
execute0_lowered:
.L_overlay_start_1:
0x0: {  	(tag) =	ssettag $0x1  }
0x1: {  	s0 =	srdreg.scid;
	s5 =	stileid.u32  }
0x2: {  	s0 =	sand.u32 $0x1, s0;
	s9 =	smul.u32 $0x2800, s5  }
0x3: {  	s1 =	rddreg [dreg:$0x0];
	s8 =	sor.u32 $0x10, s5;
	s30 =	smul.u32 $0x138800, s0  }
0x4: {  	s2 =	rddreg [dreg:$0x1];
	s10 =	sor.u32 $0x20, s5;
	s11 =	smul.u32 $0x2800, s8  }
0x5: {  	s3 =	rddreg [dreg:$0x2];
	s12 =	sor.u32 $0x30, s5;
	s13 =	smul.u32 $0x2800, s10  }
0x6: {  	s6 =	simm.s32 $0x0;
	s14 =	sor.u32 $0x40, s5;
	s15 =	smul.u32 $0x2800, s12  }
0x7: {  	s4 =	sshll.u32 s5, $0x1;
	s16 =	sor.u32 $0x50, s5;
	s17 =	smul.u32 $0x2800, s14  }
0x8: {  	[smem:$0x7FF] =	sst s6;
	s19 =	sor.u32 $0x60, s5;
	s20 =	smul.u32 $0x2800, s16  }
0x9: {  	s24 =	sadd.s32 $0x3600, s2;
	s25 =	sadd.s32 $0x17600, s2;
	s21 =	smul.u32 $0x2800, s19  }
0xa: {  	s2 =	sadd.s32 $0x2B600, s2;
	p1 =	sgt.u32 s5, $0xC;
	s8 =	smul.u32 $0xA000, s8  }
0xb: {  	s4 =	sor.u32 s0, s4;
	s0 =	ssub.s32 $0x2, s0;
	s10 =	smul.u32 $0xA000, s10  }
0xc: {  	_ =	strace $0x80000047;
	s23 =	smul.u32 $0x5000, s4;
	s18 =	sshrl.u32 s0, $0x1  }
0xd: {  	s0 =	ssub.s32 s0, s18;
	s18 =	sor.u32 $0x70, s5;
	s9 =	sadd.s32 s30, s9  }
0xe: {  	s11 =	sadd.s32 s30, s11;
	s13 =	sadd.s32 s30, s13;
	s15 =	sadd.s32 s30, s15  }
0xf: {  	s17 =	sadd.s32 s30, s17;
	s20 =	sadd.s32 s30, s20;
	s21 =	sadd.s32 s30, s21  }
0x10: {  	s22 =	smul.u32 $0x2800, s18;
	[dreg:$0x5] =	wrdreg s23;
	s9 =	sshrl.u32 s9, $0x3  }
0x11: {  	s7 =	sshrl.u32 s11, $0x3;
	s26 =	sshrl.u32 s15, $0x3;
	s6 =	sshrl.u32 s20, $0x3  }
0x12: {  	s0 =	smax.u32 s0, $0x1;
	s31 =	sadd.s32 s2, s9;
	s11 =	sadd.s32 s2, s7  }
0x13: {  	s29 =	sadd.s32 s2, s26;
	s7 =	sshrl.u32 s21, $0x3;
	[dreg:$0x10] =	wrdreg s0  }
0x14: {  	s9 =	sadd.s32 s2, s6;
	s21 =	smul.u32 $0xA000, s12;
	[dreg:$0x6] =	wrdreg s31  }
0x15: {  	s6 =	smov.u32 s25;
	s26 =	smul.u32 $0xA000, s19;
	[dreg:$0x7] =	wrdreg s11  }
0x16: {  	s4 =	sadd.s32 s30, s22;
	s22 =	sshrl.u32 s23, $0x3;
	[dreg:$0x9] =	wrdreg s29  }
0x17: {  	s23 =	sshrl.u32 s13, $0x3;
	s30 =	sshrl.u32 s17, $0x3;
	[dreg:$0xb] =	wrdreg s9  }
0x18: {  	s13 =	sadd.s32 s2, s7;
	s7 =	smov.u32 s24;
	s17 =	smul.u32 $0xA000, s5  }
0x19: {  	s28 =	sadd.s32 s2, s23;
	s31 =	sadd.s32 s2, s30;
	[dreg:$0xc] =	wrdreg s13  }
0x1a: {  	s4 =	sshrl.u32 s4, $0x3;
	s15 =	sadd.s32 s24, s22;
	[dreg:$0x8] =	wrdreg s28  }
0x1b: {  	s20 =	sadd.s32 s25, s22;
	s23 =	smul.u32 $0xA000, s14;
	[dreg:$0xa] =	wrdreg s31  }
0x1c: {  	s22 =	sshrl.u32 s8, $0x2;
	s24 =	smul.u32 $0xA000, s16;
	[dreg:$0xe] =	wrdreg s15  }
0x1d: {  	s25 =	sshrl.u32 s10, $0x2;
	s2 =	sadd.s32 s2, s4;
	[dreg:$0xf] =	wrdreg s20  }
0x1e: {  	s0 =	sshrl.u32 s21, $0x2;
	s12 =	sadd.s32 s22, s3;
	[dreg:$0xd] =	wrdreg s2  }
0x1f: {  	s30 =	sshrl.u32 s26, $0x2;
	s13 =	sadd.s32 s25, s3;
	[dreg:$0x12] =	wrdreg s12  }
0x20: {  	s28 =	smul.u32 $0xA000, s18;
	s14 =	sadd.s32 s0, s3;
	[dreg:$0x13] =	wrdreg s13  }
0x21: {  	s10 =	sadd.s32 s30, s3;
	s2 =	sshrl.u32 s17, $0x2;
	[dreg:$0x14] =	wrdreg s14  }
0x22: {  	s8 =	sshrl.u32 s23, $0x2;
	[dreg:$0x17] =	wrdreg s10;
	s11 =	sadd.s32 s2, s3  }
0x23: {  	s29 =	sshrl.u32 s24, $0x2;
	s8 =	sadd.s32 s8, s3;
	[dreg:$0x11] =	wrdreg s11  }
0x24: {  	s31 =	sshrl.u32 s28, $0x2;
	s9 =	sadd.s32 s29, s3;
	[dreg:$0x15] =	wrdreg s8  }
0x25: {  	p0 =	sgt.u32 s18, $0x7C;
	s15 =	sadd.s32 s31, s3;
	[dreg:$0x16] =	wrdreg s9  }
0x26: {  	v0 =	vimm.f32 $0.0e+00;
	s16 =	simm.s32 $0xA;
	s4 =	simm.s32 $0x0;
	[dreg:$0x18] =	wrdreg s15  }
.LBB2_1:
0x27: {  	[dreg:$0x19] =	wrdreg s4;
	s0 =	simm.s32 $0x70;
	s4 =	simm.s32 $0x3C0  }
.LBB2_2:
0x28: {  	p2 =	sne.s32 s4, $0x9FC0;
	[tilespmem:s0+$0x3000] =	vst v0  }
0x29: {  	[tilespmem:s0+$0x2F90] =	vst v0  }
0x2a: {  	[tilespmem:s0+$0x2FA0] =	vst v0  }
.Ltmp0:
0x2b: {  	[tilespmem:s0+$0x2FB0] =	vst v0;
	(pc) =	sbr.rel @p2 .LBB2_2-.Ltmp0, $4  }
0x2c: {  	[tilespmem:s0+$0x2FC0] =	vst v0  }
0x2d: {  	[tilespmem:s0+$0x2FD0] =	vst v0  }
0x2e: {  	[tilespmem:s0+$0x2FE0] =	vst v0  }
0x2f: {  	[tilespmem:s0+$0x2FF0] =	vst v0;
	s0 =	sshra.s32 s4, $0x2;
	s4 =	sadd.s32 $0x200, s4  }
0x30: {  	[tilespmem:s0+$0x3000] =	vst v0  }
0x31: {  	[tilespmem:s0+$0x2F90] =	vst v0  }
0x32: {  	[tilespmem:s0+$0x2FA0] =	vst v0  }
0x33: {  	[tilespmem:s0+$0x2FB0] =	vst v0  }
0x34: {  	[tilespmem:s0+$0x2FC0] =	vst v0  }
0x35: {  	[tilespmem:s0+$0x2FD0] =	vst v0  }
0x36: {  	[tilespmem:s0+$0x2FE0] =	vst v0  }
0x37: {  	[tilespmem:s0+$0x2FF0] =	vst v0;
	s19 =	simm.s32 $0x3000  }
0x38: {  	[spmem:s11] =	stream.linear.scatter [tilespmem:s19], [sflag:$0xA], $0x2800, $0x38;
	[tilespmem:$0x1E080] =	vst v63  }
0x39: {  	_ = 	snop  }
0x3a: {  	[spmem:s12] =	stream.linear.scatter [tilespmem:s19], [sflag:$0xA], $0x2800, $0x38;
	[tilespmem:$0x1E080] =	vst v63  }
0x3b: {  	_ = 	snop  }
0x3c: {  	[spmem:s13] =	stream.linear.scatter [tilespmem:s19], [sflag:$0xA], $0x2800, $0x38;
	[tilespmem:$0x1E080] =	vst v63  }
0x3d: {  	_ = 	snop  }
0x3e: {  	[spmem:s14] =	stream.linear.scatter [tilespmem:s19], [sflag:$0xA], $0x2800, $0x38;
	[tilespmem:$0x1E080] =	vst v63  }
0x3f: {  	_ = 	snop  }
0x40: {  	[spmem:s8] =	stream.linear.scatter [tilespmem:s19], [sflag:$0xA], $0x2800, $0x38;
	[tilespmem:$0x1E080] =	vst v63  }
0x41: {  	_ = 	snop  }
0x42: {  	[spmem:s9] =	stream.linear.scatter [tilespmem:s19], [sflag:$0xA], $0x2800, $0x38;
	[tilespmem:$0x1E080] =	vst v63  }
0x43: {  	_ = 	snop  }
0x44: {  	[spmem:s10] =	stream.linear.scatter [tilespmem:s19], [sflag:$0xA], $0x2800, $0x38;
	[tilespmem:$0x1E080] =	vst v63  }
0x45: {  	s0 =	simm.s32 @!p0 $0x3000  }
0x46: {  	[spmem:s15] =	stream.linear.scatter @!p0 [tilespmem:s0], [sflag:$0xA], $0x2800, $0x38;
	[tilespmem:$0x1E080] =	vst v63  }
0x47: {  	s20 =	simm.s32 $0x0;
	s2 =	rddreg [dreg:$0xe];
	s4 =	simm.s32 $0xB  }
0x48: {  	[tilespmem:s20], [sflag:$0xB] =	stream.linear.gather [hbm4b:s2+s20], $0xC80, $0x38;
	[tilespmem:$0x1E080] =	vst v63  }
0x49: {  	_ =	swait.ge [sflag:s4], $0xC80  }
0x4a: {  	[sflag:s4] =	ssyncset.done $0x0  }
0x4b: {  	s5 =	simm.s32 $0x1000;
	s21 =	rddreg [dreg:$0xf];
	[sflag:s4] =	ssyncadd.s32 $0xFFFFF380  }
0x4c: {  	[tilespmem:s5], [sflag:$0xB] =	stream.linear.gather [hbm4b:s21+s20], $0xC80, $0x38;
	[tilespmem:$0x1E080] =	vst v63  }
0x4d: {  	_ =	swait.ge [sflag:s4], $0xC80  }
0x4e: {  	s22 =	simm.s32 $0x28;
	[sflag:s4] =	ssyncset.done $0x0  }
0x4f: {  	s23 =	simm.s32 $0x80;
	s24 =	simm.s32 $0x5800;
	[sflag:s4] =	ssyncadd.s32 $0xFFFFF380  }
0x50: {  	[tilespmem:s24], [sflag:$0x3] =	stream.indirect.gather [hbm4b:s1+s22], $0x80, s23, s22, $0xb8;
	[tilespmem:$0x1E080] =	vst v63  }
0x51: {  	s25 =	simm.s32 $0xA8;
	s26 =	simm.s32 $0x6C00  }
0x52: {  	[tilespmem:s26], [sflag:$0x4] =	stream.indirect.gather [hbm4b:s1+s22], $0x80, s25, s22, $0xb8;
	[tilespmem:$0x1E080] =	vst v63  }
0x53: {  	s28 =	simm.s32 $0x100;
	s29 =	simm.s32 $0x8000  }
0x54: {  	[tilespmem:s29], [sflag:$0x5] =	stream.indirect.gather [hbm4b:s1+s22], $0x80, s28, s22, $0xb8;
	[tilespmem:$0x1E080] =	vst v63  }
0x55: {  	s30 =	simm.s32 $0x128;
	s31 =	simm.s32 $0x9400  }
0x56: {  	[tilespmem:s31], [sflag:$0x6] =	stream.indirect.gather [hbm4b:s1+s22], $0x80, s30, s22, $0xb8;
	[tilespmem:$0x1E080] =	vst v63  }
0x57: {  	_ =	swait.ge [sflag:s16], $0x2800  }
0x58: {  	[sflag:s16] =	ssyncset.done $0x0  }
0x59: {  	[sflag:s16] =	ssyncadd.s32 $0xFFFFD800  }
0x5a: {  	_ =	swait.ge [sflag:s16], $0x2800  }
0x5b: {  	[sflag:s16] =	ssyncset.done $0x0  }
0x5c: {  	[sflag:s16] =	ssyncadd.s32 $0xFFFFD800  }
0x5d: {  	_ =	swait.ge [sflag:s16], $0x2800  }
0x5e: {  	[sflag:s16] =	ssyncset.done $0x0  }
0x5f: {  	[sflag:s16] =	ssyncadd.s32 $0xFFFFD800  }
0x60: {  	_ =	swait.ge [sflag:s16], $0x2800  }
0x61: {  	[sflag:s16] =	ssyncset.done $0x0  }
0x62: {  	[sflag:s16] =	ssyncadd.s32 $0xFFFFD800  }
0x63: {  	_ =	swait.ge [sflag:s16], $0x2800  }
0x64: {  	[sflag:s16] =	ssyncset.done $0x0  }
0x65: {  	[sflag:s16] =	ssyncadd.s32 $0xFFFFD800  }
0x66: {  	_ =	swait.ge [sflag:s16], $0x2800  }
0x67: {  	[sflag:s16] =	ssyncset.done $0x0  }
0x68: {  	[sflag:s16] =	ssyncadd.s32 $0xFFFFD800  }
0x69: {  	_ =	swait.ge [sflag:s16], $0x2800  }
0x6a: {  	[sflag:s16] =	ssyncset.done $0x0  }
0x6b: {  	s0 =	simm.s32 @!p1 $0xA;
	[sflag:s16] =	ssyncadd.s32 $0xFFFFD800  }
0x6c: {  	_ =	swait.ge @!p1 [sflag:s0], $0x2800  }
0x6d: {  	[sflag:s0] =	ssyncset.done @!p1 $0x0  }
0x6e: {  	s9 =	simm.s32 $0x0;
	s10 =	simm.s32 $0x3000;
	[sflag:s0] =	ssyncadd.s32 @!p1 $0xFFFFD800  }
0x6f: {  	[tilespmem:s10], [sflag:$0x1] =	stream.indirect.gather [hbm4b:s1+s22], $0x80, s9, s22, $0xb8;
	[tilespmem:$0x1E080] =	vst v63  }
0x70: {  	s11 =	simm.s32 $0x4400;
	s12 =	simm.s32 $0x4;
	s13 =	simm.s32 $0xFFFFFFFD  }
0x71: {  	[tilespmem:s11], [sflag:$0x2] =	stream.indirect.gather [hbm4b:s1+s22], $0x80, s22, s22, $0xb8;
	[tilespmem:$0x1E080] =	vst v63  }
0x72: {  	s14 =	simm.s32 $0x1;
	s15 =	simm.s32 $0x0;
	[bflag:$0x0] =	sbarrier.arrive $0xFFFF  }
.LBB2_4:
0x73: {  	p3 =	seq.s32 s15, $0x0  }
0x74: {  	s2 =	rddreg [dreg:$0x5];
	s0 =	sshll.u32 @!p3 s15, $0xC  }
0x75: {  	s0 =	sadd.s32 @!p3 s2, s0  }
0x76: {  	p2 =	por $0x1, $0x1;
	s0 =	sshrl.u32 @!p3 s0, $0x3  }
0x77: {  	s25 =	smulhi.u32 $0xAAAAAAAB, s13;
	s16 =	simm.s32 @!p3 $0x0;
	s4 =	sadd.s32 @!p3 s7, s0  }
0x78: {  	[tilespmem:s16], [sflag:$0xB] =	stream.linear.gather @!p3 [hbm4b:s4+s16], $0xC80, $0x38;
	[tilespmem:$0x1E080] =	vst v63  }
0x79: {  	s31 =	smulhi.u32 $0xAAAAAAAB, s9;
	s17 =	sshll.u32 @!p3 s15, $0xE;
	s4 =	simm.s32 @!p3 $0xB  }
0x7a: {  	s30 =	sadd.s32 $0x2800, s10;
	s17 =	sand.u32 @!p3 $0x4000, s17;
	_ =	swait.ge @!p3 [sflag:s4], $0xC80  }
0x7b: {  	s18 =	sshrl.u32 @!p3 s17, $0x2;
	s17 =	simm.s32 @p3 $0x0;
	[sflag:s4] =	ssyncset.done @!p3 $0x0  }
0x7c: {  	s18 =	sadd.s32 @!p3 $0x1000, s18;
	s0 =	sadd.s32 @!p3 s6, s0;
	[sflag:s4] =	ssyncadd.s32 @!p3 $0xFFFFF380  }
0x7d: {  	[tilespmem:s18], [sflag:$0xB] =	stream.linear.gather @!p3 [hbm4b:s0+s16], $0xC80, $0x38;
	[tilespmem:$0x1E080] =	vst v63  }
0x7e: {  	s29 =	sshrl.u32 s25, $0x1;
	s26 =	sshrl.u32 s17, $0x2;
	s0 =	sadd.s32 @!p2 $0x0, s9  }
0x7f: {  	s28 =	sadd.s32 $0xF00, s26;
	s0 =	sadd.s32 @!p2 $0xFFFFFFFE, s0;
	p2 =	por p2, p2  }
0x80: {  	_ =	swait.ge @!p3 [sflag:s4], $0xC80;
	s17 =	smulhi.u32 @!p2 $0x55555556, s0;
	s19 =	sshra.s32 @!p2 s0, $0x1F  }
0x81: {  	s16 =	simm.s32 $0x1;
	[sflag:s4] =	ssyncset.done @!p3 $0x0;
	s19 =	smul.u32 @!p2 $0x55555556, s19  }
0x82: {  	s18 =	sshrl.u32 s31, $0x1;
	[sflag:s4] =	ssyncadd.s32 @!p3 $0xFFFFF380;
	s4 =	smul.u32 $0xFFFFFFF4, s29  }
0x83: {  	p3 =	por $0x0, $0x0;
	s17 =	sadd.s32 @!p2 s19, s17;
	s19 =	sadd.s32 $0x0, s9  }
0x84: {  	[dreg:$0x4] =	wrdreg s28;
	p4 =	slt.u32 @!p3 s19, $0x3;
	s19 =	smul.u32 $0xFFFFFFE8, s18  }
0x85: {  	s4 =	sshra.s32 s4, $0x2;
	s20 =	sshrl.u32 @!p2 s17, $0x1F;
	s18 =	smul.u32 $0xFFFE2000, s18  }
0x86: {  	s4 =	sadd.s32 s4, s12;
	s17 =	sadd.s32 @!p2 s20, s17;
	p3 =	por p4, p3  }
0x87: {  	s17 =	smul.u32 @!p2 $0x3, s17;
	s20 =	simm.s32 @!p3 $0x0;
	s18 =	sshra.s32 s18, $0x2  }
0x88: {  	s21 =	simm.s32 @!p3 $0x28;
	_ =	swait.ge @!p3 [sflag:s4], $0x2800;
	s23 =	sadd.s32 s18, s10  }
0x89: {  	[sflag:s4] =	ssyncset.done @!p3 $0x0;
	s18 =	sadd.s32 s18, s11;
	s0 =	ssub.s32 @!p2 s0, s17  }
0x8a: {  	s17 =	sshra.s32 @!p3 s19, $0x2;
	[sflag:s4] =	ssyncadd.s32 @!p3 $0xFFFFD800;
	s19 =	sshll.u32 @!p2 s0, $0x3  }
0x8b: {  	s22 =	smul.u32 @!p2 $0xA000, s0;
	s17 =	sadd.s32 @!p3 s17, s14;
	s19 =	sshra.s32 @!p2 s19, $0x2  }
0x8c: {  	[tilespmem:s23], [sflag:s17] =	stream.indirect.gather @!p3 [hbm4b:s1+s21], $0x80, s20, s21, $0xb8;
	[tilespmem:$0x1E080] =	vst v63  }
0x8d: {  	s4 =	simm.s32 @!p3 $0x28;
	s17 =	sadd.s32 @!p3 $0x1, s17;
	s20 =	sor.u32 @!p2 $0x1, s19  }
0x8e: {  	s23 =	sshra.s32 @!p2 s22, $0x2;
	s22 =	sadd.s32 @!p2 $0x7, s0;
	s24 =	sadd.s32 @!p2 $0x2, s19  }
0x8f: {  	[tilespmem:s18], [sflag:s17] =	stream.indirect.gather @!p3 [hbm4b:s1+s21], $0x80, s4, s21, $0xb8;
	[tilespmem:$0x1E080] =	vst v63  }
0x90: {  	s0 =	sadd.s32 $0x2, s14;
	s19 =	sadd.s32 $0x1, s13;
	_ =	swait.ge @!p2 [sflag:s20], $0x1400  }
0x91: {  	s23 =	sadd.s32 @!p2 $0x3000, s23;
	s17 =	sadd.s32 $0x2800, s11;
	[sflag:s20] =	ssyncset.done @!p2 $0x0  }
0x92: {  	s18 =	sadd.s32 $0x1, s9;
	s4 =	sadd.s32 $0x1, s12;
	[sflag:s20] =	ssyncadd.s32 @!p2 $0xFFFFEC00  }
0x93: {  	s21 =	simm.s32 $0x0;
	s20 =	simm.s32 $0x0;
	_ =	swait.ge @!p2 [sflag:s24], $0x1400  }
.LBB2_5:
0x94: {  	s25 =	rddreg [dreg:$0x4]  }
0x95: {  	s20 =	sadd.s32 $0x200, s20;
	s26 =	smov.u32 s16;
	s16 =	sadd.s32 $0x1, s16  }
0x96: {  	[sflag:s24] =	ssyncset.done @!p2 $0x0;
	s21 =	sshra.s32 @!p2 s21, $0x2;
	s5 =	smulhi.u32 $0xAAAAAAAB, s19  }
0x97: {  	s8 =	smulhi.u32 $0xAAAAAAAB, s18;
	s18 =	sadd.s32 $0x1, s18;
	p4 =	slt.u32 s26, $0x2  }
0x98: {  	[sflag:s24] =	ssyncadd.s32 @!p2 $0xFFFFEC00;
	s24 =	simm.s32 @!p2 $0x50;
	s25 =	sadd.s32 @!p2 s21, s25  }
0x99: {  	[spmem:s3] =	stream.indirect.scatter.add.f32 @!p2 [tilespmem:s23], [sflag:s22], $0x80, s25, s24, $0xb8;
	[tilespmem:$0x1E080] =	vst v63  }
0x9a: {  	s19 =	sadd.s32 $0x1, s19;
	s29 =	sadd.s32 @!p4 s26, s9;
	s22 =	sshrl.u32 s5, $0x1  }
0x9b: {  	p2 =	por p4, p4;
	s23 =	sadd.s32 @!p4 $0xFFFFFFFE, s29;
	s22 =	smul.u32 $0xFFFFFFF4, s22  }
0x9c: {  	s28 =	sshrl.u32 s8, $0x1;
	s24 =	smulhi.u32 @!p2 $0x55555556, s23;
	s25 =	sshra.s32 @!p2 s23, $0x1F  }
0x9d: {  	p4 =	sgt.u32 s26, $0x18;
	s26 =	sadd.s32 s26, s9;
	s25 =	smul.u32 @!p2 $0x55555556, s25  }
0x9e: {  	p3 =	sne.s32 s16, $0x1B;
	p5 =	slt.u32 @!p4 s26, $0x3;
	s26 =	smul.u32 $0xFFFE2000, s28  }
0x9f: {  	s22 =	sshra.s32 s22, $0x2;
	p4 =	por p5, p4;
	s24 =	sadd.s32 @!p2 s25, s24  }
0xa0: {  	s22 =	sadd.s32 s22, s4;
	s29 =	sshra.s32 @!p4 s20, $0x2;
	s25 =	sshrl.u32 @!p2 s24, $0x1F  }
0xa1: {  	s31 =	simm.s32 @!p4 $0x28;
	s24 =	sadd.s32 @!p2 s25, s24;
	s25 =	smul.u32 $0xFFFFFFE8, s28  }
0xa2: {  	s26 =	sshra.s32 s26, $0x2;
	_ =	swait.ge @!p4 [sflag:s22], $0x2800;
	s24 =	smul.u32 @!p2 $0x3, s24  }
0xa3: {  	s8 =	sadd.s32 s26, s30;
	s26 =	sadd.s32 s26, s17;
	s2 =	sadd.s32 @!p4 $0x28, s29  }
0xa4: {  	[sflag:s22] =	ssyncset.done @!p4 $0x0;
	s23 =	ssub.s32 @!p2 s23, s24;
	s24 =	sshra.s32 @!p4 s25, $0x2  }
0xa5: {  	[sflag:s22] =	ssyncadd.s32 @!p4 $0xFFFFD800;
	s25 =	sshll.u32 @!p2 s23, $0x3;
	s24 =	sadd.s32 @!p4 s24, s0  }
0xa6: {  	[tilespmem:s8], [sflag:s24] =	stream.indirect.gather @!p4 [hbm4b:s1+s31], $0x80, s29, s31, $0xb8;
	[tilespmem:$0x1E080] =	vst v63  }
0xa7: {  	s28 =	smul.u32 @!p2 $0xA000, s23;
	s25 =	sshra.s32 @!p2 s25, $0x2;
	s5 =	sadd.s32 @!p4 $0x1, s24  }
0xa8: {  	[tilespmem:s26], [sflag:s5] =	stream.indirect.gather @!p4 [hbm4b:s1+s31], $0x80, s2, s31, $0xb8;
	[tilespmem:$0x1E080] =	vst v63  }
.Ltmp1:
0xa9: {  	s21 =	smov.u32 s20;
	s8 =	sor.u32 @!p2 $0x1, s25;
	(pc) =	sbr.rel @p3 .LBB2_5-.Ltmp1, $4  }
0xaa: {  	s4 =	sadd.s32 $0x1, s4;
	s17 =	sadd.s32 $0x2800, s17;
	_ =	swait.ge @!p2 [sflag:s8], $0x1400  }
0xab: {  	s22 =	sadd.s32 @!p2 $0x7, s23;
	s24 =	sshra.s32 @!p2 s28, $0x2;
	[sflag:s8] =	ssyncset.done @!p2 $0x0  }
0xac: {  	s23 =	sadd.s32 @!p2 $0x3000, s24;
	s24 =	sadd.s32 @!p2 $0x2, s25;
	[sflag:s8] =	ssyncadd.s32 @!p2 $0xFFFFEC00  }
0xad: {  	s30 =	sadd.s32 $0x2800, s30;
	s0 =	sadd.s32 $0x2, s0;
	_ =	swait.ge @!p2 [sflag:s24], $0x1400  }
0xae: {  	s0 =	rddreg [dreg:$0x4]  }
0xaf: {  	[sflag:s24] =	ssyncset.done @!p2 $0x0;
	s2 =	sshra.s32 @!p2 s21, $0x2;
	s4 =	simm.s32 @!p2 $0x50  }
0xb0: {  	s15 =	sadd.s32 $0x1, s15;
	[sflag:s24] =	ssyncadd.s32 @!p2 $0xFFFFEC00;
	s0 =	sadd.s32 @!p2 s2, s0  }
0xb1: {  	[spmem:s3] =	stream.indirect.scatter.add.f32 @!p2 [tilespmem:s23], [sflag:s22], $0x80, s0, s4, $0xb8;
	[tilespmem:$0x1E080] =	vst v63  }
0xb2: {  	p2 =	sne.s32 s15, $0x5  }
.Ltmp2:
0xb3: {  	_ = 	snop;
	(pc) =	sbr.rel @p2 .LBB2_4-.Ltmp2, $3  }
0xb4: {  	_ =	sdelay $0x1  }
0xb5: {  	s12 =	sadd.s32 $0x19, s12;
	s13 =	sadd.s32 $0x19, s13;
	s14 =	sadd.s32 $0x32, s14  }
0xb6: {  	s9 =	sadd.s32 $0x19, s9;
	s10 =	sadd.s32 $0x3E800, s10;
	s11 =	sadd.s32 $0x3E800, s11  }
0xb7: {  	s0 =	simm.s32 $0x9  }
0xb8: {  	_ =	swait.ge [sflag:s0], $0x2800  }
0xb9: {  	[sflag:s0] =	ssyncset.done $0x0  }
0xba: {  	s20 =	simm.s32 $0x7;
	[sflag:s0] =	ssyncadd.s32 $0xFFFFD800  }
0xbb: {  	_ =	swait.ge [sflag:s20], $0x2800  }
0xbc: {  	[sflag:s20] =	ssyncset.done $0x0  }
0xbd: {  	s21 =	simm.s32 $0x8;
	[sflag:s20] =	ssyncadd.s32 $0xFFFFD800  }
0xbe: {  	_ =	swait.ge [sflag:s21], $0x2800  }
0xbf: {  	[sflag:s21] =	ssyncset.done $0x0  }
0xc0: {  	[sflag:s21] =	ssyncadd.s32 $0xFFFFD800  }
0xc1: {  	s22 =	stileid.u32;
	[bflag:$0x0] =	sbarrier.arrive $0xFFFF  }
0xc2: {  	s0 =	sshll.u32 s22, $0x6;
	s11 =	rddreg [dreg:$0x11]  }
0xc3: {  	s0 =	sor.u32 $0x1C0A, s0;
	s4 =	rddreg [dreg:$0x6];
	s2 =	sshrl.u32 s11, $0x3  }
0xc4: {  	[hbm:s4], [sflag:s0] =	dma.local [spmem:s2], $0x500  }
0xc5: {  	s12 =	rddreg [dreg:$0x12]  }
0xc6: {  	s4 =	rddreg [dreg:$0x7];
	s23 =	sshrl.u32 s12, $0x3  }
0xc7: {  	[hbm:s4], [sflag:s0] =	dma.local [spmem:s23], $0x500  }
0xc8: {  	s13 =	rddreg [dreg:$0x13]  }
0xc9: {  	s4 =	rddreg [dreg:$0x8];
	s24 =	sshrl.u32 s13, $0x3  }
0xca: {  	[hbm:s4], [sflag:s0] =	dma.local [spmem:s24], $0x500  }
0xcb: {  	s14 =	rddreg [dreg:$0x14]  }
0xcc: {  	s4 =	rddreg [dreg:$0x9];
	s25 =	sshrl.u32 s14, $0x3  }
0xcd: {  	[hbm:s4], [sflag:s0] =	dma.local [spmem:s25], $0x500  }
0xce: {  	s8 =	rddreg [dreg:$0x15]  }
0xcf: {  	s4 =	rddreg [dreg:$0xa];
	s26 =	sshrl.u32 s8, $0x3  }
0xd0: {  	[hbm:s4], [sflag:s0] =	dma.local [spmem:s26], $0x500  }
0xd1: {  	s9 =	rddreg [dreg:$0x16]  }
0xd2: {  	s4 =	rddreg [dreg:$0xb];
	s28 =	sshrl.u32 s9, $0x3  }
0xd3: {  	[hbm:s4], [sflag:s0] =	dma.local [spmem:s28], $0x500  }
0xd4: {  	s10 =	rddreg [dreg:$0x17]  }
0xd5: {  	s4 =	rddreg [dreg:$0xc];
	s29 =	sshrl.u32 s10, $0x3  }
0xd6: {  	[hbm:s4], [sflag:s0] =	dma.local [spmem:s29], $0x500  }
0xd7: {  	s15 =	rddreg [dreg:$0x18]  }
0xd8: {  	s16 =	simm.s32 $0xA;
	s4 =	rddreg [dreg:$0xd];
	s2 =	sshrl.u32 @!p0 s15, $0x3  }
0xd9: {  	[hbm:s4], [sflag:s0] =	dma.local @!p0 [spmem:s2], $0x500  }
0xda: {  	_ =	swait.ge [sflag:s16], $0x500  }
0xdb: {  	[sflag:s16] =	ssyncset.done $0x0  }
0xdc: {  	[sflag:s16] =	ssyncadd.s32 $0xFFFFFB00  }
0xdd: {  	_ =	swait.ge [sflag:s16], $0x500  }
0xde: {  	[sflag:s16] =	ssyncset.done $0x0  }
0xdf: {  	[sflag:s16] =	ssyncadd.s32 $0xFFFFFB00  }
0xe0: {  	_ =	swait.ge [sflag:s16], $0x500  }
0xe1: {  	[sflag:s16] =	ssyncset.done $0x0  }
0xe2: {  	[sflag:s16] =	ssyncadd.s32 $0xFFFFFB00  }
0xe3: {  	_ =	swait.ge [sflag:s16], $0x500  }
0xe4: {  	[sflag:s16] =	ssyncset.done $0x0  }
0xe5: {  	[sflag:s16] =	ssyncadd.s32 $0xFFFFFB00  }
0xe6: {  	_ =	swait.ge [sflag:s16], $0x500  }
0xe7: {  	[sflag:s16] =	ssyncset.done $0x0  }
0xe8: {  	[sflag:s16] =	ssyncadd.s32 $0xFFFFFB00  }
0xe9: {  	_ =	swait.ge [sflag:s16], $0x500  }
0xea: {  	[sflag:s16] =	ssyncset.done $0x0  }
0xeb: {  	[sflag:s16] =	ssyncadd.s32 $0xFFFFFB00  }
0xec: {  	_ =	swait.ge [sflag:s16], $0x500  }
0xed: {  	[sflag:s16] =	ssyncset.done $0x0  }
0xee: {  	s0 =	simm.s32 @!p1 $0xA;
	[sflag:s16] =	ssyncadd.s32 $0xFFFFFB00  }
0xef: {  	_ =	swait.ge @!p1 [sflag:s0], $0x500  }
0xf0: {  	s30 =	rddreg [dreg:$0x19]  }
0xf1: {  	s31 =	rddreg [dreg:$0x10];
	s4 =	sadd.s32 $0x1, s30  }
0xf2: {  	p2 =	sne.s32 s4, s31  }
.Ltmp3:
0xf3: {  	_ = 	snop;
	(pc) =	sbr.rel @p2 .LBB2_1-.Ltmp3, $3  }
0xf4: {  	_ =	sdelay $0x1  }
0xf5: {  	[sflag:s0] =	ssyncset.done @!p1 $0x0  }
0xf6: {  	[sflag:s0] =	ssyncadd.s32 @!p1 $0xFFFFFB00  }
0xf7: {  	_ =	sfence.sel $0x180000  }
0xf8: {  	[bflag:$0x0] =	sbarrier.arrive $0xFFFF  }
0xf9: {  	_ =	strace $0x90000047  }
0xfa: {  	s0 =	stileid.u32;
	[bflag:$0x2] =	sbarrier.arrive $0xFFFF  }
0xfb: {  	p0 =	sne.s32 s0, $0x0;
	s0 =	rddreg [dreg:$0x3]  }
0xfc: {  	s0 =	sadd.s32 @!p0 $0x100000, s0  }
0xfd: {  	[sflag:s0] =	ssyncadd.tile.s32 @!p0 $0x1;
	_ =	shalt  }
.Lfunc_end2:
_tile_overlayer_lowered:
.L_overlay_start_2:
0xfe: {  	(tag) =	ssettag $0x2  }
0xff: {  	s0 =	rddreg [dreg:$0x0];
	s2 =	stileid.u32  }
0x100: {  	s1 =	rddreg [dreg:$0x1];
	p0 =	sne.s32 s2, $0x0  }
0x101: {  	s3 =	rddreg [dreg:$0x2];
	[bflag:$0x3] =	sbarrier.arrive $0xFFFF;
	s2 =	simm.s32 @!p0 $0x1C0B  }
0x102: {  	[timem:s3], [sflag:s2] =	dma.local @!p0 [hbm:s0], s1  }
0x103: {  	s0 =	simm.s32 @!p0 $0xB  }
0x104: {  	_ =	swait.ge @!p0 [sflag:s0], s1  }
0x105: {  	s1 =	ssub.s32 @!p0 $0x0, s1;
	[sflag:s0] =	ssyncset.done @!p0 $0x0  }
0x106: {  	[sflag:s0] =	ssyncadd.s32 @!p0 s1  }
0x107: {  	[bflag:$0x3] =	sbarrier.arrive $0xFFFF  }
0x108: {  	_ =	shalt  }

// kernel: kernel.13.cloned.1.call-start
scs
__scs_entry_jumppad:
0x0: {  	(pc) =	sbr.rel $0x88, $3  }
0x1: {  	(tag) =	ssettag $0x0;
	lr =	simm.s32 $0x1  }
0x2: {  	[smem:$0x3F94] =	sst lr;
	_ =	strace $0xD0000000  }
0x3: {  	_ = 	snop  }
0x4: {  	_ = 	snop  }
0x5: {  	_ = 	snop  }
0x6: {  	_ = 	snop  }
0x7: {  	_ = 	snop  }
__scs_overlays_trampoline_lowered:
0x8: {  	[smem:$0x3FA3] =	sst s0  }
0x9: {  	[smem:$0x3FA4] =	sst s1  }
0xa: {  	[smem:$0x3FA5] =	sst s2  }
0xb: {  	[smem:$0x3FA6] =	sst s3  }
0xc: {  	[smem:$0x3FA7] =	sst s4  }
0xd: {  	[smem:$0x3FA8] =	sst s5  }
0xe: {  	[smem:$0x3FA9] =	sst s6  }
0xf: {  	[smem:$0x3FAA] =	sst s7  }
0x10: {  	[smem:$0x3FAB] =	sst s8  }
0x11: {  	[smem:$0x3FAC] =	sst s9;
	s0 =	simm.s32 @!p0 $0x0  }
0x12: {  	s1 =	sld [smem:$0x3F92];
	s0 =	simm.s32 @p0 $0x1  }
0x13: {  	[smem:$0x3FAD] =	sst s0;
	s0 =	simm.s32 @!p1 $0x0  }
0x14: {  	s2 =	sld [smem:$0x3F91];
	s0 =	simm.s32 @p1 $0x1  }
0x15: {  	[smem:$0x3FAE] =	sst s0;
	s0 =	simm.s32 @!p2 $0x0  }
0x16: {  	s3 =	sld [smem:$0x3FDB];
	s0 =	simm.s32 @p2 $0x1  }
0x17: {  	s4 =	simm.s32 $0x1BF5;
	[smem:$0x3FB0] =	sst s0  }
0x18: {  	s0 =	sld [smem:$0x3F93];
	_ =	swait.ge [sflag:s4], $0x0  }
0x19: {  	s7 =	sld [smem:$0x3F94]  }
0x1a: {  	s8 =	sadd.s32 $0xFFFFE003, lr  }
0x1b: {  	s9 =	sadd.s32 $0xFFFFFEF7, lr;
	s5 =	simm.s32 $0xFFFFFFFF;
	p2 =	slt.u32 s8, $0xFFFFF086  }
0x1c: {  	p1 =	slt.u32 s9, $0xF7A;
	s5 =	simm.s32 @!p2 $0x0  }
0x1d: {  	s5 =	simm.s32 @p1 $0x1;
	p0 =	seq.s32 s7, s2  }
0x1e: {  	s7 =	smul.u32 @!p0 $0xF7A, s2;
	p2 =	seq.s32 @!p0 s5, $0x0  }
0x1f: {  	s9 =	smul.u32 $0xF7A, s1;
	s8 =	simm.s32 @!p0 $0x1BF5;
	p2 =	por !p2, p0  }
0x20: {  	[sflag:s8] =	ssyncset.s32 @!p0 $0xFFFFF086;
	s6 =	sadd.s32 @!p0 s3, s7;
	s7 =	simm.s32 @!p0 $0x108  }
0x21: {  	s3 =	sadd.s32 s3, s9;
	s6 =	sadd.s32 @!p0 $0x88, s6;
	s7 =	simm.s32 @p2 $0x1082  }
0x22: {  	[simem:s7], [sflag:s8] =	dma.local @!p0 [hbm:s6], $0xF7A  }
0x23: {  	s9 =	sor.u32 $0xD0000000, s2;
	s6 =	simm.s32 $0x108;
	_ =	swait.ge @!p0 [sflag:s8], $0x0  }
0x24: {  	s3 =	sadd.s32 $0x88, s3;
	s6 =	simm.s32 @!p1 $0x1082;
	[sflag:s4] =	ssyncset.s32 $0xFFFFF086  }
0x25: {  	[simem:s6], [sflag:s4] =	dma.local [hbm:s3], $0xF7A  }
0x26: {  	[smem:$0x3F94] =	sst s1;
	(tag) =	ssettag s2;
	_ =	strace s9  }
0x27: {  	s1 =	sld [smem:$0x3FA4]  }
0x28: {  	s2 =	sld [smem:$0x3FA5]  }
0x29: {  	s4 =	sld [smem:$0x3FA7]  }
0x2a: {  	p0 =	seq.s32 s5, $0x0;
	s5 =	sld [smem:$0x3FA8]  }
0x2b: {  	s6 =	sld [smem:$0x3FA9]  }
0x2c: {  	s7 =	sld [smem:$0x3FAA]  }
0x2d: {  	s3 =	simm.s32 $0x108;
	s8 =	sld [smem:$0x3FAB]  }
0x2e: {  	s3 =	simm.s32 @!p0 $0x1082;
	s9 =	sld [smem:$0x3FAC]  }
0x2f: {  	lr =	sadd.s32 s0, s3;
	s0 =	sld [smem:$0x3FA3]  }
0x30: {  	s3 =	sld [smem:$0x3FA6]  }
0x31: {  	[smem:$0x3FAF] =	sst s10  }
0x32: {  	s10 =	sld [smem:$0x3FAD];
	_ =	sdelay $0x3  }
0x33: {  	p0 =	seq.s32 s10, $0x1;
	s10 =	sld [smem:$0x3FAF];
	_ =	sdelay $0x3  }
0x34: {  	[smem:$0x3FAF] =	sst s10  }
0x35: {  	s10 =	sld [smem:$0x3FAE];
	_ =	sdelay $0x3  }
0x36: {  	p1 =	seq.s32 s10, $0x1;
	s10 =	sld [smem:$0x3FAF];
	_ =	sdelay $0x3  }
0x37: {  	[smem:$0x3FAF] =	sst s10  }
0x38: {  	s10 =	sld [smem:$0x3FB0]  }
0x39: {  	_ = 	snop;
	(pc) =	sbr.ind lr, $3  }
0x3a: {  	_ = 	snop  }
0x3b: {  	_ = 	snop  }
0x3c: {  	p2 =	seq.s32 s10, $0x1;
	s10 =	sld [smem:$0x3FAF]  }
0x3d: {  	_ =	shalt  }
0x3e: {  	_ =	shalt  }
0x3f: {  	_ =	shalt  }
0x40: {  	_ =	shalt  }
0x41: {  	_ =	shalt  }
0x42: {  	_ =	shalt  }
0x43: {  	_ =	shalt  }
0x44: {  	_ =	shalt  }
0x45: {  	_ =	shalt  }
0x46: {  	_ =	shalt  }
0x47: {  	_ =	shalt  }
0x48: {  	_ =	shalt  }
0x49: {  	_ =	shalt  }
0x4a: {  	_ =	shalt  }
0x4b: {  	_ =	shalt  }
0x4c: {  	_ =	shalt  }
0x4d: {  	_ =	shalt  }
0x4e: {  	_ =	shalt  }
0x4f: {  	_ =	shalt  }
0x50: {  	_ =	shalt  }
0x51: {  	_ =	shalt  }
0x52: {  	_ =	shalt  }
0x53: {  	_ =	shalt  }
0x54: {  	_ =	shalt  }
0x55: {  	_ =	shalt  }
0x56: {  	_ =	shalt  }
0x57: {  	_ =	shalt  }
0x58: {  	_ =	shalt  }
0x59: {  	_ =	shalt  }
0x5a: {  	_ =	shalt  }
0x5b: {  	_ =	shalt  }
0x5c: {  	_ =	shalt  }
0x5d: {  	_ =	shalt  }
0x5e: {  	_ =	shalt  }
0x5f: {  	_ =	shalt  }
0x60: {  	_ =	shalt  }
0x61: {  	_ =	shalt  }
0x62: {  	_ =	shalt  }
0x63: {  	_ =	shalt  }
0x64: {  	_ =	shalt  }
0x65: {  	_ =	shalt  }
0x66: {  	_ =	shalt  }
0x67: {  	_ =	shalt  }
0x68: {  	_ =	shalt  }
0x69: {  	_ =	shalt  }
0x6a: {  	_ =	shalt  }
0x6b: {  	_ =	shalt  }
0x6c: {  	_ =	shalt  }
0x6d: {  	_ =	shalt  }
0x6e: {  	_ =	shalt  }
0x6f: {  	_ =	shalt  }
0x70: {  	_ =	shalt  }
0x71: {  	_ =	shalt  }
0x72: {  	_ =	shalt  }
0x73: {  	_ =	shalt  }
0x74: {  	_ =	shalt  }
0x75: {  	_ =	shalt  }
0x76: {  	_ =	shalt  }
0x77: {  	_ =	shalt  }
0x78: {  	_ =	shalt  }
0x79: {  	_ =	shalt  }
0x7a: {  	_ =	shalt  }
0x7b: {  	_ =	shalt  }
0x7c: {  	_ =	shalt  }
0x7d: {  	_ =	shalt  }
0x7e: {  	_ =	shalt  }
0x7f: {  	_ =	shalt  }
0x80: {  	_ =	shalt  }
0x81: {  	_ =	shalt  }
0x82: {  	_ =	shalt  }
0x83: {  	_ =	shalt  }
0x84: {  	_ =	shalt  }
0x85: {  	_ =	shalt  }
0x86: {  	_ =	shalt  }
0x87: {  	_ =	shalt  }
.Lfunc_end0:
.L_simem_size_0:
called_computation.1_lowered:
.L_overlay_start_0:
0x88: {  	s2 =	sld [smem:$0x3FD9]  }
0x89: {  	s3 =	sld [smem:$0x3FFE];
	_ =	sdelay $0x1  }
0x8a: {  	s1 =	srdreg.scid  }
0x8b: {  	s0 =	sand.u32 $0x1, s1  }
0x8c: {  	s17 =	sshll.u32 s0, $0xA;
	s2 =	sadd.s32 s3, s2  }
0x8d: {  	s2 =	sadd.s32 s2, s17  }
0x8e: {  	[smem:$0x3FBB] =	sst s2  }
0x8f: {  	_ = 	snop  }
0x90: {  	s2 =	sld [smem:$0x3FD0];
	(tm) =	ssettm $0x1  }
0x91: {  	s18 =	sld [smem:$0x3FFB];
	_ =	sdelay $0x3  }
0x92: {  	_ =	strace s18  }
0x93: {  	s3 =	sld [smem:$0x3FFC];
	_ =	sdelay $0x3  }
0x94: {  	_ =	strace s3  }
0x95: {  	s3 =	sld [smem:$0x3FFD];
	_ =	sdelay $0x3  }
0x96: {  	_ =	strace s3  }
0x97: {  	_ =	strace $0x8FFFFFFF  }
0x98: {  	s19 =	sld [smem:$0x3FDB];
	_ =	sdelay $0x1  }
0x99: {  	s4 =	simm.s32 $_scs_section_size  }
0x9a: {  	s5 =	simm.s32 $_size__tile_overlayer_lowered;
	s6 =	simm.s32 $_tile_overlayer_lowered  }
0x9b: {  	s22 =	simm.s32 $0x1BFF;
	s21 =	sshll.u32 s6, $0x1;
	s3 =	sadd.s32 s4, s19  }
0x9c: {  	s7 =	simm.s32 $0x0;
	s20 =	sshll.u32 s5, $0x1;
	s5 =	sadd.s32 s21, s3  }
0x9d: {  	[timem:s7], [sflag:s22] =	dma.local [hbm:s5], s20  }
0x9e: {  	_ =	swait.ge [sflag:s22], s20  }
0x9f: {  	s4 =	ssub.s32 $0x0, s20;
	[sflag:s22] =	ssyncset.done $0x0  }
0xa0: {  	[sflag:s22] =	ssyncadd.s32 s4;
	_ =	sdelay $0x1  }
0xa1: {  	s23 =	simm.s32 $0x1B8B  }
0xa2: {  	_ =	swait.ge [sflag:s23], $0x1  }
0xa3: {  	[sflag:s23] =	ssyncset.done $0x0  }
0xa4: {  	s25 =	simm.s32 $0x1B8E;
	s24 =	sld [smem:$0x3FFE];
	[sflag:s23] =	ssyncadd.s32 $0xFFFFFFFF  }
0xa5: {  	s26 =	simm.s32 $execute0_lowered;
	[smem:$0x3FD2] =	sst s25  }
0xa6: {  	s5 =	sshll.u32 s26, $0x1;
	_ =	strace $0x80000049;
	[dreg:$0x1] =	wrdreg $0xFFFFFFFF  }
0xa7: {  	s28 =	simm.s32 $_size_execute0_lowered;
	s3 =	sadd.s32 s3, s5;
	[dreg:$0x0] =	wrdreg $0x0  }
0xa8: {  	s5 =	sshll.u32 s28, $0x1;
	[dreg:$0x2] =	wrdreg s3  }
0xa9: {  	[dreg:$0x3] =	wrdreg s5  }
0xaa: {  	[dreg:$0x4] =	wrdreg $0xC0  }
0xab: {  	_ =	task [dreg:s7], $0x5FFFF  }
0xac: {  	[dreg:$0x1] =	wrdreg $0xFFFFFFFF  }
0xad: {  	[dreg:$0x0] =	wrdreg $0x60  }
0xae: {  	[dreg:$0x2] =	wrdreg s2  }
0xaf: {  	[dreg:$0x3] =	wrdreg s24  }
0xb0: {  	[dreg:$0x4] =	wrdreg $0xA8000  }
0xb1: {  	[dreg:$0x5] =	wrdreg $0x9  }
0xb2: {  	_ =	task.clear_ibuf [dreg:s7], $0x6FFFF;
	_ =	strace $0x90000049  }
0xb3: {  	s29 =	simm.s32 $0x9;
	_ =	strace $0x8000004B  }
0xb4: {  	_ =	swait.ge [sflag:s29], $0x1  }
0xb5: {  	[sflag:s29] =	ssyncadd.s32 $0xFFFFFFFF  }
0xb6: {  	_ =	strace $0x9000004B  }
0xb7: {  	_ =	sfence  }
0xb8: {  	s30 =	sld [smem:$0x0];
	_ =	sdelay $0x2  }
0xb9: {  	s31 =	sshll.u32 s1, $0xD;
	s1 =	sshrl.u32 s1, $0x2  }
0xba: {  	s3 =	sand.u32 $0x4000, s31;
	s1 =	sadd.s32 s1, s30  }
0xbb: {  	s0 =	sor.u32 s3, s0;
	s1 =	sshll.u32 s1, $0x11  }
0xbc: {  	s0 =	sor.u32 s1, s0  }
0xbd: {  	s0 =	sadd.s32 $0x8F2B, s0  }
0xbe: {  	[sflag:s0] =	ssyncadd.remote.s32 $0x1  }
0xbf: {  	_ =	sfence.sel $0xFFFF  }
0xc0: {  	[dreg:$0x0] =	wrdreg $0xFFFFFFFF;
	(pc) =	sbr.abs _section_cstart, $3  }
0xc1: {  	[dreg:$0x1] =	wrdreg $0xFFFFFFFF  }
0xc2: {  	_ =	task.clear_ibuf [dreg:s7], $0x2FFFF;
	_ =	strace $0x9FFFFFFF  }
0xc3: {  	(tm) =	ssettm $0x7FFFFFFF  }
tec
execute0_lowered:
.L_overlay_start_1:
0x0: {  	(tag) =	ssettag $0x1  }
0x1: {  	s0 =	srdreg.scid;
	s5 =	stileid.u32  }
0x2: {  	s0 =	sand.u32 $0x1, s0;
	s9 =	smul.u32 $0x2800, s5  }
0x3: {  	s1 =	rddreg [dreg:$0x0];
	s8 =	sor.u32 $0x10, s5;
	s30 =	smul.u32 $0x138800, s0  }
0x4: {  	s2 =	rddreg [dreg:$0x1];
	s10 =	sor.u32 $0x20, s5;
	s11 =	smul.u32 $0x2800, s8  }
0x5: {  	s3 =	rddreg [dreg:$0x2];
	s12 =	sor.u32 $0x30, s5;
	s13 =	smul.u32 $0x2800, s10  }
0x6: {  	s6 =	simm.s32 $0x0;
	s14 =	sor.u32 $0x40, s5;
	s15 =	smul.u32 $0x2800, s12  }
0x7: {  	s4 =	sshll.u32 s5, $0x1;
	s16 =	sor.u32 $0x50, s5;
	s17 =	smul.u32 $0x2800, s14  }
0x8: {  	[smem:$0x7FF] =	sst s6;
	s19 =	sor.u32 $0x60, s5;
	s20 =	smul.u32 $0x2800, s16  }
0x9: {  	s24 =	sadd.s32 $0x3600, s2;
	s25 =	sadd.s32 $0x17600, s2;
	s21 =	smul.u32 $0x2800, s19  }
0xa: {  	s2 =	sadd.s32 $0x2B600, s2;
	p1 =	sgt.u32 s5, $0xC;
	s8 =	smul.u32 $0xA000, s8  }
0xb: {  	s4 =	sor.u32 s0, s4;
	s0 =	ssub.s32 $0x2, s0;
	s10 =	smul.u32 $0xA000, s10  }
0xc: {  	_ =	strace $0x8000004A;
	s23 =	smul.u32 $0x5000, s4;
	s18 =	sshrl.u32 s0, $0x1  }
0xd: {  	s0 =	ssub.s32 s0, s18;
	s18 =	sor.u32 $0x70, s5;
	s9 =	sadd.s32 s30, s9  }
0xe: {  	s11 =	sadd.s32 s30, s11;
	s13 =	sadd.s32 s30, s13;
	s15 =	sadd.s32 s30, s15  }
0xf: {  	s17 =	sadd.s32 s30, s17;
	s20 =	sadd.s32 s30, s20;
	s21 =	sadd.s32 s30, s21  }
0x10: {  	s22 =	smul.u32 $0x2800, s18;
	[dreg:$0x5] =	wrdreg s23;
	s9 =	sshrl.u32 s9, $0x3  }
0x11: {  	s7 =	sshrl.u32 s11, $0x3;
	s26 =	sshrl.u32 s15, $0x3;
	s6 =	sshrl.u32 s20, $0x3  }
0x12: {  	s0 =	smax.u32 s0, $0x1;
	s31 =	sadd.s32 s2, s9;
	s11 =	sadd.s32 s2, s7  }
0x13: {  	s29 =	sadd.s32 s2, s26;
	s7 =	sshrl.u32 s21, $0x3;
	[dreg:$0x10] =	wrdreg s0  }
0x14: {  	s9 =	sadd.s32 s2, s6;
	s21 =	smul.u32 $0xA000, s12;
	[dreg:$0x6] =	wrdreg s31  }
0x15: {  	s6 =	smov.u32 s25;
	s26 =	smul.u32 $0xA000, s19;
	[dreg:$0x7] =	wrdreg s11  }
0x16: {  	s4 =	sadd.s32 s30, s22;
	s22 =	sshrl.u32 s23, $0x3;
	[dreg:$0x9] =	wrdreg s29  }
0x17: {  	s23 =	sshrl.u32 s13, $0x3;
	s30 =	sshrl.u32 s17, $0x3;
	[dreg:$0xb] =	wrdreg s9  }
0x18: {  	s13 =	sadd.s32 s2, s7;
	s7 =	smov.u32 s24;
	s17 =	smul.u32 $0xA000, s5  }
0x19: {  	s28 =	sadd.s32 s2, s23;
	s31 =	sadd.s32 s2, s30;
	[dreg:$0xc] =	wrdreg s13  }
0x1a: {  	s4 =	sshrl.u32 s4, $0x3;
	s15 =	sadd.s32 s24, s22;
	[dreg:$0x8] =	wrdreg s28  }
0x1b: {  	s20 =	sadd.s32 s25, s22;
	s23 =	smul.u32 $0xA000, s14;
	[dreg:$0xa] =	wrdreg s31  }
0x1c: {  	s22 =	sshrl.u32 s8, $0x2;
	s24 =	smul.u32 $0xA000, s16;
	[dreg:$0xe] =	wrdreg s15  }
0x1d: {  	s25 =	sshrl.u32 s10, $0x2;
	s2 =	sadd.s32 s2, s4;
	[dreg:$0xf] =	wrdreg s20  }
0x1e: {  	s0 =	sshrl.u32 s21, $0x2;
	s12 =	sadd.s32 s22, s3;
	[dreg:$0xd] =	wrdreg s2  }
0x1f: {  	s30 =	sshrl.u32 s26, $0x2;
	s13 =	sadd.s32 s25, s3;
	[dreg:$0x12] =	wrdreg s12  }
0x20: {  	s28 =	smul.u32 $0xA000, s18;
	s14 =	sadd.s32 s0, s3;
	[dreg:$0x13] =	wrdreg s13  }
0x21: {  	s10 =	sadd.s32 s30, s3;
	s2 =	sshrl.u32 s17, $0x2;
	[dreg:$0x14] =	wrdreg s14  }
0x22: {  	s8 =	sshrl.u32 s23, $0x2;
	[dreg:$0x17] =	wrdreg s10;
	s11 =	sadd.s32 s2, s3  }
0x23: {  	s29 =	sshrl.u32 s24, $0x2;
	s8 =	sadd.s32 s8, s3;
	[dreg:$0x11] =	wrdreg s11  }
0x24: {  	s31 =	sshrl.u32 s28, $0x2;
	s9 =	sadd.s32 s29, s3;
	[dreg:$0x15] =	wrdreg s8  }
0x25: {  	p0 =	sgt.u32 s18, $0x7C;
	s15 =	sadd.s32 s31, s3;
	[dreg:$0x16] =	wrdreg s9  }
0x26: {  	v0 =	vimm.f32 $0.0e+00;
	s16 =	simm.s32 $0xA;
	s4 =	simm.s32 $0x0;
	[dreg:$0x18] =	wrdreg s15  }
.LBB2_1:
0x27: {  	[dreg:$0x19] =	wrdreg s4;
	s0 =	simm.s32 $0x70;
	s4 =	simm.s32 $0x3C0  }
.LBB2_2:
0x28: {  	p2 =	sne.s32 s4, $0x9FC0;
	[tilespmem:s0+$0x3000] =	vst v0  }
0x29: {  	[tilespmem:s0+$0x2F90] =	vst v0  }
0x2a: {  	[tilespmem:s0+$0x2FA0] =	vst v0  }
.Ltmp0:
0x2b: {  	[tilespmem:s0+$0x2FB0] =	vst v0;
	(pc) =	sbr.rel @p2 .LBB2_2-.Ltmp0, $4  }
0x2c: {  	[tilespmem:s0+$0x2FC0] =	vst v0  }
0x2d: {  	[tilespmem:s0+$0x2FD0] =	vst v0  }
0x2e: {  	[tilespmem:s0+$0x2FE0] =	vst v0  }
0x2f: {  	[tilespmem:s0+$0x2FF0] =	vst v0;
	s0 =	sshra.s32 s4, $0x2;
	s4 =	sadd.s32 $0x200, s4  }
0x30: {  	[tilespmem:s0+$0x3000] =	vst v0  }
0x31: {  	[tilespmem:s0+$0x2F90] =	vst v0  }
0x32: {  	[tilespmem:s0+$0x2FA0] =	vst v0  }
0x33: {  	[tilespmem:s0+$0x2FB0] =	vst v0  }
0x34: {  	[tilespmem:s0+$0x2FC0] =	vst v0  }
0x35: {  	[tilespmem:s0+$0x2FD0] =	vst v0  }
0x36: {  	[tilespmem:s0+$0x2FE0] =	vst v0  }
0x37: {  	[tilespmem:s0+$0x2FF0] =	vst v0;
	s19 =	simm.s32 $0x3000  }
0x38: {  	[spmem:s11] =	stream.linear.scatter [tilespmem:s19], [sflag:$0xA], $0x2800, $0x38;
	[tilespmem:$0x1E080] =	vst v63  }
0x39: {  	_ = 	snop  }
0x3a: {  	[spmem:s12] =	stream.linear.scatter [tilespmem:s19], [sflag:$0xA], $0x2800, $0x38;
	[tilespmem:$0x1E080] =	vst v63  }
0x3b: {  	_ = 	snop  }
0x3c: {  	[spmem:s13] =	stream.linear.scatter [tilespmem:s19], [sflag:$0xA], $0x2800, $0x38;
	[tilespmem:$0x1E080] =	vst v63  }
0x3d: {  	_ = 	snop  }
0x3e: {  	[spmem:s14] =	stream.linear.scatter [tilespmem:s19], [sflag:$0xA], $0x2800, $0x38;
	[tilespmem:$0x1E080] =	vst v63  }
0x3f: {  	_ = 	snop  }
0x40: {  	[spmem:s8] =	stream.linear.scatter [tilespmem:s19], [sflag:$0xA], $0x2800, $0x38;
	[tilespmem:$0x1E080] =	vst v63  }
0x41: {  	_ = 	snop  }
0x42: {  	[spmem:s9] =	stream.linear.scatter [tilespmem:s19], [sflag:$0xA], $0x2800, $0x38;
	[tilespmem:$0x1E080] =	vst v63  }
0x43: {  	_ = 	snop  }
0x44: {  	[spmem:s10] =	stream.linear.scatter [tilespmem:s19], [sflag:$0xA], $0x2800, $0x38;
	[tilespmem:$0x1E080] =	vst v63  }
0x45: {  	s0 =	simm.s32 @!p0 $0x3000  }
0x46: {  	[spmem:s15] =	stream.linear.scatter @!p0 [tilespmem:s0], [sflag:$0xA], $0x2800, $0x38;
	[tilespmem:$0x1E080] =	vst v63  }
0x47: {  	s20 =	simm.s32 $0x0;
	s2 =	rddreg [dreg:$0xe];
	s4 =	simm.s32 $0xB  }
0x48: {  	[tilespmem:s20], [sflag:$0xB] =	stream.linear.gather [hbm4b:s2+s20], $0xC80, $0x38;
	[tilespmem:$0x1E080] =	vst v63  }
0x49: {  	_ =	swait.ge [sflag:s4], $0xC80  }
0x4a: {  	[sflag:s4] =	ssyncset.done $0x0  }
0x4b: {  	s5 =	simm.s32 $0x1000;
	s21 =	rddreg [dreg:$0xf];
	[sflag:s4] =	ssyncadd.s32 $0xFFFFF380  }
0x4c: {  	[tilespmem:s5], [sflag:$0xB] =	stream.linear.gather [hbm4b:s21+s20], $0xC80, $0x38;
	[tilespmem:$0x1E080] =	vst v63  }
0x4d: {  	_ =	swait.ge [sflag:s4], $0xC80  }
0x4e: {  	s22 =	simm.s32 $0x28;
	[sflag:s4] =	ssyncset.done $0x0  }
0x4f: {  	s23 =	simm.s32 $0x80;
	s24 =	simm.s32 $0x5800;
	[sflag:s4] =	ssyncadd.s32 $0xFFFFF380  }
0x50: {  	[tilespmem:s24], [sflag:$0x3] =	stream.indirect.gather [hbm4b:s1+s22], $0x80, s23, s22, $0xb8;
	[tilespmem:$0x1E080] =	vst v63  }
0x51: {  	s25 =	simm.s32 $0xA8;
	s26 =	simm.s32 $0x6C00  }
0x52: {  	[tilespmem:s26], [sflag:$0x4] =	stream.indirect.gather [hbm4b:s1+s22], $0x80, s25, s22, $0xb8;
	[tilespmem:$0x1E080] =	vst v63  }
0x53: {  	s28 =	simm.s32 $0x100;
	s29 =	simm.s32 $0x8000  }
0x54: {  	[tilespmem:s29], [sflag:$0x5] =	stream.indirect.gather [hbm4b:s1+s22], $0x80, s28, s22, $0xb8;
	[tilespmem:$0x1E080] =	vst v63  }
0x55: {  	s30 =	simm.s32 $0x128;
	s31 =	simm.s32 $0x9400  }
0x56: {  	[tilespmem:s31], [sflag:$0x6] =	stream.indirect.gather [hbm4b:s1+s22], $0x80, s30, s22, $0xb8;
	[tilespmem:$0x1E080] =	vst v63  }
0x57: {  	_ =	swait.ge [sflag:s16], $0x2800  }
0x58: {  	[sflag:s16] =	ssyncset.done $0x0  }
0x59: {  	[sflag:s16] =	ssyncadd.s32 $0xFFFFD800  }
0x5a: {  	_ =	swait.ge [sflag:s16], $0x2800  }
0x5b: {  	[sflag:s16] =	ssyncset.done $0x0  }
0x5c: {  	[sflag:s16] =	ssyncadd.s32 $0xFFFFD800  }
0x5d: {  	_ =	swait.ge [sflag:s16], $0x2800  }
0x5e: {  	[sflag:s16] =	ssyncset.done $0x0  }
0x5f: {  	[sflag:s16] =	ssyncadd.s32 $0xFFFFD800  }
0x60: {  	_ =	swait.ge [sflag:s16], $0x2800  }
0x61: {  	[sflag:s16] =	ssyncset.done $0x0  }
0x62: {  	[sflag:s16] =	ssyncadd.s32 $0xFFFFD800  }
0x63: {  	_ =	swait.ge [sflag:s16], $0x2800  }
0x64: {  	[sflag:s16] =	ssyncset.done $0x0  }
0x65: {  	[sflag:s16] =	ssyncadd.s32 $0xFFFFD800  }
0x66: {  	_ =	swait.ge [sflag:s16], $0x2800  }
0x67: {  	[sflag:s16] =	ssyncset.done $0x0  }
0x68: {  	[sflag:s16] =	ssyncadd.s32 $0xFFFFD800  }
0x69: {  	_ =	swait.ge [sflag:s16], $0x2800  }
0x6a: {  	[sflag:s16] =	ssyncset.done $0x0  }
0x6b: {  	s0 =	simm.s32 @!p1 $0xA;
	[sflag:s16] =	ssyncadd.s32 $0xFFFFD800  }
0x6c: {  	_ =	swait.ge @!p1 [sflag:s0], $0x2800  }
0x6d: {  	[sflag:s0] =	ssyncset.done @!p1 $0x0  }
0x6e: {  	s9 =	simm.s32 $0x0;
	s10 =	simm.s32 $0x3000;
	[sflag:s0] =	ssyncadd.s32 @!p1 $0xFFFFD800  }
0x6f: {  	[tilespmem:s10], [sflag:$0x1] =	stream.indirect.gather [hbm4b:s1+s22], $0x80, s9, s22, $0xb8;
	[tilespmem:$0x1E080] =	vst v63  }
0x70: {  	s11 =	simm.s32 $0x4400;
	s12 =	simm.s32 $0x4;
	s13 =	simm.s32 $0xFFFFFFFD  }
0x71: {  	[tilespmem:s11], [sflag:$0x2] =	stream.indirect.gather [hbm4b:s1+s22], $0x80, s22, s22, $0xb8;
	[tilespmem:$0x1E080] =	vst v63  }
0x72: {  	s14 =	simm.s32 $0x1;
	s15 =	simm.s32 $0x0;
	[bflag:$0x0] =	sbarrier.arrive $0xFFFF  }
.LBB2_4:
0x73: {  	p3 =	seq.s32 s15, $0x0  }
0x74: {  	s2 =	rddreg [dreg:$0x5];
	s0 =	sshll.u32 @!p3 s15, $0xC  }
0x75: {  	s0 =	sadd.s32 @!p3 s2, s0  }
0x76: {  	p2 =	por $0x1, $0x1;
	s0 =	sshrl.u32 @!p3 s0, $0x3  }
0x77: {  	s25 =	smulhi.u32 $0xAAAAAAAB, s13;
	s16 =	simm.s32 @!p3 $0x0;
	s4 =	sadd.s32 @!p3 s7, s0  }
0x78: {  	[tilespmem:s16], [sflag:$0xB] =	stream.linear.gather @!p3 [hbm4b:s4+s16], $0xC80, $0x38;
	[tilespmem:$0x1E080] =	vst v63  }
0x79: {  	s31 =	smulhi.u32 $0xAAAAAAAB, s9;
	s17 =	sshll.u32 @!p3 s15, $0xE;
	s4 =	simm.s32 @!p3 $0xB  }
0x7a: {  	s30 =	sadd.s32 $0x2800, s10;
	s17 =	sand.u32 @!p3 $0x4000, s17;
	_ =	swait.ge @!p3 [sflag:s4], $0xC80  }
0x7b: {  	s18 =	sshrl.u32 @!p3 s17, $0x2;
	s17 =	simm.s32 @p3 $0x0;
	[sflag:s4] =	ssyncset.done @!p3 $0x0  }
0x7c: {  	s18 =	sadd.s32 @!p3 $0x1000, s18;
	s0 =	sadd.s32 @!p3 s6, s0;
	[sflag:s4] =	ssyncadd.s32 @!p3 $0xFFFFF380  }
0x7d: {  	[tilespmem:s18], [sflag:$0xB] =	stream.linear.gather @!p3 [hbm4b:s0+s16], $0xC80, $0x38;
	[tilespmem:$0x1E080] =	vst v63  }
0x7e: {  	s29 =	sshrl.u32 s25, $0x1;
	s26 =	sshrl.u32 s17, $0x2;
	s0 =	sadd.s32 @!p2 $0x0, s9  }
0x7f: {  	s28 =	sadd.s32 $0xF00, s26;
	s0 =	sadd.s32 @!p2 $0xFFFFFFFE, s0;
	p2 =	por p2, p2  }
0x80: {  	_ =	swait.ge @!p3 [sflag:s4], $0xC80;
	s17 =	smulhi.u32 @!p2 $0x55555556, s0;
	s19 =	sshra.s32 @!p2 s0, $0x1F  }
0x81: {  	s16 =	simm.s32 $0x1;
	[sflag:s4] =	ssyncset.done @!p3 $0x0;
	s19 =	smul.u32 @!p2 $0x55555556, s19  }
0x82: {  	s18 =	sshrl.u32 s31, $0x1;
	[sflag:s4] =	ssyncadd.s32 @!p3 $0xFFFFF380;
	s4 =	smul.u32 $0xFFFFFFF4, s29  }
0x83: {  	p3 =	por $0x0, $0x0;
	s17 =	sadd.s32 @!p2 s19, s17;
	s19 =	sadd.s32 $0x0, s9  }
0x84: {  	[dreg:$0x4] =	wrdreg s28;
	p4 =	slt.u32 @!p3 s19, $0x3;
	s19 =	smul.u32 $0xFFFFFFE8, s18  }
0x85: {  	s4 =	sshra.s32 s4, $0x2;
	s20 =	sshrl.u32 @!p2 s17, $0x1F;
	s18 =	smul.u32 $0xFFFE2000, s18  }
0x86: {  	s4 =	sadd.s32 s4, s12;
	s17 =	sadd.s32 @!p2 s20, s17;
	p3 =	por p4, p3  }
0x87: {  	s17 =	smul.u32 @!p2 $0x3, s17;
	s20 =	simm.s32 @!p3 $0x0;
	s18 =	sshra.s32 s18, $0x2  }
0x88: {  	s21 =	simm.s32 @!p3 $0x28;
	_ =	swait.ge @!p3 [sflag:s4], $0x2800;
	s23 =	sadd.s32 s18, s10  }
0x89: {  	[sflag:s4] =	ssyncset.done @!p3 $0x0;
	s18 =	sadd.s32 s18, s11;
	s0 =	ssub.s32 @!p2 s0, s17  }
0x8a: {  	s17 =	sshra.s32 @!p3 s19, $0x2;
	[sflag:s4] =	ssyncadd.s32 @!p3 $0xFFFFD800;
	s19 =	sshll.u32 @!p2 s0, $0x3  }
0x8b: {  	s22 =	smul.u32 @!p2 $0xA000, s0;
	s17 =	sadd.s32 @!p3 s17, s14;
	s19 =	sshra.s32 @!p2 s19, $0x2  }
0x8c: {  	[tilespmem:s23], [sflag:s17] =	stream.indirect.gather @!p3 [hbm4b:s1+s21], $0x80, s20, s21, $0xb8;
	[tilespmem:$0x1E080] =	vst v63  }
0x8d: {  	s4 =	simm.s32 @!p3 $0x28;
	s17 =	sadd.s32 @!p3 $0x1, s17;
	s20 =	sor.u32 @!p2 $0x1, s19  }
0x8e: {  	s23 =	sshra.s32 @!p2 s22, $0x2;
	s22 =	sadd.s32 @!p2 $0x7, s0;
	s24 =	sadd.s32 @!p2 $0x2, s19  }
0x8f: {  	[tilespmem:s18], [sflag:s17] =	stream.indirect.gather @!p3 [hbm4b:s1+s21], $0x80, s4, s21, $0xb8;
	[tilespmem:$0x1E080] =	vst v63  }
0x90: {  	s0 =	sadd.s32 $0x2, s14;
	s19 =	sadd.s32 $0x1, s13;
	_ =	swait.ge @!p2 [sflag:s20], $0x1400  }
0x91: {  	s23 =	sadd.s32 @!p2 $0x3000, s23;
	s17 =	sadd.s32 $0x2800, s11;
	[sflag:s20] =	ssyncset.done @!p2 $0x0  }
0x92: {  	s18 =	sadd.s32 $0x1, s9;
	s4 =	sadd.s32 $0x1, s12;
	[sflag:s20] =	ssyncadd.s32 @!p2 $0xFFFFEC00  }
0x93: {  	s21 =	simm.s32 $0x0;
	s20 =	simm.s32 $0x0;
	_ =	swait.ge @!p2 [sflag:s24], $0x1400  }
.LBB2_5:
0x94: {  	s25 =	rddreg [dreg:$0x4]  }
0x95: {  	s20 =	sadd.s32 $0x200, s20;
	s26 =	smov.u32 s16;
	s16 =	sadd.s32 $0x1, s16  }
0x96: {  	[sflag:s24] =	ssyncset.done @!p2 $0x0;
	s21 =	sshra.s32 @!p2 s21, $0x2;
	s5 =	smulhi.u32 $0xAAAAAAAB, s19  }
0x97: {  	s8 =	smulhi.u32 $0xAAAAAAAB, s18;
	s18 =	sadd.s32 $0x1, s18;
	p4 =	slt.u32 s26, $0x2  }
0x98: {  	[sflag:s24] =	ssyncadd.s32 @!p2 $0xFFFFEC00;
	s24 =	simm.s32 @!p2 $0x50;
	s25 =	sadd.s32 @!p2 s21, s25  }
0x99: {  	[spmem:s3] =	stream.indirect.scatter.add.f32 @!p2 [tilespmem:s23], [sflag:s22], $0x80, s25, s24, $0xb8;
	[tilespmem:$0x1E080] =	vst v63  }
0x9a: {  	s19 =	sadd.s32 $0x1, s19;
	s29 =	sadd.s32 @!p4 s26, s9;
	s22 =	sshrl.u32 s5, $0x1  }
0x9b: {  	p2 =	por p4, p4;
	s23 =	sadd.s32 @!p4 $0xFFFFFFFE, s29;
	s22 =	smul.u32 $0xFFFFFFF4, s22  }
0x9c: {  	s28 =	sshrl.u32 s8, $0x1;
	s24 =	smulhi.u32 @!p2 $0x55555556, s23;
	s25 =	sshra.s32 @!p2 s23, $0x1F  }
0x9d: {  	p4 =	sgt.u32 s26, $0x18;
	s26 =	sadd.s32 s26, s9;
	s25 =	smul.u32 @!p2 $0x55555556, s25  }
0x9e: {  	p3 =	sne.s32 s16, $0x1B;
	p5 =	slt.u32 @!p4 s26, $0x3;
	s26 =	smul.u32 $0xFFFE2000, s28  }
0x9f: {  	s22 =	sshra.s32 s22, $0x2;
	p4 =	por p5, p4;
	s24 =	sadd.s32 @!p2 s25, s24  }
0xa0: {  	s22 =	sadd.s32 s22, s4;
	s29 =	sshra.s32 @!p4 s20, $0x2;
	s25 =	sshrl.u32 @!p2 s24, $0x1F  }
0xa1: {  	s31 =	simm.s32 @!p4 $0x28;
	s24 =	sadd.s32 @!p2 s25, s24;
	s25 =	smul.u32 $0xFFFFFFE8, s28  }
0xa2: {  	s26 =	sshra.s32 s26, $0x2;
	_ =	swait.ge @!p4 [sflag:s22], $0x2800;
	s24 =	smul.u32 @!p2 $0x3, s24  }
0xa3: {  	s8 =	sadd.s32 s26, s30;
	s26 =	sadd.s32 s26, s17;
	s2 =	sadd.s32 @!p4 $0x28, s29  }
0xa4: {  	[sflag:s22] =	ssyncset.done @!p4 $0x0;
	s23 =	ssub.s32 @!p2 s23, s24;
	s24 =	sshra.s32 @!p4 s25, $0x2  }
0xa5: {  	[sflag:s22] =	ssyncadd.s32 @!p4 $0xFFFFD800;
	s25 =	sshll.u32 @!p2 s23, $0x3;
	s24 =	sadd.s32 @!p4 s24, s0  }
0xa6: {  	[tilespmem:s8], [sflag:s24] =	stream.indirect.gather @!p4 [hbm4b:s1+s31], $0x80, s29, s31, $0xb8;
	[tilespmem:$0x1E080] =	vst v63  }
0xa7: {  	s28 =	smul.u32 @!p2 $0xA000, s23;
	s25 =	sshra.s32 @!p2 s25, $0x2;
	s5 =	sadd.s32 @!p4 $0x1, s24  }
0xa8: {  	[tilespmem:s26], [sflag:s5] =	stream.indirect.gather @!p4 [hbm4b:s1+s31], $0x80, s2, s31, $0xb8;
	[tilespmem:$0x1E080] =	vst v63  }
.Ltmp1:
0xa9: {  	s21 =	smov.u32 s20;
	s8 =	sor.u32 @!p2 $0x1, s25;
	(pc) =	sbr.rel @p3 .LBB2_5-.Ltmp1, $4  }
0xaa: {  	s4 =	sadd.s32 $0x1, s4;
	s17 =	sadd.s32 $0x2800, s17;
	_ =	swait.ge @!p2 [sflag:s8], $0x1400  }
0xab: {  	s22 =	sadd.s32 @!p2 $0x7, s23;
	s24 =	sshra.s32 @!p2 s28, $0x2;
	[sflag:s8] =	ssyncset.done @!p2 $0x0  }
0xac: {  	s23 =	sadd.s32 @!p2 $0x3000, s24;
	s24 =	sadd.s32 @!p2 $0x2, s25;
	[sflag:s8] =	ssyncadd.s32 @!p2 $0xFFFFEC00  }
0xad: {  	s30 =	sadd.s32 $0x2800, s30;
	s0 =	sadd.s32 $0x2, s0;
	_ =	swait.ge @!p2 [sflag:s24], $0x1400  }
0xae: {  	s0 =	rddreg [dreg:$0x4]  }
0xaf: {  	[sflag:s24] =	ssyncset.done @!p2 $0x0;
	s2 =	sshra.s32 @!p2 s21, $0x2;
	s4 =	simm.s32 @!p2 $0x50  }
0xb0: {  	s15 =	sadd.s32 $0x1, s15;
	[sflag:s24] =	ssyncadd.s32 @!p2 $0xFFFFEC00;
	s0 =	sadd.s32 @!p2 s2, s0  }
0xb1: {  	[spmem:s3] =	stream.indirect.scatter.add.f32 @!p2 [tilespmem:s23], [sflag:s22], $0x80, s0, s4, $0xb8;
	[tilespmem:$0x1E080] =	vst v63  }
0xb2: {  	p2 =	sne.s32 s15, $0x5  }
.Ltmp2:
0xb3: {  	_ = 	snop;
	(pc) =	sbr.rel @p2 .LBB2_4-.Ltmp2, $3  }
0xb4: {  	_ =	sdelay $0x1  }
0xb5: {  	s12 =	sadd.s32 $0x19, s12;
	s13 =	sadd.s32 $0x19, s13;
	s14 =	sadd.s32 $0x32, s14  }
0xb6: {  	s9 =	sadd.s32 $0x19, s9;
	s10 =	sadd.s32 $0x3E800, s10;
	s11 =	sadd.s32 $0x3E800, s11  }
0xb7: {  	s0 =	simm.s32 $0x9  }
0xb8: {  	_ =	swait.ge [sflag:s0], $0x2800  }
0xb9: {  	[sflag:s0] =	ssyncset.done $0x0  }
0xba: {  	s20 =	simm.s32 $0x7;
	[sflag:s0] =	ssyncadd.s32 $0xFFFFD800  }
0xbb: {  	_ =	swait.ge [sflag:s20], $0x2800  }
0xbc: {  	[sflag:s20] =	ssyncset.done $0x0  }
0xbd: {  	s21 =	simm.s32 $0x8;
	[sflag:s20] =	ssyncadd.s32 $0xFFFFD800  }
0xbe: {  	_ =	swait.ge [sflag:s21], $0x2800  }
0xbf: {  	[sflag:s21] =	ssyncset.done $0x0  }
0xc0: {  	[sflag:s21] =	ssyncadd.s32 $0xFFFFD800  }
0xc1: {  	s22 =	stileid.u32;
	[bflag:$0x0] =	sbarrier.arrive $0xFFFF  }
0xc2: {  	s0 =	sshll.u32 s22, $0x6;
	s11 =	rddreg [dreg:$0x11]  }
0xc3: {  	s0 =	sor.u32 $0x1C0A, s0;
	s4 =	rddreg [dreg:$0x6];
	s2 =	sshrl.u32 s11, $0x3  }
0xc4: {  	[hbm:s4], [sflag:s0] =	dma.local [spmem:s2], $0x500  }
0xc5: {  	s12 =	rddreg [dreg:$0x12]  }
0xc6: {  	s4 =	rddreg [dreg:$0x7];
	s23 =	sshrl.u32 s12, $0x3  }
0xc7: {  	[hbm:s4], [sflag:s0] =	dma.local [spmem:s23], $0x500  }
0xc8: {  	s13 =	rddreg [dreg:$0x13]  }
0xc9: {  	s4 =	rddreg [dreg:$0x8];
	s24 =	sshrl.u32 s13, $0x3  }
0xca: {  	[hbm:s4], [sflag:s0] =	dma.local [spmem:s24], $0x500  }
0xcb: {  	s14 =	rddreg [dreg:$0x14]  }
0xcc: {  	s4 =	rddreg [dreg:$0x9];
	s25 =	sshrl.u32 s14, $0x3  }
0xcd: {  	[hbm:s4], [sflag:s0] =	dma.local [spmem:s25], $0x500  }
0xce: {  	s8 =	rddreg [dreg:$0x15]  }
0xcf: {  	s4 =	rddreg [dreg:$0xa];
	s26 =	sshrl.u32 s8, $0x3  }
0xd0: {  	[hbm:s4], [sflag:s0] =	dma.local [spmem:s26], $0x500  }
0xd1: {  	s9 =	rddreg [dreg:$0x16]  }
0xd2: {  	s4 =	rddreg [dreg:$0xb];
	s28 =	sshrl.u32 s9, $0x3  }
0xd3: {  	[hbm:s4], [sflag:s0] =	dma.local [spmem:s28], $0x500  }
0xd4: {  	s10 =	rddreg [dreg:$0x17]  }
0xd5: {  	s4 =	rddreg [dreg:$0xc];
	s29 =	sshrl.u32 s10, $0x3  }
0xd6: {  	[hbm:s4], [sflag:s0] =	dma.local [spmem:s29], $0x500  }
0xd7: {  	s15 =	rddreg [dreg:$0x18]  }
0xd8: {  	s16 =	simm.s32 $0xA;
	s4 =	rddreg [dreg:$0xd];
	s2 =	sshrl.u32 @!p0 s15, $0x3  }
0xd9: {  	[hbm:s4], [sflag:s0] =	dma.local @!p0 [spmem:s2], $0x500  }
0xda: {  	_ =	swait.ge [sflag:s16], $0x500  }
0xdb: {  	[sflag:s16] =	ssyncset.done $0x0  }
0xdc: {  	[sflag:s16] =	ssyncadd.s32 $0xFFFFFB00  }
0xdd: {  	_ =	swait.ge [sflag:s16], $0x500  }
0xde: {  	[sflag:s16] =	ssyncset.done $0x0  }
0xdf: {  	[sflag:s16] =	ssyncadd.s32 $0xFFFFFB00  }
0xe0: {  	_ =	swait.ge [sflag:s16], $0x500  }
0xe1: {  	[sflag:s16] =	ssyncset.done $0x0  }
0xe2: {  	[sflag:s16] =	ssyncadd.s32 $0xFFFFFB00  }
0xe3: {  	_ =	swait.ge [sflag:s16], $0x500  }
0xe4: {  	[sflag:s16] =	ssyncset.done $0x0  }
0xe5: {  	[sflag:s16] =	ssyncadd.s32 $0xFFFFFB00  }
0xe6: {  	_ =	swait.ge [sflag:s16], $0x500  }
0xe7: {  	[sflag:s16] =	ssyncset.done $0x0  }
0xe8: {  	[sflag:s16] =	ssyncadd.s32 $0xFFFFFB00  }
0xe9: {  	_ =	swait.ge [sflag:s16], $0x500  }
0xea: {  	[sflag:s16] =	ssyncset.done $0x0  }
0xeb: {  	[sflag:s16] =	ssyncadd.s32 $0xFFFFFB00  }
0xec: {  	_ =	swait.ge [sflag:s16], $0x500  }
0xed: {  	[sflag:s16] =	ssyncset.done $0x0  }
0xee: {  	s0 =	simm.s32 @!p1 $0xA;
	[sflag:s16] =	ssyncadd.s32 $0xFFFFFB00  }
0xef: {  	_ =	swait.ge @!p1 [sflag:s0], $0x500  }
0xf0: {  	s30 =	rddreg [dreg:$0x19]  }
0xf1: {  	s31 =	rddreg [dreg:$0x10];
	s4 =	sadd.s32 $0x1, s30  }
0xf2: {  	p2 =	sne.s32 s4, s31  }
.Ltmp3:
0xf3: {  	_ = 	snop;
	(pc) =	sbr.rel @p2 .LBB2_1-.Ltmp3, $3  }
0xf4: {  	_ =	sdelay $0x1  }
0xf5: {  	[sflag:s0] =	ssyncset.done @!p1 $0x0  }
0xf6: {  	[sflag:s0] =	ssyncadd.s32 @!p1 $0xFFFFFB00  }
0xf7: {  	_ =	sfence.sel $0x180000  }
0xf8: {  	[bflag:$0x0] =	sbarrier.arrive $0xFFFF  }
0xf9: {  	_ =	strace $0x9000004A  }
0xfa: {  	s0 =	stileid.u32;
	[bflag:$0x2] =	sbarrier.arrive $0xFFFF  }
0xfb: {  	p0 =	sne.s32 s0, $0x0;
	s0 =	rddreg [dreg:$0x3]  }
0xfc: {  	s0 =	sadd.s32 @!p0 $0x100000, s0  }
0xfd: {  	[sflag:s0] =	ssyncadd.tile.s32 @!p0 $0x1;
	_ =	shalt  }
.Lfunc_end2:
_tile_overlayer_lowered:
.L_overlay_start_2:
0xfe: {  	(tag) =	ssettag $0x2  }
0xff: {  	s0 =	rddreg [dreg:$0x0];
	s2 =	stileid.u32  }
0x100: {  	s1 =	rddreg [dreg:$0x1];
	p0 =	sne.s32 s2, $0x0  }
0x101: {  	s3 =	rddreg [dreg:$0x2];
	[bflag:$0x3] =	sbarrier.arrive $0xFFFF;
	s2 =	simm.s32 @!p0 $0x1C0B  }
0x102: {  	[timem:s3], [sflag:s2] =	dma.local @!p0 [hbm:s0], s1  }
0x103: {  	s0 =	simm.s32 @!p0 $0xB  }
0x104: {  	_ =	swait.ge @!p0 [sflag:s0], s1  }
0x105: {  	s1 =	ssub.s32 @!p0 $0x0, s1;
	[sflag:s0] =	ssyncset.done @!p0 $0x0  }
0x106: {  	[sflag:s0] =	ssyncadd.s32 @!p0 s1  }
0x107: {  	[bflag:$0x3] =	sbarrier.arrive $0xFFFF  }
0x108: {  	_ =	shalt  }

// kernel: kernel.16.cloned.1.call-start
scs
__scs_entry_jumppad:
0x0: {  	(pc) =	sbr.rel $0x88, $3  }
0x1: {  	(tag) =	ssettag $0x0;
	lr =	simm.s32 $0x1  }
0x2: {  	[smem:$0x3F94] =	sst lr;
	_ =	strace $0xD0000000  }
0x3: {  	_ = 	snop  }
0x4: {  	_ = 	snop  }
0x5: {  	_ = 	snop  }
0x6: {  	_ = 	snop  }
0x7: {  	_ = 	snop  }
__scs_overlays_trampoline_lowered:
0x8: {  	[smem:$0x3FA3] =	sst s0  }
0x9: {  	[smem:$0x3FA4] =	sst s1  }
0xa: {  	[smem:$0x3FA5] =	sst s2  }
0xb: {  	[smem:$0x3FA6] =	sst s3  }
0xc: {  	[smem:$0x3FA7] =	sst s4  }
0xd: {  	[smem:$0x3FA8] =	sst s5  }
0xe: {  	[smem:$0x3FA9] =	sst s6  }
0xf: {  	[smem:$0x3FAA] =	sst s7  }
0x10: {  	[smem:$0x3FAB] =	sst s8  }
0x11: {  	[smem:$0x3FAC] =	sst s9;
	s0 =	simm.s32 @!p0 $0x0  }
0x12: {  	s1 =	sld [smem:$0x3F92];
	s0 =	simm.s32 @p0 $0x1  }
0x13: {  	[smem:$0x3FAD] =	sst s0;
	s0 =	simm.s32 @!p1 $0x0  }
0x14: {  	s2 =	sld [smem:$0x3F91];
	s0 =	simm.s32 @p1 $0x1  }
0x15: {  	[smem:$0x3FAE] =	sst s0;
	s0 =	simm.s32 @!p2 $0x0  }
0x16: {  	s3 =	sld [smem:$0x3FDB];
	s0 =	simm.s32 @p2 $0x1  }
0x17: {  	s4 =	simm.s32 $0x1BF5;
	[smem:$0x3FB0] =	sst s0  }
0x18: {  	s0 =	sld [smem:$0x3F93];
	_ =	swait.ge [sflag:s4], $0x0  }
0x19: {  	s7 =	sld [smem:$0x3F94]  }
0x1a: {  	s8 =	sadd.s32 $0xFFFFE003, lr  }
0x1b: {  	s9 =	sadd.s32 $0xFFFFFEF7, lr;
	s5 =	simm.s32 $0xFFFFFFFF;
	p2 =	slt.u32 s8, $0xFFFFF086  }
0x1c: {  	p1 =	slt.u32 s9, $0xF7A;
	s5 =	simm.s32 @!p2 $0x0  }
0x1d: {  	s5 =	simm.s32 @p1 $0x1;
	p0 =	seq.s32 s7, s2  }
0x1e: {  	s7 =	smul.u32 @!p0 $0xF7A, s2;
	p2 =	seq.s32 @!p0 s5, $0x0  }
0x1f: {  	s9 =	smul.u32 $0xF7A, s1;
	s8 =	simm.s32 @!p0 $0x1BF5;
	p2 =	por !p2, p0  }
0x20: {  	[sflag:s8] =	ssyncset.s32 @!p0 $0xFFFFF086;
	s6 =	sadd.s32 @!p0 s3, s7;
	s7 =	simm.s32 @!p0 $0x108  }
0x21: {  	s3 =	sadd.s32 s3, s9;
	s6 =	sadd.s32 @!p0 $0x88, s6;
	s7 =	simm.s32 @p2 $0x1082  }
0x22: {  	[simem:s7], [sflag:s8] =	dma.local @!p0 [hbm:s6], $0xF7A  }
0x23: {  	s9 =	sor.u32 $0xD0000000, s2;
	s6 =	simm.s32 $0x108;
	_ =	swait.ge @!p0 [sflag:s8], $0x0  }
0x24: {  	s3 =	sadd.s32 $0x88, s3;
	s6 =	simm.s32 @!p1 $0x1082;
	[sflag:s4] =	ssyncset.s32 $0xFFFFF086  }
0x25: {  	[simem:s6], [sflag:s4] =	dma.local [hbm:s3], $0xF7A  }
0x26: {  	[smem:$0x3F94] =	sst s1;
	(tag) =	ssettag s2;
	_ =	strace s9  }
0x27: {  	s1 =	sld [smem:$0x3FA4]  }
0x28: {  	s2 =	sld [smem:$0x3FA5]  }
0x29: {  	s4 =	sld [smem:$0x3FA7]  }
0x2a: {  	p0 =	seq.s32 s5, $0x0;
	s5 =	sld [smem:$0x3FA8]  }
0x2b: {  	s6 =	sld [smem:$0x3FA9]  }
0x2c: {  	s7 =	sld [smem:$0x3FAA]  }
0x2d: {  	s3 =	simm.s32 $0x108;
	s8 =	sld [smem:$0x3FAB]  }
0x2e: {  	s3 =	simm.s32 @!p0 $0x1082;
	s9 =	sld [smem:$0x3FAC]  }
0x2f: {  	lr =	sadd.s32 s0, s3;
	s0 =	sld [smem:$0x3FA3]  }
0x30: {  	s3 =	sld [smem:$0x3FA6]  }
0x31: {  	[smem:$0x3FAF] =	sst s10  }
0x32: {  	s10 =	sld [smem:$0x3FAD];
	_ =	sdelay $0x3  }
0x33: {  	p0 =	seq.s32 s10, $0x1;
	s10 =	sld [smem:$0x3FAF];
	_ =	sdelay $0x3  }
0x34: {  	[smem:$0x3FAF] =	sst s10  }
0x35: {  	s10 =	sld [smem:$0x3FAE];
	_ =	sdelay $0x3  }
0x36: {  	p1 =	seq.s32 s10, $0x1;
	s10 =	sld [smem:$0x3FAF];
	_ =	sdelay $0x3  }
0x37: {  	[smem:$0x3FAF] =	sst s10  }
0x38: {  	s10 =	sld [smem:$0x3FB0]  }
0x39: {  	_ = 	snop;
	(pc) =	sbr.ind lr, $3  }
0x3a: {  	_ = 	snop  }
0x3b: {  	_ = 	snop  }
0x3c: {  	p2 =	seq.s32 s10, $0x1;
	s10 =	sld [smem:$0x3FAF]  }
0x3d: {  	_ =	shalt  }
0x3e: {  	_ =	shalt  }
0x3f: {  	_ =	shalt  }
0x40: {  	_ =	shalt  }
0x41: {  	_ =	shalt  }
0x42: {  	_ =	shalt  }
0x43: {  	_ =	shalt  }
0x44: {  	_ =	shalt  }
0x45: {  	_ =	shalt  }
0x46: {  	_ =	shalt  }
0x47: {  	_ =	shalt  }
0x48: {  	_ =	shalt  }
0x49: {  	_ =	shalt  }
0x4a: {  	_ =	shalt  }
0x4b: {  	_ =	shalt  }
0x4c: {  	_ =	shalt  }
0x4d: {  	_ =	shalt  }
0x4e: {  	_ =	shalt  }
0x4f: {  	_ =	shalt  }
0x50: {  	_ =	shalt  }
0x51: {  	_ =	shalt  }
0x52: {  	_ =	shalt  }
0x53: {  	_ =	shalt  }
0x54: {  	_ =	shalt  }
0x55: {  	_ =	shalt  }
0x56: {  	_ =	shalt  }
0x57: {  	_ =	shalt  }
0x58: {  	_ =	shalt  }
0x59: {  	_ =	shalt  }
0x5a: {  	_ =	shalt  }
0x5b: {  	_ =	shalt  }
0x5c: {  	_ =	shalt  }
0x5d: {  	_ =	shalt  }
0x5e: {  	_ =	shalt  }
0x5f: {  	_ =	shalt  }
0x60: {  	_ =	shalt  }
0x61: {  	_ =	shalt  }
0x62: {  	_ =	shalt  }
0x63: {  	_ =	shalt  }
0x64: {  	_ =	shalt  }
0x65: {  	_ =	shalt  }
0x66: {  	_ =	shalt  }
0x67: {  	_ =	shalt  }
0x68: {  	_ =	shalt  }
0x69: {  	_ =	shalt  }
0x6a: {  	_ =	shalt  }
0x6b: {  	_ =	shalt  }
0x6c: {  	_ =	shalt  }
0x6d: {  	_ =	shalt  }
0x6e: {  	_ =	shalt  }
0x6f: {  	_ =	shalt  }
0x70: {  	_ =	shalt  }
0x71: {  	_ =	shalt  }
0x72: {  	_ =	shalt  }
0x73: {  	_ =	shalt  }
0x74: {  	_ =	shalt  }
0x75: {  	_ =	shalt  }
0x76: {  	_ =	shalt  }
0x77: {  	_ =	shalt  }
0x78: {  	_ =	shalt  }
0x79: {  	_ =	shalt  }
0x7a: {  	_ =	shalt  }
0x7b: {  	_ =	shalt  }
0x7c: {  	_ =	shalt  }
0x7d: {  	_ =	shalt  }
0x7e: {  	_ =	shalt  }
0x7f: {  	_ =	shalt  }
0x80: {  	_ =	shalt  }
0x81: {  	_ =	shalt  }
0x82: {  	_ =	shalt  }
0x83: {  	_ =	shalt  }
0x84: {  	_ =	shalt  }
0x85: {  	_ =	shalt  }
0x86: {  	_ =	shalt  }
0x87: {  	_ =	shalt  }
.Lfunc_end0:
.L_simem_size_0:
called_computation.2_lowered:
.L_overlay_start_0:
0x88: {  	s2 =	sld [smem:$0x3FD9]  }
0x89: {  	s3 =	sld [smem:$0x3FFE];
	_ =	sdelay $0x1  }
0x8a: {  	s1 =	srdreg.scid  }
0x8b: {  	s0 =	sand.u32 $0x1, s1  }
0x8c: {  	s17 =	sshll.u32 s0, $0xA;
	s2 =	sadd.s32 s3, s2  }
0x8d: {  	s2 =	sadd.s32 s2, s17  }
0x8e: {  	[smem:$0x3FBB] =	sst s2  }
0x8f: {  	_ = 	snop  }
0x90: {  	s2 =	sld [smem:$0x3FD0];
	(tm) =	ssettm $0x1  }
0x91: {  	s18 =	sld [smem:$0x3FFB];
	_ =	sdelay $0x3  }
0x92: {  	_ =	strace s18  }
0x93: {  	s3 =	sld [smem:$0x3FFC];
	_ =	sdelay $0x3  }
0x94: {  	_ =	strace s3  }
0x95: {  	s3 =	sld [smem:$0x3FFD];
	_ =	sdelay $0x3  }
0x96: {  	_ =	strace s3  }
0x97: {  	_ =	strace $0x8FFFFFFF  }
0x98: {  	s19 =	sld [smem:$0x3FDB];
	_ =	sdelay $0x1  }
0x99: {  	s4 =	simm.s32 $_scs_section_size  }
0x9a: {  	s5 =	simm.s32 $_size__tile_overlayer_lowered;
	s6 =	simm.s32 $_tile_overlayer_lowered  }
0x9b: {  	s22 =	simm.s32 $0x1BFF;
	s21 =	sshll.u32 s6, $0x1;
	s3 =	sadd.s32 s4, s19  }
0x9c: {  	s7 =	simm.s32 $0x0;
	s20 =	sshll.u32 s5, $0x1;
	s5 =	sadd.s32 s21, s3  }
0x9d: {  	[timem:s7], [sflag:s22] =	dma.local [hbm:s5], s20  }
0x9e: {  	_ =	swait.ge [sflag:s22], s20  }
0x9f: {  	s4 =	ssub.s32 $0x0, s20;
	[sflag:s22] =	ssyncset.done $0x0  }
0xa0: {  	[sflag:s22] =	ssyncadd.s32 s4;
	_ =	sdelay $0x1  }
0xa1: {  	s23 =	simm.s32 $0x1B8B  }
0xa2: {  	_ =	swait.ge [sflag:s23], $0x1  }
0xa3: {  	[sflag:s23] =	ssyncset.done $0x0  }
0xa4: {  	s25 =	simm.s32 $0x1B8E;
	s24 =	sld [smem:$0x3FFE];
	[sflag:s23] =	ssyncadd.s32 $0xFFFFFFFF  }
0xa5: {  	s26 =	simm.s32 $execute0_lowered;
	[smem:$0x3FD2] =	sst s25  }
0xa6: {  	s5 =	sshll.u32 s26, $0x1;
	_ =	strace $0x8000004C;
	[dreg:$0x1] =	wrdreg $0xFFFFFFFF  }
0xa7: {  	s28 =	simm.s32 $_size_execute0_lowered;
	s3 =	sadd.s32 s3, s5;
	[dreg:$0x0] =	wrdreg $0x0  }
0xa8: {  	s5 =	sshll.u32 s28, $0x1;
	[dreg:$0x2] =	wrdreg s3  }
0xa9: {  	[dreg:$0x3] =	wrdreg s5  }
0xaa: {  	[dreg:$0x4] =	wrdreg $0xC0  }
0xab: {  	_ =	task [dreg:s7], $0x5FFFF  }
0xac: {  	[dreg:$0x1] =	wrdreg $0xFFFFFFFF  }
0xad: {  	[dreg:$0x0] =	wrdreg $0x60  }
0xae: {  	[dreg:$0x2] =	wrdreg s2  }
0xaf: {  	[dreg:$0x3] =	wrdreg s24  }
0xb0: {  	[dreg:$0x4] =	wrdreg $0xA8000  }
0xb1: {  	[dreg:$0x5] =	wrdreg $0x9  }
0xb2: {  	_ =	task.clear_ibuf [dreg:s7], $0x6FFFF;
	_ =	strace $0x9000004C  }
0xb3: {  	s29 =	simm.s32 $0x9;
	_ =	strace $0x8000004E  }
0xb4: {  	_ =	swait.ge [sflag:s29], $0x1  }
0xb5: {  	[sflag:s29] =	ssyncadd.s32 $0xFFFFFFFF  }
0xb6: {  	_ =	strace $0x9000004E  }
0xb7: {  	_ =	sfence  }
0xb8: {  	s30 =	sld [smem:$0x0];
	_ =	sdelay $0x2  }
0xb9: {  	s31 =	sshll.u32 s1, $0xD;
	s1 =	sshrl.u32 s1, $0x2  }
0xba: {  	s3 =	sand.u32 $0x4000, s31;
	s1 =	sadd.s32 s1, s30  }
0xbb: {  	s0 =	sor.u32 s3, s0;
	s1 =	sshll.u32 s1, $0x11  }
0xbc: {  	s0 =	sor.u32 s1, s0  }
0xbd: {  	s0 =	sadd.s32 $0x8F2B, s0  }
0xbe: {  	[sflag:s0] =	ssyncadd.remote.s32 $0x1  }
0xbf: {  	_ =	sfence.sel $0xFFFF  }
0xc0: {  	[dreg:$0x0] =	wrdreg $0xFFFFFFFF;
	(pc) =	sbr.abs _section_cstart, $3  }
0xc1: {  	[dreg:$0x1] =	wrdreg $0xFFFFFFFF  }
0xc2: {  	_ =	task.clear_ibuf [dreg:s7], $0x2FFFF;
	_ =	strace $0x9FFFFFFF  }
0xc3: {  	(tm) =	ssettm $0x7FFFFFFF  }
tec
execute0_lowered:
.L_overlay_start_1:
0x0: {  	(tag) =	ssettag $0x1  }
0x1: {  	s0 =	srdreg.scid;
	s5 =	stileid.u32  }
0x2: {  	s0 =	sand.u32 $0x1, s0;
	s9 =	smul.u32 $0x2800, s5  }
0x3: {  	s1 =	rddreg [dreg:$0x0];
	s8 =	sor.u32 $0x10, s5;
	s30 =	smul.u32 $0x138800, s0  }
0x4: {  	s2 =	rddreg [dreg:$0x1];
	s10 =	sor.u32 $0x20, s5;
	s11 =	smul.u32 $0x2800, s8  }
0x5: {  	s3 =	rddreg [dreg:$0x2];
	s12 =	sor.u32 $0x30, s5;
	s13 =	smul.u32 $0x2800, s10  }
0x6: {  	s6 =	simm.s32 $0x0;
	s14 =	sor.u32 $0x40, s5;
	s15 =	smul.u32 $0x2800, s12  }
0x7: {  	s4 =	sshll.u32 s5, $0x1;
	s16 =	sor.u32 $0x50, s5;
	s17 =	smul.u32 $0x2800, s14  }
0x8: {  	[smem:$0x7FF] =	sst s6;
	s19 =	sor.u32 $0x60, s5;
	s20 =	smul.u32 $0x2800, s16  }
0x9: {  	s24 =	sadd.s32 $0x3600, s2;
	s25 =	sadd.s32 $0x17600, s2;
	s21 =	smul.u32 $0x2800, s19  }
0xa: {  	s2 =	sadd.s32 $0x2B600, s2;
	p1 =	sgt.u32 s5, $0xC;
	s8 =	smul.u32 $0xA000, s8  }
0xb: {  	s4 =	sor.u32 s0, s4;
	s0 =	ssub.s32 $0x2, s0;
	s10 =	smul.u32 $0xA000, s10  }
0xc: {  	_ =	strace $0x8000004D;
	s23 =	smul.u32 $0x5000, s4;
	s18 =	sshrl.u32 s0, $0x1  }
0xd: {  	s0 =	ssub.s32 s0, s18;
	s18 =	sor.u32 $0x70, s5;
	s9 =	sadd.s32 s30, s9  }
0xe: {  	s11 =	sadd.s32 s30, s11;
	s13 =	sadd.s32 s30, s13;
	s15 =	sadd.s32 s30, s15  }
0xf: {  	s17 =	sadd.s32 s30, s17;
	s20 =	sadd.s32 s30, s20;
	s21 =	sadd.s32 s30, s21  }
0x10: {  	s22 =	smul.u32 $0x2800, s18;
	[dreg:$0x5] =	wrdreg s23;
	s9 =	sshrl.u32 s9, $0x3  }
0x11: {  	s7 =	sshrl.u32 s11, $0x3;
	s26 =	sshrl.u32 s15, $0x3;
	s6 =	sshrl.u32 s20, $0x3  }
0x12: {  	s0 =	smax.u32 s0, $0x1;
	s31 =	sadd.s32 s2, s9;
	s11 =	sadd.s32 s2, s7  }
0x13: {  	s29 =	sadd.s32 s2, s26;
	s7 =	sshrl.u32 s21, $0x3;
	[dreg:$0x10] =	wrdreg s0  }
0x14: {  	s9 =	sadd.s32 s2, s6;
	s21 =	smul.u32 $0xA000, s12;
	[dreg:$0x6] =	wrdreg s31  }
0x15: {  	s6 =	smov.u32 s25;
	s26 =	smul.u32 $0xA000, s19;
	[dreg:$0x7] =	wrdreg s11  }
0x16: {  	s4 =	sadd.s32 s30, s22;
	s22 =	sshrl.u32 s23, $0x3;
	[dreg:$0x9] =	wrdreg s29  }
0x17: {  	s23 =	sshrl.u32 s13, $0x3;
	s30 =	sshrl.u32 s17, $0x3;
	[dreg:$0xb] =	wrdreg s9  }
0x18: {  	s13 =	sadd.s32 s2, s7;
	s7 =	smov.u32 s24;
	s17 =	smul.u32 $0xA000, s5  }
0x19: {  	s28 =	sadd.s32 s2, s23;
	s31 =	sadd.s32 s2, s30;
	[dreg:$0xc] =	wrdreg s13  }
0x1a: {  	s4 =	sshrl.u32 s4, $0x3;
	s15 =	sadd.s32 s24, s22;
	[dreg:$0x8] =	wrdreg s28  }
0x1b: {  	s20 =	sadd.s32 s25, s22;
	s23 =	smul.u32 $0xA000, s14;
	[dreg:$0xa] =	wrdreg s31  }
0x1c: {  	s22 =	sshrl.u32 s8, $0x2;
	s24 =	smul.u32 $0xA000, s16;
	[dreg:$0xe] =	wrdreg s15  }
0x1d: {  	s25 =	sshrl.u32 s10, $0x2;
	s2 =	sadd.s32 s2, s4;
	[dreg:$0xf] =	wrdreg s20  }
0x1e: {  	s0 =	sshrl.u32 s21, $0x2;
	s12 =	sadd.s32 s22, s3;
	[dreg:$0xd] =	wrdreg s2  }
0x1f: {  	s30 =	sshrl.u32 s26, $0x2;
	s13 =	sadd.s32 s25, s3;
	[dreg:$0x12] =	wrdreg s12  }
0x20: {  	s28 =	smul.u32 $0xA000, s18;
	s14 =	sadd.s32 s0, s3;
	[dreg:$0x13] =	wrdreg s13  }
0x21: {  	s10 =	sadd.s32 s30, s3;
	s2 =	sshrl.u32 s17, $0x2;
	[dreg:$0x14] =	wrdreg s14  }
0x22: {  	s8 =	sshrl.u32 s23, $0x2;
	[dreg:$0x17] =	wrdreg s10;
	s11 =	sadd.s32 s2, s3  }
0x23: {  	s29 =	sshrl.u32 s24, $0x2;
	s8 =	sadd.s32 s8, s3;
	[dreg:$0x11] =	wrdreg s11  }
0x24: {  	s31 =	sshrl.u32 s28, $0x2;
	s9 =	sadd.s32 s29, s3;
	[dreg:$0x15] =	wrdreg s8  }
0x25: {  	p0 =	sgt.u32 s18, $0x7C;
	s15 =	sadd.s32 s31, s3;
	[dreg:$0x16] =	wrdreg s9  }
0x26: {  	v0 =	vimm.f32 $0.0e+00;
	s16 =	simm.s32 $0xA;
	s4 =	simm.s32 $0x0;
	[dreg:$0x18] =	wrdreg s15  }
.LBB2_1:
0x27: {  	[dreg:$0x19] =	wrdreg s4;
	s0 =	simm.s32 $0x70;
	s4 =	simm.s32 $0x3C0  }
.LBB2_2:
0x28: {  	p2 =	sne.s32 s4, $0x9FC0;
	[tilespmem:s0+$0x3000] =	vst v0  }
0x29: {  	[tilespmem:s0+$0x2F90] =	vst v0  }
0x2a: {  	[tilespmem:s0+$0x2FA0] =	vst v0  }
.Ltmp0:
0x2b: {  	[tilespmem:s0+$0x2FB0] =	vst v0;
	(pc) =	sbr.rel @p2 .LBB2_2-.Ltmp0, $4  }
0x2c: {  	[tilespmem:s0+$0x2FC0] =	vst v0  }
0x2d: {  	[tilespmem:s0+$0x2FD0] =	vst v0  }
0x2e: {  	[tilespmem:s0+$0x2FE0] =	vst v0  }
0x2f: {  	[tilespmem:s0+$0x2FF0] =	vst v0;
	s0 =	sshra.s32 s4, $0x2;
	s4 =	sadd.s32 $0x200, s4  }
0x30: {  	[tilespmem:s0+$0x3000] =	vst v0  }
0x31: {  	[tilespmem:s0+$0x2F90] =	vst v0  }
0x32: {  	[tilespmem:s0+$0x2FA0] =	vst v0  }
0x33: {  	[tilespmem:s0+$0x2FB0] =	vst v0  }
0x34: {  	[tilespmem:s0+$0x2FC0] =	vst v0  }
0x35: {  	[tilespmem:s0+$0x2FD0] =	vst v0  }
0x36: {  	[tilespmem:s0+$0x2FE0] =	vst v0  }
0x37: {  	[tilespmem:s0+$0x2FF0] =	vst v0;
	s19 =	simm.s32 $0x3000  }
0x38: {  	[spmem:s11] =	stream.linear.scatter [tilespmem:s19], [sflag:$0xA], $0x2800, $0x38;
	[tilespmem:$0x1E080] =	vst v63  }
0x39: {  	_ = 	snop  }
0x3a: {  	[spmem:s12] =	stream.linear.scatter [tilespmem:s19], [sflag:$0xA], $0x2800, $0x38;
	[tilespmem:$0x1E080] =	vst v63  }
0x3b: {  	_ = 	snop  }
0x3c: {  	[spmem:s13] =	stream.linear.scatter [tilespmem:s19], [sflag:$0xA], $0x2800, $0x38;
	[tilespmem:$0x1E080] =	vst v63  }
0x3d: {  	_ = 	snop  }
0x3e: {  	[spmem:s14] =	stream.linear.scatter [tilespmem:s19], [sflag:$0xA], $0x2800, $0x38;
	[tilespmem:$0x1E080] =	vst v63  }
0x3f: {  	_ = 	snop  }
0x40: {  	[spmem:s8] =	stream.linear.scatter [tilespmem:s19], [sflag:$0xA], $0x2800, $0x38;
	[tilespmem:$0x1E080] =	vst v63  }
0x41: {  	_ = 	snop  }
0x42: {  	[spmem:s9] =	stream.linear.scatter [tilespmem:s19], [sflag:$0xA], $0x2800, $0x38;
	[tilespmem:$0x1E080] =	vst v63  }
0x43: {  	_ = 	snop  }
0x44: {  	[spmem:s10] =	stream.linear.scatter [tilespmem:s19], [sflag:$0xA], $0x2800, $0x38;
	[tilespmem:$0x1E080] =	vst v63  }
0x45: {  	s0 =	simm.s32 @!p0 $0x3000  }
0x46: {  	[spmem:s15] =	stream.linear.scatter @!p0 [tilespmem:s0], [sflag:$0xA], $0x2800, $0x38;
	[tilespmem:$0x1E080] =	vst v63  }
0x47: {  	s20 =	simm.s32 $0x0;
	s2 =	rddreg [dreg:$0xe];
	s4 =	simm.s32 $0xB  }
0x48: {  	[tilespmem:s20], [sflag:$0xB] =	stream.linear.gather [hbm4b:s2+s20], $0xC80, $0x38;
	[tilespmem:$0x1E080] =	vst v63  }
0x49: {  	_ =	swait.ge [sflag:s4], $0xC80  }
0x4a: {  	[sflag:s4] =	ssyncset.done $0x0  }
0x4b: {  	s5 =	simm.s32 $0x1000;
	s21 =	rddreg [dreg:$0xf];
	[sflag:s4] =	ssyncadd.s32 $0xFFFFF380  }
0x4c: {  	[tilespmem:s5], [sflag:$0xB] =	stream.linear.gather [hbm4b:s21+s20], $0xC80, $0x38;
	[tilespmem:$0x1E080] =	vst v63  }
0x4d: {  	_ =	swait.ge [sflag:s4], $0xC80  }
0x4e: {  	s22 =	simm.s32 $0x28;
	[sflag:s4] =	ssyncset.done $0x0  }
0x4f: {  	s23 =	simm.s32 $0x80;
	s24 =	simm.s32 $0x5800;
	[sflag:s4] =	ssyncadd.s32 $0xFFFFF380  }
0x50: {  	[tilespmem:s24], [sflag:$0x3] =	stream.indirect.gather [hbm4b:s1+s22], $0x80, s23, s22, $0xb8;
	[tilespmem:$0x1E080] =	vst v63  }
0x51: {  	s25 =	simm.s32 $0xA8;
	s26 =	simm.s32 $0x6C00  }
0x52: {  	[tilespmem:s26], [sflag:$0x4] =	stream.indirect.gather [hbm4b:s1+s22], $0x80, s25, s22, $0xb8;
	[tilespmem:$0x1E080] =	vst v63  }
0x53: {  	s28 =	simm.s32 $0x100;
	s29 =	simm.s32 $0x8000  }
0x54: {  	[tilespmem:s29], [sflag:$0x5] =	stream.indirect.gather [hbm4b:s1+s22], $0x80, s28, s22, $0xb8;
	[tilespmem:$0x1E080] =	vst v63  }
0x55: {  	s30 =	simm.s32 $0x128;
	s31 =	simm.s32 $0x9400  }
0x56: {  	[tilespmem:s31], [sflag:$0x6] =	stream.indirect.gather [hbm4b:s1+s22], $0x80, s30, s22, $0xb8;
	[tilespmem:$0x1E080] =	vst v63  }
0x57: {  	_ =	swait.ge [sflag:s16], $0x2800  }
0x58: {  	[sflag:s16] =	ssyncset.done $0x0  }
0x59: {  	[sflag:s16] =	ssyncadd.s32 $0xFFFFD800  }
0x5a: {  	_ =	swait.ge [sflag:s16], $0x2800  }
0x5b: {  	[sflag:s16] =	ssyncset.done $0x0  }
0x5c: {  	[sflag:s16] =	ssyncadd.s32 $0xFFFFD800  }
0x5d: {  	_ =	swait.ge [sflag:s16], $0x2800  }
0x5e: {  	[sflag:s16] =	ssyncset.done $0x0  }
0x5f: {  	[sflag:s16] =	ssyncadd.s32 $0xFFFFD800  }
0x60: {  	_ =	swait.ge [sflag:s16], $0x2800  }
0x61: {  	[sflag:s16] =	ssyncset.done $0x0  }
0x62: {  	[sflag:s16] =	ssyncadd.s32 $0xFFFFD800  }
0x63: {  	_ =	swait.ge [sflag:s16], $0x2800  }
0x64: {  	[sflag:s16] =	ssyncset.done $0x0  }
0x65: {  	[sflag:s16] =	ssyncadd.s32 $0xFFFFD800  }
0x66: {  	_ =	swait.ge [sflag:s16], $0x2800  }
0x67: {  	[sflag:s16] =	ssyncset.done $0x0  }
0x68: {  	[sflag:s16] =	ssyncadd.s32 $0xFFFFD800  }
0x69: {  	_ =	swait.ge [sflag:s16], $0x2800  }
0x6a: {  	[sflag:s16] =	ssyncset.done $0x0  }
0x6b: {  	s0 =	simm.s32 @!p1 $0xA;
	[sflag:s16] =	ssyncadd.s32 $0xFFFFD800  }
0x6c: {  	_ =	swait.ge @!p1 [sflag:s0], $0x2800  }
0x6d: {  	[sflag:s0] =	ssyncset.done @!p1 $0x0  }
0x6e: {  	s9 =	simm.s32 $0x0;
	s10 =	simm.s32 $0x3000;
	[sflag:s0] =	ssyncadd.s32 @!p1 $0xFFFFD800  }
0x6f: {  	[tilespmem:s10], [sflag:$0x1] =	stream.indirect.gather [hbm4b:s1+s22], $0x80, s9, s22, $0xb8;
	[tilespmem:$0x1E080] =	vst v63  }
0x70: {  	s11 =	simm.s32 $0x4400;
	s12 =	simm.s32 $0x4;
	s13 =	simm.s32 $0xFFFFFFFD  }
0x71: {  	[tilespmem:s11], [sflag:$0x2] =	stream.indirect.gather [hbm4b:s1+s22], $0x80, s22, s22, $0xb8;
	[tilespmem:$0x1E080] =	vst v63  }
0x72: {  	s14 =	simm.s32 $0x1;
	s15 =	simm.s32 $0x0;
	[bflag:$0x0] =	sbarrier.arrive $0xFFFF  }
.LBB2_4:
0x73: {  	p3 =	seq.s32 s15, $0x0  }
0x74: {  	s2 =	rddreg [dreg:$0x5];
	s0 =	sshll.u32 @!p3 s15, $0xC  }
0x75: {  	s0 =	sadd.s32 @!p3 s2, s0  }
0x76: {  	p2 =	por $0x1, $0x1;
	s0 =	sshrl.u32 @!p3 s0, $0x3  }
0x77: {  	s25 =	smulhi.u32 $0xAAAAAAAB, s13;
	s16 =	simm.s32 @!p3 $0x0;
	s4 =	sadd.s32 @!p3 s7, s0  }
0x78: {  	[tilespmem:s16], [sflag:$0xB] =	stream.linear.gather @!p3 [hbm4b:s4+s16], $0xC80, $0x38;
	[tilespmem:$0x1E080] =	vst v63  }
0x79: {  	s31 =	smulhi.u32 $0xAAAAAAAB, s9;
	s17 =	sshll.u32 @!p3 s15, $0xE;
	s4 =	simm.s32 @!p3 $0xB  }
0x7a: {  	s30 =	sadd.s32 $0x2800, s10;
	s17 =	sand.u32 @!p3 $0x4000, s17;
	_ =	swait.ge @!p3 [sflag:s4], $0xC80  }
0x7b: {  	s18 =	sshrl.u32 @!p3 s17, $0x2;
	s17 =	simm.s32 @p3 $0x0;
	[sflag:s4] =	ssyncset.done @!p3 $0x0  }
0x7c: {  	s18 =	sadd.s32 @!p3 $0x1000, s18;
	s0 =	sadd.s32 @!p3 s6, s0;
	[sflag:s4] =	ssyncadd.s32 @!p3 $0xFFFFF380  }
0x7d: {  	[tilespmem:s18], [sflag:$0xB] =	stream.linear.gather @!p3 [hbm4b:s0+s16], $0xC80, $0x38;
	[tilespmem:$0x1E080] =	vst v63  }
0x7e: {  	s29 =	sshrl.u32 s25, $0x1;
	s26 =	sshrl.u32 s17, $0x2;
	s0 =	sadd.s32 @!p2 $0x0, s9  }
0x7f: {  	s28 =	sadd.s32 $0xF00, s26;
	s0 =	sadd.s32 @!p2 $0xFFFFFFFE, s0;
	p2 =	por p2, p2  }
0x80: {  	_ =	swait.ge @!p3 [sflag:s4], $0xC80;
	s17 =	smulhi.u32 @!p2 $0x55555556, s0;
	s19 =	sshra.s32 @!p2 s0, $0x1F  }
0x81: {  	s16 =	simm.s32 $0x1;
	[sflag:s4] =	ssyncset.done @!p3 $0x0;
	s19 =	smul.u32 @!p2 $0x55555556, s19  }
0x82: {  	s18 =	sshrl.u32 s31, $0x1;
	[sflag:s4] =	ssyncadd.s32 @!p3 $0xFFFFF380;
	s4 =	smul.u32 $0xFFFFFFF4, s29  }
0x83: {  	p3 =	por $0x0, $0x0;
	s17 =	sadd.s32 @!p2 s19, s17;
	s19 =	sadd.s32 $0x0, s9  }
0x84: {  	[dreg:$0x4] =	wrdreg s28;
	p4 =	slt.u32 @!p3 s19, $0x3;
	s19 =	smul.u32 $0xFFFFFFE8, s18  }
0x85: {  	s4 =	sshra.s32 s4, $0x2;
	s20 =	sshrl.u32 @!p2 s17, $0x1F;
	s18 =	smul.u32 $0xFFFE2000, s18  }
0x86: {  	s4 =	sadd.s32 s4, s12;
	s17 =	sadd.s32 @!p2 s20, s17;
	p3 =	por p4, p3  }
0x87: {  	s17 =	smul.u32 @!p2 $0x3, s17;
	s20 =	simm.s32 @!p3 $0x0;
	s18 =	sshra.s32 s18, $0x2  }
0x88: {  	s21 =	simm.s32 @!p3 $0x28;
	_ =	swait.ge @!p3 [sflag:s4], $0x2800;
	s23 =	sadd.s32 s18, s10  }
0x89: {  	[sflag:s4] =	ssyncset.done @!p3 $0x0;
	s18 =	sadd.s32 s18, s11;
	s0 =	ssub.s32 @!p2 s0, s17  }
0x8a: {  	s17 =	sshra.s32 @!p3 s19, $0x2;
	[sflag:s4] =	ssyncadd.s32 @!p3 $0xFFFFD800;
	s19 =	sshll.u32 @!p2 s0, $0x3  }
0x8b: {  	s22 =	smul.u32 @!p2 $0xA000, s0;
	s17 =	sadd.s32 @!p3 s17, s14;
	s19 =	sshra.s32 @!p2 s19, $0x2  }
0x8c: {  	[tilespmem:s23], [sflag:s17] =	stream.indirect.gather @!p3 [hbm4b:s1+s21], $0x80, s20, s21, $0xb8;
	[tilespmem:$0x1E080] =	vst v63  }
0x8d: {  	s4 =	simm.s32 @!p3 $0x28;
	s17 =	sadd.s32 @!p3 $0x1, s17;
	s20 =	sor.u32 @!p2 $0x1, s19  }
0x8e: {  	s23 =	sshra.s32 @!p2 s22, $0x2;
	s22 =	sadd.s32 @!p2 $0x7, s0;
	s24 =	sadd.s32 @!p2 $0x2, s19  }
0x8f: {  	[tilespmem:s18], [sflag:s17] =	stream.indirect.gather @!p3 [hbm4b:s1+s21], $0x80, s4, s21, $0xb8;
	[tilespmem:$0x1E080] =	vst v63  }
0x90: {  	s0 =	sadd.s32 $0x2, s14;
	s19 =	sadd.s32 $0x1, s13;
	_ =	swait.ge @!p2 [sflag:s20], $0x1400  }
0x91: {  	s23 =	sadd.s32 @!p2 $0x3000, s23;
	s17 =	sadd.s32 $0x2800, s11;
	[sflag:s20] =	ssyncset.done @!p2 $0x0  }
0x92: {  	s18 =	sadd.s32 $0x1, s9;
	s4 =	sadd.s32 $0x1, s12;
	[sflag:s20] =	ssyncadd.s32 @!p2 $0xFFFFEC00  }
0x93: {  	s21 =	simm.s32 $0x0;
	s20 =	simm.s32 $0x0;
	_ =	swait.ge @!p2 [sflag:s24], $0x1400  }
.LBB2_5:
0x94: {  	s25 =	rddreg [dreg:$0x4]  }
0x95: {  	s20 =	sadd.s32 $0x200, s20;
	s26 =	smov.u32 s16;
	s16 =	sadd.s32 $0x1, s16  }
0x96: {  	[sflag:s24] =	ssyncset.done @!p2 $0x0;
	s21 =	sshra.s32 @!p2 s21, $0x2;
	s5 =	smulhi.u32 $0xAAAAAAAB, s19  }
0x97: {  	s8 =	smulhi.u32 $0xAAAAAAAB, s18;
	s18 =	sadd.s32 $0x1, s18;
	p4 =	slt.u32 s26, $0x2  }
0x98: {  	[sflag:s24] =	ssyncadd.s32 @!p2 $0xFFFFEC00;
	s24 =	simm.s32 @!p2 $0x50;
	s25 =	sadd.s32 @!p2 s21, s25  }
0x99: {  	[spmem:s3] =	stream.indirect.scatter.add.f32 @!p2 [tilespmem:s23], [sflag:s22], $0x80, s25, s24, $0xb8;
	[tilespmem:$0x1E080] =	vst v63  }
0x9a: {  	s19 =	sadd.s32 $0x1, s19;
	s29 =	sadd.s32 @!p4 s26, s9;
	s22 =	sshrl.u32 s5, $0x1  }
0x9b: {  	p2 =	por p4, p4;
	s23 =	sadd.s32 @!p4 $0xFFFFFFFE, s29;
	s22 =	smul.u32 $0xFFFFFFF4, s22  }
0x9c: {  	s28 =	sshrl.u32 s8, $0x1;
	s24 =	smulhi.u32 @!p2 $0x55555556, s23;
	s25 =	sshra.s32 @!p2 s23, $0x1F  }
0x9d: {  	p4 =	sgt.u32 s26, $0x18;
	s26 =	sadd.s32 s26, s9;
	s25 =	smul.u32 @!p2 $0x55555556, s25  }
0x9e: {  	p3 =	sne.s32 s16, $0x1B;
	p5 =	slt.u32 @!p4 s26, $0x3;
	s26 =	smul.u32 $0xFFFE2000, s28  }
0x9f: {  	s22 =	sshra.s32 s22, $0x2;
	p4 =	por p5, p4;
	s24 =	sadd.s32 @!p2 s25, s24  }
0xa0: {  	s22 =	sadd.s32 s22, s4;
	s29 =	sshra.s32 @!p4 s20, $0x2;
	s25 =	sshrl.u32 @!p2 s24, $0x1F  }
0xa1: {  	s31 =	simm.s32 @!p4 $0x28;
	s24 =	sadd.s32 @!p2 s25, s24;
	s25 =	smul.u32 $0xFFFFFFE8, s28  }
0xa2: {  	s26 =	sshra.s32 s26, $0x2;
	_ =	swait.ge @!p4 [sflag:s22], $0x2800;
	s24 =	smul.u32 @!p2 $0x3, s24  }
0xa3: {  	s8 =	sadd.s32 s26, s30;
	s26 =	sadd.s32 s26, s17;
	s2 =	sadd.s32 @!p4 $0x28, s29  }
0xa4: {  	[sflag:s22] =	ssyncset.done @!p4 $0x0;
	s23 =	ssub.s32 @!p2 s23, s24;
	s24 =	sshra.s32 @!p4 s25, $0x2  }
0xa5: {  	[sflag:s22] =	ssyncadd.s32 @!p4 $0xFFFFD800;
	s25 =	sshll.u32 @!p2 s23, $0x3;
	s24 =	sadd.s32 @!p4 s24, s0  }
0xa6: {  	[tilespmem:s8], [sflag:s24] =	stream.indirect.gather @!p4 [hbm4b:s1+s31], $0x80, s29, s31, $0xb8;
	[tilespmem:$0x1E080] =	vst v63  }
0xa7: {  	s28 =	smul.u32 @!p2 $0xA000, s23;
	s25 =	sshra.s32 @!p2 s25, $0x2;
	s5 =	sadd.s32 @!p4 $0x1, s24  }
0xa8: {  	[tilespmem:s26], [sflag:s5] =	stream.indirect.gather @!p4 [hbm4b:s1+s31], $0x80, s2, s31, $0xb8;
	[tilespmem:$0x1E080] =	vst v63  }
.Ltmp1:
0xa9: {  	s21 =	smov.u32 s20;
	s8 =	sor.u32 @!p2 $0x1, s25;
	(pc) =	sbr.rel @p3 .LBB2_5-.Ltmp1, $4  }
0xaa: {  	s4 =	sadd.s32 $0x1, s4;
	s17 =	sadd.s32 $0x2800, s17;
	_ =	swait.ge @!p2 [sflag:s8], $0x1400  }
0xab: {  	s22 =	sadd.s32 @!p2 $0x7, s23;
	s24 =	sshra.s32 @!p2 s28, $0x2;
	[sflag:s8] =	ssyncset.done @!p2 $0x0  }
0xac: {  	s23 =	sadd.s32 @!p2 $0x3000, s24;
	s24 =	sadd.s32 @!p2 $0x2, s25;
	[sflag:s8] =	ssyncadd.s32 @!p2 $0xFFFFEC00  }
0xad: {  	s30 =	sadd.s32 $0x2800, s30;
	s0 =	sadd.s32 $0x2, s0;
	_ =	swait.ge @!p2 [sflag:s24], $0x1400  }
0xae: {  	s0 =	rddreg [dreg:$0x4]  }
0xaf: {  	[sflag:s24] =	ssyncset.done @!p2 $0x0;
	s2 =	sshra.s32 @!p2 s21, $0x2;
	s4 =	simm.s32 @!p2 $0x50  }
0xb0: {  	s15 =	sadd.s32 $0x1, s15;
	[sflag:s24] =	ssyncadd.s32 @!p2 $0xFFFFEC00;
	s0 =	sadd.s32 @!p2 s2, s0  }
0xb1: {  	[spmem:s3] =	stream.indirect.scatter.add.f32 @!p2 [tilespmem:s23], [sflag:s22], $0x80, s0, s4, $0xb8;
	[tilespmem:$0x1E080] =	vst v63  }
0xb2: {  	p2 =	sne.s32 s15, $0x5  }
.Ltmp2:
0xb3: {  	_ = 	snop;
	(pc) =	sbr.rel @p2 .LBB2_4-.Ltmp2, $3  }
0xb4: {  	_ =	sdelay $0x1  }
0xb5: {  	s12 =	sadd.s32 $0x19, s12;
	s13 =	sadd.s32 $0x19, s13;
	s14 =	sadd.s32 $0x32, s14  }
0xb6: {  	s9 =	sadd.s32 $0x19, s9;
	s10 =	sadd.s32 $0x3E800, s10;
	s11 =	sadd.s32 $0x3E800, s11  }
0xb7: {  	s0 =	simm.s32 $0x9  }
0xb8: {  	_ =	swait.ge [sflag:s0], $0x2800  }
0xb9: {  	[sflag:s0] =	ssyncset.done $0x0  }
0xba: {  	s20 =	simm.s32 $0x7;
	[sflag:s0] =	ssyncadd.s32 $0xFFFFD800  }
0xbb: {  	_ =	swait.ge [sflag:s20], $0x2800  }
0xbc: {  	[sflag:s20] =	ssyncset.done $0x0  }
0xbd: {  	s21 =	simm.s32 $0x8;
	[sflag:s20] =	ssyncadd.s32 $0xFFFFD800  }
0xbe: {  	_ =	swait.ge [sflag:s21], $0x2800  }
0xbf: {  	[sflag:s21] =	ssyncset.done $0x0  }
0xc0: {  	[sflag:s21] =	ssyncadd.s32 $0xFFFFD800  }
0xc1: {  	s22 =	stileid.u32;
	[bflag:$0x0] =	sbarrier.arrive $0xFFFF  }
0xc2: {  	s0 =	sshll.u32 s22, $0x6;
	s11 =	rddreg [dreg:$0x11]  }
0xc3: {  	s0 =	sor.u32 $0x1C0A, s0;
	s4 =	rddreg [dreg:$0x6];
	s2 =	sshrl.u32 s11, $0x3  }
0xc4: {  	[hbm:s4], [sflag:s0] =	dma.local [spmem:s2], $0x500  }
0xc5: {  	s12 =	rddreg [dreg:$0x12]  }
0xc6: {  	s4 =	rddreg [dreg:$0x7];
	s23 =	sshrl.u32 s12, $0x3  }
0xc7: {  	[hbm:s4], [sflag:s0] =	dma.local [spmem:s23], $0x500  }
0xc8: {  	s13 =	rddreg [dreg:$0x13]  }
0xc9: {  	s4 =	rddreg [dreg:$0x8];
	s24 =	sshrl.u32 s13, $0x3  }
0xca: {  	[hbm:s4], [sflag:s0] =	dma.local [spmem:s24], $0x500  }
0xcb: {  	s14 =	rddreg [dreg:$0x14]  }
0xcc: {  	s4 =	rddreg [dreg:$0x9];
	s25 =	sshrl.u32 s14, $0x3  }
0xcd: {  	[hbm:s4], [sflag:s0] =	dma.local [spmem:s25], $0x500  }
0xce: {  	s8 =	rddreg [dreg:$0x15]  }
0xcf: {  	s4 =	rddreg [dreg:$0xa];
	s26 =	sshrl.u32 s8, $0x3  }
0xd0: {  	[hbm:s4], [sflag:s0] =	dma.local [spmem:s26], $0x500  }
0xd1: {  	s9 =	rddreg [dreg:$0x16]  }
0xd2: {  	s4 =	rddreg [dreg:$0xb];
	s28 =	sshrl.u32 s9, $0x3  }
0xd3: {  	[hbm:s4], [sflag:s0] =	dma.local [spmem:s28], $0x500  }
0xd4: {  	s10 =	rddreg [dreg:$0x17]  }
0xd5: {  	s4 =	rddreg [dreg:$0xc];
	s29 =	sshrl.u32 s10, $0x3  }
0xd6: {  	[hbm:s4], [sflag:s0] =	dma.local [spmem:s29], $0x500  }
0xd7: {  	s15 =	rddreg [dreg:$0x18]  }
0xd8: {  	s16 =	simm.s32 $0xA;
	s4 =	rddreg [dreg:$0xd];
	s2 =	sshrl.u32 @!p0 s15, $0x3  }
0xd9: {  	[hbm:s4], [sflag:s0] =	dma.local @!p0 [spmem:s2], $0x500  }
0xda: {  	_ =	swait.ge [sflag:s16], $0x500  }
0xdb: {  	[sflag:s16] =	ssyncset.done $0x0  }
0xdc: {  	[sflag:s16] =	ssyncadd.s32 $0xFFFFFB00  }
0xdd: {  	_ =	swait.ge [sflag:s16], $0x500  }
0xde: {  	[sflag:s16] =	ssyncset.done $0x0  }
0xdf: {  	[sflag:s16] =	ssyncadd.s32 $0xFFFFFB00  }
0xe0: {  	_ =	swait.ge [sflag:s16], $0x500  }
0xe1: {  	[sflag:s16] =	ssyncset.done $0x0  }
0xe2: {  	[sflag:s16] =	ssyncadd.s32 $0xFFFFFB00  }
0xe3: {  	_ =	swait.ge [sflag:s16], $0x500  }
0xe4: {  	[sflag:s16] =	ssyncset.done $0x0  }
0xe5: {  	[sflag:s16] =	ssyncadd.s32 $0xFFFFFB00  }
0xe6: {  	_ =	swait.ge [sflag:s16], $0x500  }
0xe7: {  	[sflag:s16] =	ssyncset.done $0x0  }
0xe8: {  	[sflag:s16] =	ssyncadd.s32 $0xFFFFFB00  }
0xe9: {  	_ =	swait.ge [sflag:s16], $0x500  }
0xea: {  	[sflag:s16] =	ssyncset.done $0x0  }
0xeb: {  	[sflag:s16] =	ssyncadd.s32 $0xFFFFFB00  }
0xec: {  	_ =	swait.ge [sflag:s16], $0x500  }
0xed: {  	[sflag:s16] =	ssyncset.done $0x0  }
0xee: {  	s0 =	simm.s32 @!p1 $0xA;
	[sflag:s16] =	ssyncadd.s32 $0xFFFFFB00  }
0xef: {  	_ =	swait.ge @!p1 [sflag:s0], $0x500  }
0xf0: {  	s30 =	rddreg [dreg:$0x19]  }
0xf1: {  	s31 =	rddreg [dreg:$0x10];
	s4 =	sadd.s32 $0x1, s30  }
0xf2: {  	p2 =	sne.s32 s4, s31  }
.Ltmp3:
0xf3: {  	_ = 	snop;
	(pc) =	sbr.rel @p2 .LBB2_1-.Ltmp3, $3  }
0xf4: {  	_ =	sdelay $0x1  }
0xf5: {  	[sflag:s0] =	ssyncset.done @!p1 $0x0  }
0xf6: {  	[sflag:s0] =	ssyncadd.s32 @!p1 $0xFFFFFB00  }
0xf7: {  	_ =	sfence.sel $0x180000  }
0xf8: {  	[bflag:$0x0] =	sbarrier.arrive $0xFFFF  }
0xf9: {  	_ =	strace $0x9000004D  }
0xfa: {  	s0 =	stileid.u32;
	[bflag:$0x2] =	sbarrier.arrive $0xFFFF  }
0xfb: {  	p0 =	sne.s32 s0, $0x0;
	s0 =	rddreg [dreg:$0x3]  }
0xfc: {  	s0 =	sadd.s32 @!p0 $0x100000, s0  }
0xfd: {  	[sflag:s0] =	ssyncadd.tile.s32 @!p0 $0x1;
	_ =	shalt  }
.Lfunc_end2:
_tile_overlayer_lowered:
.L_overlay_start_2:
0xfe: {  	(tag) =	ssettag $0x2  }
0xff: {  	s0 =	rddreg [dreg:$0x0];
	s2 =	stileid.u32  }
0x100: {  	s1 =	rddreg [dreg:$0x1];
	p0 =	sne.s32 s2, $0x0  }
0x101: {  	s3 =	rddreg [dreg:$0x2];
	[bflag:$0x3] =	sbarrier.arrive $0xFFFF;
	s2 =	simm.s32 @!p0 $0x1C0B  }
0x102: {  	[timem:s3], [sflag:s2] =	dma.local @!p0 [hbm:s0], s1  }
0x103: {  	s0 =	simm.s32 @!p0 $0xB  }
0x104: {  	_ =	swait.ge @!p0 [sflag:s0], s1  }
0x105: {  	s1 =	ssub.s32 @!p0 $0x0, s1;
	[sflag:s0] =	ssyncset.done @!p0 $0x0  }
0x106: {  	[sflag:s0] =	ssyncadd.s32 @!p0 s1  }
0x107: {  	[bflag:$0x3] =	sbarrier.arrive $0xFFFF  }
0x108: {  	_ =	shalt  }

</sc_bundles>
